<compile_context>
chip_gen: v7x
topology: tpu7x:2x2x1
jax: 0.10.2.dev20260603
libtpu: 0.0.44.dev20260713+nightly
codegen_flags: <defaults>
</compile_context>

<pallas_src>
import functools

import jax
import jax.numpy as jnp
from jax import lax
from jax.experimental import pallas as pl
from jax.experimental.pallas import tpu as pltpu
from jax.experimental.pallas import tpu_sc as plsc

NUM_ROWS = 1000000
DIM = 16
NFEAT = 26
NB = 16384

NUM_CORES = 2
NUM_SUBCORES = 16
NUM_WORKERS = NUM_CORES * NUM_SUBCORES

_mesh = plsc.VectorSubcoreMesh(
    core_axis_name="c", subcore_axis_name="s",
    num_cores=NUM_CORES, num_subcores=NUM_SUBCORES)

VCHUNK = 512
W_CHUNKS = 61
N_FULL = NUM_ROWS // VCHUNK
TAIL = NUM_ROWS - N_FULL * VCHUNK


@functools.partial(
    pl.kernel,
    out_type=jax.ShapeDtypeStruct((NUM_ROWS * DIM,), jnp.float32),
    mesh=_mesh,
    scratch_types=(
        pltpu.VMEM((DIM, VCHUNK), jnp.float32),
        pltpu.VMEM((DIM, VCHUNK), jnp.float32),
        pltpu.VMEM((VCHUNK * DIM,), jnp.float32),
        pltpu.VMEM((VCHUNK * DIM,), jnp.float32),
        pltpu.SemaphoreType.DMA,
        pltpu.SemaphoreType.DMA,
        pltpu.SemaphoreType.DMA,
        pltpu.SemaphoreType.DMA,
    ),
    compiler_params=pltpu.CompilerParams(needs_layout_passes=False),
)
def _relayout_kernel(tt_hbm, tail_hbm, out_hbm, in0, in1, r0, r1,
                     is0, is1, os0, os1):
    wid = lax.axis_index("s") * NUM_CORES + lax.axis_index("c")
    lane = lax.iota(jnp.int32, 16)
    start = wid * W_CHUNKS

    def start_in(i, buf, sem):
        pltpu.async_copy(
            tt_hbm.at[:, pl.ds((start + i) * VCHUNK, VCHUNK)], buf, sem)

    def wait_in(buf, sem):
        pltpu.make_async_copy(
            tt_hbm.at[:, pl.ds(0, VCHUNK)], buf, sem).wait()

    def start_out(i, buf, sem):
        pltpu.async_copy(
            buf, out_hbm.at[pl.ds((start + i) * (VCHUNK * DIM),
                                  VCHUNK * DIM)], sem)

    def wait_out(buf, sem):
        pltpu.make_async_copy(
            buf, out_hbm.at[pl.ds(0, VCHUNK * DIM)], sem).wait()

    def transpose(src, dst):
        def tr(v8, carry):
            base = jnp.full((16,), v8 * 8, jnp.int32)
            off = v8 * (8 * DIM)
            for u in range(8):
                row = plsc.load_gather(src, [lane, base + u])
                dst[pl.ds(off + u * DIM, DIM)] = row
            return carry

        lax.fori_loop(0, VCHUNK // 8, tr, 0, unroll=2)

    start_in(0, in0, is0)
    start_in(1, in1, is1)

    def body(k, carry):
        i0 = 2 * k

        wait_in(in0, is0)

        @pl.when(k > 0)
        def _():
            wait_out(r0, os0)

        transpose(in0, r0)
        start_out(i0, r0, os0)

        @pl.when(i0 + 2 <= W_CHUNKS - 1)
        def _():
            start_in(i0 + 2, in0, is0)

        wait_in(in1, is1)

        @pl.when(k > 0)
        def _():
            wait_out(r1, os1)

        transpose(in1, r1)
        start_out(i0 + 1, r1, os1)

        @pl.when(i0 + 3 <= W_CHUNKS - 1)
        def _():
            start_in(i0 + 3, in1, is1)

        return carry

    lax.fori_loop(0, W_CHUNKS // 2, body, 0)

    wait_in(in0, is0)
    wait_out(r0, os0)
    transpose(in0, r0)
    start_out(W_CHUNKS - 1, r0, os0)
    wait_out(r1, os1)
    wait_out(r0, os0)

    @pl.when(wid == NUM_WORKERS - 1)
    def _():
        pltpu.sync_copy(
            tt_hbm.at[:, pl.ds((N_FULL - 1) * VCHUNK, VCHUNK)], in0)
        transpose(in0, r0)
        pltpu.sync_copy(
            r0, out_hbm.at[pl.ds((N_FULL - 1) * (VCHUNK * DIM),
                                 VCHUNK * DIM)])
        pltpu.sync_copy(tail_hbm, r1.at[pl.ds(0, TAIL * DIM)])
        pltpu.sync_copy(r1.at[pl.ds(0, TAIL * DIM)],
                        out_hbm.at[pl.ds(N_FULL * VCHUNK * DIM, TAIL * DIM)])


B_PER_W = NB // NUM_WORKERS
BCHUNK = 64
NCHUNK = B_PER_W // BCHUNK
ROWS_PER_CHUNK = BCHUNK * NFEAT


@functools.partial(
    pl.kernel,
    out_type=jax.ShapeDtypeStruct((NFEAT, DIM, NB), jnp.float32),
    mesh=_mesh,
    scratch_types=(
        pltpu.VMEM((ROWS_PER_CHUNK,), jnp.int32),
        pltpu.VMEM((ROWS_PER_CHUNK, DIM), jnp.float32),
        pltpu.VMEM((NFEAT, DIM, BCHUNK), jnp.float32),
        pltpu.SemaphoreType.DMA,
    ),
    compiler_params=pltpu.CompilerParams(
        use_tc_tiling_on_sc=False, needs_layout_passes=False),
)
def _gather_kernel(xf_hbm, table_hbm, out_hbm, idx_v, rows_v, obuf, sem):
    wid = lax.axis_index("s") * NUM_CORES + lax.axis_index("c")
    base = wid * B_PER_W * NFEAT
    lane = lax.iota(jnp.int32, 16)
    lane_n = lane * NFEAT
    dsplat = [jnp.full((16,), d, jnp.int32) for d in range(DIM)]

    def chunk_body(c, carry):
        off = base + c * ROWS_PER_CHUNK
        pltpu.sync_copy(xf_hbm.at[pl.ds(off, ROWS_PER_CHUNK)], idx_v)
        pltpu.async_copy(table_hbm.at[idx_v], rows_v, sem).wait()

        def q_body(q, carry2):
            qbase = lane_n + q * (16 * NFEAT)

            def j_body(j, carry3):
                idx_r = qbase + j
                for d in range(DIM):
                    vals = plsc.load_gather(rows_v, [idx_r, dsplat[d]])
                    obuf[j, d, pl.ds(q * 16, 16)] = vals
                return carry3

            lax.fori_loop(0, NFEAT, j_body, 0, unroll=2)
            return carry2

        lax.fori_loop(0, BCHUNK // 16, q_body, 0)
        b0 = wid * B_PER_W + c * BCHUNK
        pltpu.sync_copy(obuf, out_hbm.at[:, :, pl.ds(b0, BCHUNK)])
        return carry

    lax.fori_loop(0, NCHUNK, chunk_body, 0)


def kernel(x, table):
    tail = table[N_FULL * VCHUNK:].reshape(-1)
    table_rm = _relayout_kernel(table.T, tail).reshape(NUM_ROWS, DIM)
    out_t = _gather_kernel(x.reshape(-1), table_rm)
    return jnp.transpose(out_t, (2, 0, 1))

# --- scband reference (transcript-rebuilt; emitter-appended) ---
"""Pipeline reference for scband-feature-embedder-4312147165857 (READ-ONLY COPY).

The authoritative reference and input builder live on the scoring server;
editing this copy changes nothing except your own understanding.
"""

import jax, jax.numpy as jnp
import numpy as np

NUM_EMBEDDINGS = 1000000
EMBEDDING_DIM = 16

def setup_inputs(seed: int = 0) -> dict:
    key = jax.random.key(seed)
    k1, k2 = jax.random.split(key)
    x = jax.random.randint(k1, (16384, 26), 0, NUM_EMBEDDINGS, dtype=jnp.int64 if jax.config.jax_enable_x64 else jnp.int32)
    table = jax.random.normal(k2, (NUM_EMBEDDINGS, EMBEDDING_DIM), dtype=jnp.float32)
    return {"x": x, "table": table}

def reference(x, table):
    # nn.Embedding forward: gather rows of the table by index
    return jnp.take(table, x, axis=0)

if __name__ == "__main__":
    import jax
    _d = setup_inputs()
    print(jax.jit(kernel)(*tuple(_d.values())))

</pallas_src>

<mosaic_0001>
#map = affine_map<(d0, d1) -> (0, 0)>
#map1 = affine_map<(d0, d1) -> (0)>
module attributes {stable_mosaic.version = 14 : i64} {
  func.func @_relayout_kernel(%arg0: i32, %arg1: i32, %arg2: memref<16x1000000xf32, #tpu.memory_space<hbm>>, %arg3: memref<1024xf32, #tpu.memory_space<hbm>>, %arg4: memref<16000000xf32, #tpu.memory_space<hbm>>, %arg5: memref<16x512xf32, #tpu.memory_space<vmem>>, %arg6: memref<16x512xf32, #tpu.memory_space<vmem>>, %arg7: memref<8192xf32, #tpu.memory_space<vmem>>, %arg8: memref<8192xf32, #tpu.memory_space<vmem>>, %arg9: memref<!tpu.dma_semaphore, #tpu.memory_space<semaphore_mem>>, %arg10: memref<!tpu.dma_semaphore, #tpu.memory_space<semaphore_mem>>, %arg11: memref<!tpu.dma_semaphore, #tpu.memory_space<semaphore_mem>>, %arg12: memref<!tpu.dma_semaphore, #tpu.memory_space<semaphore_mem>>) attributes {dimension_semantics = [#tpu.dimension_semantics<core_parallel>, #tpu.dimension_semantics<subcore_parallel>], iteration_bounds = array<i64: 2, 16>, scalar_prefetch = 0 : i64, scratch_operands = 8 : i64, tpu.core_type = #tpu.core_type<sc_vector_subcore>, window_params = [{transform_indices = #map}, {transform_indices = #map1}, {transform_indices = #map1}]} {
    %mul3A = arith.constant 2 : i32
    %mul3A_0 = arith.muli %arg1, %mul3A : i32
    %add3A = arith.addi %mul3A_0, %arg0 : i32
    %iota3A = tpu.iota {dimensions = array<i32: 0>} : vector<16xi32>
    %mul3A_1 = arith.constant 61 : i32
    %mul3A_2 = arith.muli %add3A, %mul3A_1 : i32
    %add3A_3 = arith.constant 0 : i32
    %add3A_4 = arith.addi %mul3A_2, %add3A_3 : i32
    %mul3A_5 = arith.constant 512 : i32
    %mul3A_6 = arith.muli %add3A_4, %mul3A_5 : i32
    %dma_start3A = arith.constant 0 : i32
    %dma_start3A_7 = tpu.memref_slice %arg2[%dma_start3A, %mul3A_6] : memref<16x1000000xf32, #tpu.memory_space<hbm>> -> memref<16x512xf32, #tpu.memory_space<hbm>>
    %dma_start3A_8 = arith.constant 0 : i32
    %dma_start3A_9 = tpu.memref_slice %arg2[%dma_start3A_8, %mul3A_6] : memref<16x1000000xf32, #tpu.memory_space<hbm>> -> memref<16x512xf32, #tpu.memory_space<hbm>>
    tpu.enqueue_dma source(%dma_start3A_9 : memref<16x512xf32, #tpu.memory_space<hbm>>) target(%arg5 : memref<16x512xf32, #tpu.memory_space<vmem>>) target_semaphore(%arg9 : memref<!tpu.dma_semaphore, #tpu.memory_space<semaphore_mem>>)
    %add3A_10 = arith.constant 1 : i32
    %add3A_11 = arith.addi %mul3A_2, %add3A_10 : i32
    %mul3A_12 = arith.constant 512 : i32
    %mul3A_13 = arith.muli %add3A_11, %mul3A_12 : i32
    %dma_start3A_14 = arith.constant 0 : i32
    %dma_start3A_15 = tpu.memref_slice %arg2[%dma_start3A_14, %mul3A_13] : memref<16x1000000xf32, #tpu.memory_space<hbm>> -> memref<16x512xf32, #tpu.memory_space<hbm>>
    %dma_start3A_16 = arith.constant 0 : i32
    %dma_start3A_17 = tpu.memref_slice %arg2[%dma_start3A_16, %mul3A_13] : memref<16x1000000xf32, #tpu.memory_space<hbm>> -> memref<16x512xf32, #tpu.memory_space<hbm>>
    tpu.enqueue_dma source(%dma_start3A_17 : memref<16x512xf32, #tpu.memory_space<hbm>>) target(%arg6 : memref<16x512xf32, #tpu.memory_space<vmem>>) target_semaphore(%arg10 : memref<!tpu.dma_semaphore, #tpu.memory_space<semaphore_mem>>)
    %scan3A = arith.constant 0 : i32
    %scan3A_18 = arith.constant 0 : i32
    %scan3A_19 = arith.constant 30 : i32
    %scan3A_20 = arith.addi %scan3A_18, %scan3A_19 : i32
    %scan3A_21 = arith.constant 1 : i32
    scf.for %scan3A_54 = %scan3A_18 to %scan3A_20 step %scan3A_21  : i32 {
      %mul3A_55 = arith.constant 2 : i32
      %mul3A_56 = arith.muli %mul3A_55, %scan3A_54 : i32
      %dma_wait3A_57 = arith.constant 0 : i32
      %dma_wait3A_58 = arith.constant 0 : i32
      %dma_wait3A_59 = tpu.memref_slice %arg2[%dma_wait3A_57, %dma_wait3A_58] : memref<16x1000000xf32, #tpu.memory_space<hbm>> -> memref<16x512xf32, #tpu.memory_space<hbm>>
      %dma_wait3A_60 = arith.constant 0 : i32
      %dma_wait3A_61 = arith.constant 0 : i32
      %dma_wait3A_62 = tpu.memref_slice %arg2[%dma_wait3A_60, %dma_wait3A_61] : memref<16x1000000xf32, #tpu.memory_space<hbm>> -> memref<16x512xf32, #tpu.memory_space<hbm>>
      tpu.wait_dma2 semaphore(%arg9 : memref<!tpu.dma_semaphore, #tpu.memory_space<semaphore_mem>>) src(%dma_wait3A_62 : memref<16x512xf32, #tpu.memory_space<hbm>>) dst(%arg5 : memref<16x512xf32, #tpu.memory_space<vmem>>)
      %gt3A = arith.constant 0 : i32
      %gt3A_63 = arith.cmpi sgt, %scan3A_54, %gt3A : i32
      %convert_element_type3A_64 = arith.extui %gt3A_63 : i1 to i32
      %cond3A_65 = arith.constant 0 : i32
      %cond3A_66 = arith.cmpi ne, %convert_element_type3A_64, %cond3A_65 : i32
      scf.if %cond3A_66 {
        %dma_wait3A_115 = arith.constant 0 : i32
        %dma_wait3A_116 = tpu.memref_slice %arg4[%dma_wait3A_115] : memref<16000000xf32, #tpu.memory_space<hbm>> -> memref<8192xf32, #tpu.memory_space<hbm>>
        %dma_wait3A_117 = arith.constant 0 : i32
        %dma_wait3A_118 = tpu.memref_slice %arg4[%dma_wait3A_117] : memref<16000000xf32, #tpu.memory_space<hbm>> -> memref<8192xf32, #tpu.memory_space<hbm>>
        tpu.wait_dma2 semaphore(%arg11 : memref<!tpu.dma_semaphore, #tpu.memory_space<semaphore_mem>>) src(%arg7 : memref<8192xf32, #tpu.memory_space<vmem>>) dst(%dma_wait3A_118 : memref<8192xf32, #tpu.memory_space<hbm>>)
      } else {
      }
      %scan3A_67 = arith.constant 0 : i32
      %scan3A_68 = arith.constant 0 : i32
      %scan3A_69 = arith.constant 64 : i32
      %scan3A_70 = arith.addi %scan3A_68, %scan3A_69 : i32
      %scan3A_71 = arith.constant 2 : i32
      scf.for %scan3A_115 = %scan3A_68 to %scan3A_70 step %scan3A_71  : i32 {
        %mul3A_116 = arith.constant 8 : i32
        %mul3A_117 = arith.muli %scan3A_115, %mul3A_116 : i32
        %broadcast_in_dim3A = vector.broadcast %mul3A_117 : i32 to vector<16xi32>
        %mul3A_118 = arith.constant 128 : i32
        %mul3A_119 = arith.muli %scan3A_115, %mul3A_118 : i32
        %add3A_120 = arith.constant 0 : i32
        %add3A_121 = vector.broadcast %add3A_120 : i32 to vector<16xi32>
        %add3A_122 = arith.addi %broadcast_in_dim3A, %add3A_121 : vector<16xi32>
        %gather3A = tpu.vector_load_idx %arg5[%iota3A, %add3A_122] : memref<16x512xf32, #tpu.memory_space<vmem>>[vector<16xi32>, vector<16xi32>], vector<16xf32>,
        %add3A_123 = arith.constant 0 : i32
        %add3A_124 = arith.addi %mul3A_119, %add3A_123 : i32
        %swap3A = arith.index_cast %add3A_124 : i32 to index
        %swap3A_125 = tpu.vector_load %arg7[%swap3A] {strides = array<i32>} : memref<8192xf32, #tpu.memory_space<vmem>>, vector<16xf32>,
        tpu.vector_store %arg7[%swap3A], %gather3A {strides = array<i32>} : memref<8192xf32, #tpu.memory_space<vmem>>, vector<16xf32>,
        %add3A_126 = arith.constant 1 : i32
        %add3A_127 = vector.broadcast %add3A_126 : i32 to vector<16xi32>
        %add3A_128 = arith.addi %broadcast_in_dim3A, %add3A_127 : vector<16xi32>
        %gather3A_129 = tpu.vector_load_idx %arg5[%iota3A, %add3A_128] : memref<16x512xf32, #tpu.memory_space<vmem>>[vector<16xi32>, vector<16xi32>], vector<16xf32>,
        %add3A_130 = arith.constant 16 : i32
        %add3A_131 = arith.addi %mul3A_119, %add3A_130 : i32
        %swap3A_132 = arith.index_cast %add3A_131 : i32 to index
        %swap3A_133 = tpu.vector_load %arg7[%swap3A_132] {strides = array<i32>} : memref<8192xf32, #tpu.memory_space<vmem>>, vector<16xf32>,
        tpu.vector_store %arg7[%swap3A_132], %gather3A_129 {strides = array<i32>} : memref<8192xf32, #tpu.memory_space<vmem>>, vector<16xf32>,
        %add3A_134 = arith.constant 2 : i32
        %add3A_135 = vector.broadcast %add3A_134 : i32 to vector<16xi32>
        %add3A_136 = arith.addi %broadcast_in_dim3A, %add3A_135 : vector<16xi32>
        %gather3A_137 = tpu.vector_load_idx %arg5[%iota3A, %add3A_136] : memref<16x512xf32, #tpu.memory_space<vmem>>[vector<16xi32>, vector<16xi32>], vector<16xf32>,
        %add3A_138 = arith.constant 32 : i32
        %add3A_139 = arith.addi %mul3A_119, %add3A_138 : i32
        %swap3A_140 = arith.index_cast %add3A_139 : i32 to index
        %swap3A_141 = tpu.vector_load %arg7[%swap3A_140] {strides = array<i32>} : memref<8192xf32, #tpu.memory_space<vmem>>, vector<16xf32>,
        tpu.vector_store %arg7[%swap3A_140], %gather3A_137 {strides = array<i32>} : memref<8192xf32, #tpu.memory_space<vmem>>, vector<16xf32>,
        %add3A_142 = arith.constant 3 : i32
        %add3A_143 = vector.broadcast %add3A_142 : i32 to vector<16xi32>
        %add3A_144 = arith.addi %broadcast_in_dim3A, %add3A_143 : vector<16xi32>
        %gather3A_145 = tpu.vector_load_idx %arg5[%iota3A, %add3A_144] : memref<16x512xf32, #tpu.memory_space<vmem>>[vector<16xi32>, vector<16xi32>], vector<16xf32>,
        %add3A_146 = arith.constant 48 : i32
        %add3A_147 = arith.addi %mul3A_119, %add3A_146 : i32
        %swap3A_148 = arith.index_cast %add3A_147 : i32 to index
        %swap3A_149 = tpu.vector_load %arg7[%swap3A_148] {strides = array<i32>} : memref<8192xf32, #tpu.memory_space<vmem>>, vector<16xf32>,
        tpu.vector_store %arg7[%swap3A_148], %gather3A_145 {strides = array<i32>} : memref<8192xf32, #tpu.memory_space<vmem>>, vector<16xf32>,
        %add3A_150 = arith.constant 4 : i32
        %add3A_151 = vector.broadcast %add3A_150 : i32 to vector<16xi32>
        %add3A_152 = arith.addi %broadcast_in_dim3A, %add3A_151 : vector<16xi32>
        %gather3A_153 = tpu.vector_load_idx %arg5[%iota3A, %add3A_152] : memref<16x512xf32, #tpu.memory_space<vmem>>[vector<16xi32>, vector<16xi32>], vector<16xf32>,
        %add3A_154 = arith.constant 64 : i32
        %add3A_155 = arith.addi %mul3A_119, %add3A_154 : i32
        %swap3A_156 = arith.index_cast %add3A_155 : i32 to index
        %swap3A_157 = tpu.vector_load %arg7[%swap3A_156] {strides = array<i32>} : memref<8192xf32, #tpu.memory_space<vmem>>, vector<16xf32>,
        tpu.vector_store %arg7[%swap3A_156], %gather3A_153 {strides = array<i32>} : memref<8192xf32, #tpu.memory_space<vmem>>, vector<16xf32>,
        %add3A_158 = arith.constant 5 : i32
        %add3A_159 = vector.broadcast %add3A_158 : i32 to vector<16xi32>
        %add3A_160 = arith.addi %broadcast_in_dim3A, %add3A_159 : vector<16xi32>
        %gather3A_161 = tpu.vector_load_idx %arg5[%iota3A, %add3A_160] : memref<16x512xf32, #tpu.memory_space<vmem>>[vector<16xi32>, vector<16xi32>], vector<16xf32>,
        %add3A_162 = arith.constant 80 : i32
        %add3A_163 = arith.addi %mul3A_119, %add3A_162 : i32
        %swap3A_164 = arith.index_cast %add3A_163 : i32 to index
        %swap3A_165 = tpu.vector_load %arg7[%swap3A_164] {strides = array<i32>} : memref<8192xf32, #tpu.memory_space<vmem>>, vector<16xf32>,
        tpu.vector_store %arg7[%swap3A_164], %gather3A_161 {strides = array<i32>} : memref<8192xf32, #tpu.memory_space<vmem>>, vector<16xf32>,
        %add3A_166 = arith.constant 6 : i32
        %add3A_167 = vector.broadcast %add3A_166 : i32 to vector<16xi32>
        %add3A_168 = arith.addi %broadcast_in_dim3A, %add3A_167 : vector<16xi32>
        %gather3A_169 = tpu.vector_load_idx %arg5[%iota3A, %add3A_168] : memref<16x512xf32, #tpu.memory_space<vmem>>[vector<16xi32>, vector<16xi32>], vector<16xf32>,
        %add3A_170 = arith.constant 96 : i32
        %add3A_171 = arith.addi %mul3A_119, %add3A_170 : i32
        %swap3A_172 = arith.index_cast %add3A_171 : i32 to index
        %swap3A_173 = tpu.vector_load %arg7[%swap3A_172] {strides = array<i32>} : memref<8192xf32, #tpu.memory_space<vmem>>, vector<16xf32>,
        tpu.vector_store %arg7[%swap3A_172], %gather3A_169 {strides = array<i32>} : memref<8192xf32, #tpu.memory_space<vmem>>, vector<16xf32>,
        %add3A_174 = arith.constant 7 : i32
        %add3A_175 = vector.broadcast %add3A_174 : i32 to vector<16xi32>
        %add3A_176 = arith.addi %broadcast_in_dim3A, %add3A_175 : vector<16xi32>
        %gather3A_177 = tpu.vector_load_idx %arg5[%iota3A, %add3A_176] : memref<16x512xf32, #tpu.memory_space<vmem>>[vector<16xi32>, vector<16xi32>], vector<16xf32>,
        %add3A_178 = arith.constant 112 : i32
        %add3A_179 = arith.addi %mul3A_119, %add3A_178 : i32
        %swap3A_180 = arith.index_cast %add3A_179 : i32 to index
        %swap3A_181 = tpu.vector_load %arg7[%swap3A_180] {strides = array<i32>} : memref<8192xf32, #tpu.memory_space<vmem>>, vector<16xf32>,
        tpu.vector_store %arg7[%swap3A_180], %gather3A_177 {strides = array<i32>} : memref<8192xf32, #tpu.memory_space<vmem>>, vector<16xf32>,
        %scan3A_182 = arith.constant 1 : i32
        %scan3A_183 = arith.addi %scan3A_115, %scan3A_182 : i32
        %mul3A_184 = arith.constant 8 : i32
        %mul3A_185 = arith.muli %scan3A_183, %mul3A_184 : i32
        %broadcast_in_dim3A_186 = vector.broadcast %mul3A_185 : i32 to vector<16xi32>
        %mul3A_187 = arith.constant 128 : i32
        %mul3A_188 = arith.muli %scan3A_183, %mul3A_187 : i32
        %add3A_189 = arith.constant 0 : i32
        %add3A_190 = vector.broadcast %add3A_189 : i32 to vector<16xi32>
        %add3A_191 = arith.addi %broadcast_in_dim3A_186, %add3A_190 : vector<16xi32>
        %gather3A_192 = tpu.vector_load_idx %arg5[%iota3A, %add3A_191] : memref<16x512xf32, #tpu.memory_space<vmem>>[vector<16xi32>, vector<16xi32>], vector<16xf32>,
        %add3A_193 = arith.constant 0 : i32
        %add3A_194 = arith.addi %mul3A_188, %add3A_193 : i32
        %swap3A_195 = arith.index_cast %add3A_194 : i32 to index
        %swap3A_196 = tpu.vector_load %arg7[%swap3A_195] {strides = array<i32>} : memref<8192xf32, #tpu.memory_space<vmem>>, vector<16xf32>,
        tpu.vector_store %arg7[%swap3A_195], %gather3A_192 {strides = array<i32>} : memref<8192xf32, #tpu.memory_space<vmem>>, vector<16xf32>,
        %add3A_197 = arith.constant 1 : i32
        %add3A_198 = vector.broadcast %add3A_197 : i32 to vector<16xi32>
        %add3A_199 = arith.addi %broadcast_in_dim3A_186, %add3A_198 : vector<16xi32>
        %gather3A_200 = tpu.vector_load_idx %arg5[%iota3A, %add3A_199] : memref<16x512xf32, #tpu.memory_space<vmem>>[vector<16xi32>, vector<16xi32>], vector<16xf32>,
        %add3A_201 = arith.constant 16 : i32
        %add3A_202 = arith.addi %mul3A_188, %add3A_201 : i32
        %swap3A_203 = arith.index_cast %add3A_202 : i32 to index
        %swap3A_204 = tpu.vector_load %arg7[%swap3A_203] {strides = array<i32>} : memref<8192xf32, #tpu.memory_space<vmem>>, vector<16xf32>,
        tpu.vector_store %arg7[%swap3A_203], %gather3A_200 {strides = array<i32>} : memref<8192xf32, #tpu.memory_space<vmem>>, vector<16xf32>,
        %add3A_205 = arith.constant 2 : i32
        %add3A_206 = vector.broadcast %add3A_205 : i32 to vector<16xi32>
        %add3A_207 = arith.addi %broadcast_in_dim3A_186, %add3A_206 : vector<16xi32>
        %gather3A_208 = tpu.vector_load_idx %arg5[%iota3A, %add3A_207] : memref<16x512xf32, #tpu.memory_space<vmem>>[vector<16xi32>, vector<16xi32>], vector<16xf32>,
        %add3A_209 = arith.constant 32 : i32
        %add3A_210 = arith.addi %mul3A_188, %add3A_209 : i32
        %swap3A_211 = arith.index_cast %add3A_210 : i32 to index
        %swap3A_212 = tpu.vector_load %arg7[%swap3A_211] {strides = array<i32>} : memref<8192xf32, #tpu.memory_space<vmem>>, vector<16xf32>,
        tpu.vector_store %arg7[%swap3A_211], %gather3A_208 {strides = array<i32>} : memref<8192xf32, #tpu.memory_space<vmem>>, vector<16xf32>,
        %add3A_213 = arith.constant 3 : i32
        %add3A_214 = vector.broadcast %add3A_213 : i32 to vector<16xi32>
        %add3A_215 = arith.addi %broadcast_in_dim3A_186, %add3A_214 : vector<16xi32>
        %gather3A_216 = tpu.vector_load_idx %arg5[%iota3A, %add3A_215] : memref<16x512xf32, #tpu.memory_space<vmem>>[vector<16xi32>, vector<16xi32>], vector<16xf32>,
        %add3A_217 = arith.constant 48 : i32
        %add3A_218 = arith.addi %mul3A_188, %add3A_217 : i32
        %swap3A_219 = arith.index_cast %add3A_218 : i32 to index
        %swap3A_220 = tpu.vector_load %arg7[%swap3A_219] {strides = array<i32>} : memref<8192xf32, #tpu.memory_space<vmem>>, vector<16xf32>,
        tpu.vector_store %arg7[%swap3A_219], %gather3A_216 {strides = array<i32>} : memref<8192xf32, #tpu.memory_space<vmem>>, vector<16xf32>,
        %add3A_221 = arith.constant 4 : i32
        %add3A_222 = vector.broadcast %add3A_221 : i32 to vector<16xi32>
        %add3A_223 = arith.addi %broadcast_in_dim3A_186, %add3A_222 : vector<16xi32>
        %gather3A_224 = tpu.vector_load_idx %arg5[%iota3A, %add3A_223] : memref<16x512xf32, #tpu.memory_space<vmem>>[vector<16xi32>, vector<16xi32>], vector<16xf32>,
        %add3A_225 = arith.constant 64 : i32
        %add3A_226 = arith.addi %mul3A_188, %add3A_225 : i32
        %swap3A_227 = arith.index_cast %add3A_226 : i32 to index
        %swap3A_228 = tpu.vector_load %arg7[%swap3A_227] {strides = array<i32>} : memref<8192xf32, #tpu.memory_space<vmem>>, vector<16xf32>,
        tpu.vector_store %arg7[%swap3A_227], %gather3A_224 {strides = array<i32>} : memref<8192xf32, #tpu.memory_space<vmem>>, vector<16xf32>,
        %add3A_229 = arith.constant 5 : i32
        %add3A_230 = vector.broadcast %add3A_229 : i32 to vector<16xi32>
        %add3A_231 = arith.addi %broadcast_in_dim3A_186, %add3A_230 : vector<16xi32>
        %gather3A_232 = tpu.vector_load_idx %arg5[%iota3A, %add3A_231] : memref<16x512xf32, #tpu.memory_space<vmem>>[vector<16xi32>, vector<16xi32>], vector<16xf32>,
        %add3A_233 = arith.constant 80 : i32
        %add3A_234 = arith.addi %mul3A_188, %add3A_233 : i32
        %swap3A_235 = arith.index_cast %add3A_234 : i32 to index
        %swap3A_236 = tpu.vector_load %arg7[%swap3A_235] {strides = array<i32>} : memref<8192xf32, #tpu.memory_space<vmem>>, vector<16xf32>,
        tpu.vector_store %arg7[%swap3A_235], %gather3A_232 {strides = array<i32>} : memref<8192xf32, #tpu.memory_space<vmem>>, vector<16xf32>,
        %add3A_237 = arith.constant 6 : i32
        %add3A_238 = vector.broadcast %add3A_237 : i32 to vector<16xi32>
        %add3A_239 = arith.addi %broadcast_in_dim3A_186, %add3A_238 : vector<16xi32>
        %gather3A_240 = tpu.vector_load_idx %arg5[%iota3A, %add3A_239] : memref<16x512xf32, #tpu.memory_space<vmem>>[vector<16xi32>, vector<16xi32>], vector<16xf32>,
        %add3A_241 = arith.constant 96 : i32
        %add3A_242 = arith.addi %mul3A_188, %add3A_241 : i32
        %swap3A_243 = arith.index_cast %add3A_242 : i32 to index
        %swap3A_244 = tpu.vector_load %arg7[%swap3A_243] {strides = array<i32>} : memref<8192xf32, #tpu.memory_space<vmem>>, vector<16xf32>,
        tpu.vector_store %arg7[%swap3A_243], %gather3A_240 {strides = array<i32>} : memref<8192xf32, #tpu.memory_space<vmem>>, vector<16xf32>,
        %add3A_245 = arith.constant 7 : i32
        %add3A_246 = vector.broadcast %add3A_245 : i32 to vector<16xi32>
        %add3A_247 = arith.addi %broadcast_in_dim3A_186, %add3A_246 : vector<16xi32>
        %gather3A_248 = tpu.vector_load_idx %arg5[%iota3A, %add3A_247] : memref<16x512xf32, #tpu.memory_space<vmem>>[vector<16xi32>, vector<16xi32>], vector<16xf32>,
        %add3A_249 = arith.constant 112 : i32
        %add3A_250 = arith.addi %mul3A_188, %add3A_249 : i32
        %swap3A_251 = arith.index_cast %add3A_250 : i32 to index
        %swap3A_252 = tpu.vector_load %arg7[%swap3A_251] {strides = array<i32>} : memref<8192xf32, #tpu.memory_space<vmem>>, vector<16xf32>,
        tpu.vector_store %arg7[%swap3A_251], %gather3A_248 {strides = array<i32>} : memref<8192xf32, #tpu.memory_space<vmem>>, vector<16xf32>,
      }
      %scan3A_72 = arith.constant 64 : i32
      %add3A_73 = arith.addi %mul3A_2, %mul3A_56 : i32
      %mul3A_74 = arith.constant 8192 : i32
      %mul3A_75 = arith.muli %add3A_73, %mul3A_74 : i32
      %dma_start3A_76 = tpu.memref_slice %arg4[%mul3A_75] : memref<16000000xf32, #tpu.memory_space<hbm>> -> memref<8192xf32, #tpu.memory_space<hbm>>
      %dma_start3A_77 = tpu.memref_slice %arg4[%mul3A_75] : memref<16000000xf32, #tpu.memory_space<hbm>> -> memref<8192xf32, #tpu.memory_space<hbm>>
      tpu.enqueue_dma source(%arg7 : memref<8192xf32, #tpu.memory_space<vmem>>) target(%dma_start3A_77 : memref<8192xf32, #tpu.memory_space<hbm>>) target_semaphore(%arg11 : memref<!tpu.dma_semaphore, #tpu.memory_space<semaphore_mem>>)
      %add3A_78 = arith.constant 2 : i32
      %add3A_79 = arith.addi %mul3A_56, %add3A_78 : i32
      %le3A = arith.constant 60 : i32
      %le3A_80 = arith.cmpi sle, %add3A_79, %le3A : i32
      %convert_element_type3A_81 = arith.extui %le3A_80 : i1 to i32
      %cond3A_82 = arith.constant 0 : i32
      %cond3A_83 = arith.cmpi ne, %convert_element_type3A_81, %cond3A_82 : i32
      scf.if %cond3A_83 {
        %add3A_115 = arith.constant 2 : i32
        %add3A_116 = arith.addi %mul3A_56, %add3A_115 : i32
        %add3A_117 = arith.addi %mul3A_2, %add3A_116 : i32
        %mul3A_118 = arith.constant 512 : i32
        %mul3A_119 = arith.muli %add3A_117, %mul3A_118 : i32
        %dma_start3A_120 = arith.constant 0 : i32
        %dma_start3A_121 = tpu.memref_slice %arg2[%dma_start3A_120, %mul3A_119] : memref<16x1000000xf32, #tpu.memory_space<hbm>> -> memref<16x512xf32, #tpu.memory_space<hbm>>
        %dma_start3A_122 = arith.constant 0 : i32
        %dma_start3A_123 = tpu.memref_slice %arg2[%dma_start3A_122, %mul3A_119] : memref<16x1000000xf32, #tpu.memory_space<hbm>> -> memref<16x512xf32, #tpu.memory_space<hbm>>
        tpu.enqueue_dma source(%dma_start3A_123 : memref<16x512xf32, #tpu.memory_space<hbm>>) target(%arg5 : memref<16x512xf32, #tpu.memory_space<vmem>>) target_semaphore(%arg9 : memref<!tpu.dma_semaphore, #tpu.memory_space<semaphore_mem>>)
      } else {
      }
      %dma_wait3A_84 = arith.constant 0 : i32
      %dma_wait3A_85 = arith.constant 0 : i32
      %dma_wait3A_86 = tpu.memref_slice %arg2[%dma_wait3A_84, %dma_wait3A_85] : memref<16x1000000xf32, #tpu.memory_space<hbm>> -> memref<16x512xf32, #tpu.memory_space<hbm>>
      %dma_wait3A_87 = arith.constant 0 : i32
      %dma_wait3A_88 = arith.constant 0 : i32
      %dma_wait3A_89 = tpu.memref_slice %arg2[%dma_wait3A_87, %dma_wait3A_88] : memref<16x1000000xf32, #tpu.memory_space<hbm>> -> memref<16x512xf32, #tpu.memory_space<hbm>>
      tpu.wait_dma2 semaphore(%arg10 : memref<!tpu.dma_semaphore, #tpu.memory_space<semaphore_mem>>) src(%dma_wait3A_89 : memref<16x512xf32, #tpu.memory_space<hbm>>) dst(%arg6 : memref<16x512xf32, #tpu.memory_space<vmem>>)
      %gt3A_90 = arith.constant 0 : i32
      %gt3A_91 = arith.cmpi sgt, %scan3A_54, %gt3A_90 : i32
      %convert_element_type3A_92 = arith.extui %gt3A_91 : i1 to i32
      %cond3A_93 = arith.constant 0 : i32
      %cond3A_94 = arith.cmpi ne, %convert_element_type3A_92, %cond3A_93 : i32
      scf.if %cond3A_94 {
        %dma_wait3A_115 = arith.constant 0 : i32
        %dma_wait3A_116 = tpu.memref_slice %arg4[%dma_wait3A_115] : memref<16000000xf32, #tpu.memory_space<hbm>> -> memref<8192xf32, #tpu.memory_space<hbm>>
        %dma_wait3A_117 = arith.constant 0 : i32
        %dma_wait3A_118 = tpu.memref_slice %arg4[%dma_wait3A_117] : memref<16000000xf32, #tpu.memory_space<hbm>> -> memref<8192xf32, #tpu.memory_space<hbm>>
        tpu.wait_dma2 semaphore(%arg12 : memref<!tpu.dma_semaphore, #tpu.memory_space<semaphore_mem>>) src(%arg8 : memref<8192xf32, #tpu.memory_space<vmem>>) dst(%dma_wait3A_118 : memref<8192xf32, #tpu.memory_space<hbm>>)
      } else {
      }
      %scan3A_95 = arith.constant 0 : i32
      %scan3A_96 = arith.constant 0 : i32
      %scan3A_97 = arith.constant 64 : i32
      %scan3A_98 = arith.addi %scan3A_96, %scan3A_97 : i32
      %scan3A_99 = arith.constant 2 : i32
      scf.for %scan3A_115 = %scan3A_96 to %scan3A_98 step %scan3A_99  : i32 {
        %mul3A_116 = arith.constant 8 : i32
        %mul3A_117 = arith.muli %scan3A_115, %mul3A_116 : i32
        %broadcast_in_dim3A = vector.broadcast %mul3A_117 : i32 to vector<16xi32>
        %mul3A_118 = arith.constant 128 : i32
        %mul3A_119 = arith.muli %scan3A_115, %mul3A_118 : i32
        %add3A_120 = arith.constant 0 : i32
        %add3A_121 = vector.broadcast %add3A_120 : i32 to vector<16xi32>
        %add3A_122 = arith.addi %broadcast_in_dim3A, %add3A_121 : vector<16xi32>
        %gather3A = tpu.vector_load_idx %arg6[%iota3A, %add3A_122] : memref<16x512xf32, #tpu.memory_space<vmem>>[vector<16xi32>, vector<16xi32>], vector<16xf32>,
        %add3A_123 = arith.constant 0 : i32
        %add3A_124 = arith.addi %mul3A_119, %add3A_123 : i32
        %swap3A = arith.index_cast %add3A_124 : i32 to index
        %swap3A_125 = tpu.vector_load %arg8[%swap3A] {strides = array<i32>} : memref<8192xf32, #tpu.memory_space<vmem>>, vector<16xf32>,
        tpu.vector_store %arg8[%swap3A], %gather3A {strides = array<i32>} : memref<8192xf32, #tpu.memory_space<vmem>>, vector<16xf32>,
        %add3A_126 = arith.constant 1 : i32
        %add3A_127 = vector.broadcast %add3A_126 : i32 to vector<16xi32>
        %add3A_128 = arith.addi %broadcast_in_dim3A, %add3A_127 : vector<16xi32>
        %gather3A_129 = tpu.vector_load_idx %arg6[%iota3A, %add3A_128] : memref<16x512xf32, #tpu.memory_space<vmem>>[vector<16xi32>, vector<16xi32>], vector<16xf32>,
        %add3A_130 = arith.constant 16 : i32
        %add3A_131 = arith.addi %mul3A_119, %add3A_130 : i32
        %swap3A_132 = arith.index_cast %add3A_131 : i32 to index
        %swap3A_133 = tpu.vector_load %arg8[%swap3A_132] {strides = array<i32>} : memref<8192xf32, #tpu.memory_space<vmem>>, vector<16xf32>,
        tpu.vector_store %arg8[%swap3A_132], %gather3A_129 {strides = array<i32>} : memref<8192xf32, #tpu.memory_space<vmem>>, vector<16xf32>,
        %add3A_134 = arith.constant 2 : i32
        %add3A_135 = vector.broadcast %add3A_134 : i32 to vector<16xi32>
        %add3A_136 = arith.addi %broadcast_in_dim3A, %add3A_135 : vector<16xi32>
        %gather3A_137 = tpu.vector_load_idx %arg6[%iota3A, %add3A_136] : memref<16x512xf32, #tpu.memory_space<vmem>>[vector<16xi32>, vector<16xi32>], vector<16xf32>,
        %add3A_138 = arith.constant 32 : i32
        %add3A_139 = arith.addi %mul3A_119, %add3A_138 : i32
        %swap3A_140 = arith.index_cast %add3A_139 : i32 to index
        %swap3A_141 = tpu.vector_load %arg8[%swap3A_140] {strides = array<i32>} : memref<8192xf32, #tpu.memory_space<vmem>>, vector<16xf32>,
        tpu.vector_store %arg8[%swap3A_140], %gather3A_137 {strides = array<i32>} : memref<8192xf32, #tpu.memory_space<vmem>>, vector<16xf32>,
        %add3A_142 = arith.constant 3 : i32
        %add3A_143 = vector.broadcast %add3A_142 : i32 to vector<16xi32>
        %add3A_144 = arith.addi %broadcast_in_dim3A, %add3A_143 : vector<16xi32>
        %gather3A_145 = tpu.vector_load_idx %arg6[%iota3A, %add3A_144] : memref<16x512xf32, #tpu.memory_space<vmem>>[vector<16xi32>, vector<16xi32>], vector<16xf32>,
        %add3A_146 = arith.constant 48 : i32
        %add3A_147 = arith.addi %mul3A_119, %add3A_146 : i32
        %swap3A_148 = arith.index_cast %add3A_147 : i32 to index
        %swap3A_149 = tpu.vector_load %arg8[%swap3A_148] {strides = array<i32>} : memref<8192xf32, #tpu.memory_space<vmem>>, vector<16xf32>,
        tpu.vector_store %arg8[%swap3A_148], %gather3A_145 {strides = array<i32>} : memref<8192xf32, #tpu.memory_space<vmem>>, vector<16xf32>,
        %add3A_150 = arith.constant 4 : i32
        %add3A_151 = vector.broadcast %add3A_150 : i32 to vector<16xi32>
        %add3A_152 = arith.addi %broadcast_in_dim3A, %add3A_151 : vector<16xi32>
        %gather3A_153 = tpu.vector_load_idx %arg6[%iota3A, %add3A_152] : memref<16x512xf32, #tpu.memory_space<vmem>>[vector<16xi32>, vector<16xi32>], vector<16xf32>,
        %add3A_154 = arith.constant 64 : i32
        %add3A_155 = arith.addi %mul3A_119, %add3A_154 : i32
        %swap3A_156 = arith.index_cast %add3A_155 : i32 to index
        %swap3A_157 = tpu.vector_load %arg8[%swap3A_156] {strides = array<i32>} : memref<8192xf32, #tpu.memory_space<vmem>>, vector<16xf32>,
        tpu.vector_store %arg8[%swap3A_156], %gather3A_153 {strides = array<i32>} : memref<8192xf32, #tpu.memory_space<vmem>>, vector<16xf32>,
        %add3A_158 = arith.constant 5 : i32
        %add3A_159 = vector.broadcast %add3A_158 : i32 to vector<16xi32>
        %add3A_160 = arith.addi %broadcast_in_dim3A, %add3A_159 : vector<16xi32>
        %gather3A_161 = tpu.vector_load_idx %arg6[%iota3A, %add3A_160] : memref<16x512xf32, #tpu.memory_space<vmem>>[vector<16xi32>, vector<16xi32>], vector<16xf32>,
        %add3A_162 = arith.constant 80 : i32
        %add3A_163 = arith.addi %mul3A_119, %add3A_162 : i32
        %swap3A_164 = arith.index_cast %add3A_163 : i32 to index
        %swap3A_165 = tpu.vector_load %arg8[%swap3A_164] {strides = array<i32>} : memref<8192xf32, #tpu.memory_space<vmem>>, vector<16xf32>,
        tpu.vector_store %arg8[%swap3A_164], %gather3A_161 {strides = array<i32>} : memref<8192xf32, #tpu.memory_space<vmem>>, vector<16xf32>,
        %add3A_166 = arith.constant 6 : i32
        %add3A_167 = vector.broadcast %add3A_166 : i32 to vector<16xi32>
        %add3A_168 = arith.addi %broadcast_in_dim3A, %add3A_167 : vector<16xi32>
        %gather3A_169 = tpu.vector_load_idx %arg6[%iota3A, %add3A_168] : memref<16x512xf32, #tpu.memory_space<vmem>>[vector<16xi32>, vector<16xi32>], vector<16xf32>,
        %add3A_170 = arith.constant 96 : i32
        %add3A_171 = arith.addi %mul3A_119, %add3A_170 : i32
        %swap3A_172 = arith.index_cast %add3A_171 : i32 to index
        %swap3A_173 = tpu.vector_load %arg8[%swap3A_172] {strides = array<i32>} : memref<8192xf32, #tpu.memory_space<vmem>>, vector<16xf32>,
        tpu.vector_store %arg8[%swap3A_172], %gather3A_169 {strides = array<i32>} : memref<8192xf32, #tpu.memory_space<vmem>>, vector<16xf32>,
        %add3A_174 = arith.constant 7 : i32
        %add3A_175 = vector.broadcast %add3A_174 : i32 to vector<16xi32>
        %add3A_176 = arith.addi %broadcast_in_dim3A, %add3A_175 : vector<16xi32>
        %gather3A_177 = tpu.vector_load_idx %arg6[%iota3A, %add3A_176] : memref<16x512xf32, #tpu.memory_space<vmem>>[vector<16xi32>, vector<16xi32>], vector<16xf32>,
        %add3A_178 = arith.constant 112 : i32
        %add3A_179 = arith.addi %mul3A_119, %add3A_178 : i32
        %swap3A_180 = arith.index_cast %add3A_179 : i32 to index
        %swap3A_181 = tpu.vector_load %arg8[%swap3A_180] {strides = array<i32>} : memref<8192xf32, #tpu.memory_space<vmem>>, vector<16xf32>,
        tpu.vector_store %arg8[%swap3A_180], %gather3A_177 {strides = array<i32>} : memref<8192xf32, #tpu.memory_space<vmem>>, vector<16xf32>,
        %scan3A_182 = arith.constant 1 : i32
        %scan3A_183 = arith.addi %scan3A_115, %scan3A_182 : i32
        %mul3A_184 = arith.constant 8 : i32
        %mul3A_185 = arith.muli %scan3A_183, %mul3A_184 : i32
        %broadcast_in_dim3A_186 = vector.broadcast %mul3A_185 : i32 to vector<16xi32>
        %mul3A_187 = arith.constant 128 : i32
        %mul3A_188 = arith.muli %scan3A_183, %mul3A_187 : i32
        %add3A_189 = arith.constant 0 : i32
        %add3A_190 = vector.broadcast %add3A_189 : i32 to vector<16xi32>
        %add3A_191 = arith.addi %broadcast_in_dim3A_186, %add3A_190 : vector<16xi32>
        %gather3A_192 = tpu.vector_load_idx %arg6[%iota3A, %add3A_191] : memref<16x512xf32, #tpu.memory_space<vmem>>[vector<16xi32>, vector<16xi32>], vector<16xf32>,
        %add3A_193 = arith.constant 0 : i32
        %add3A_194 = arith.addi %mul3A_188, %add3A_193 : i32
        %swap3A_195 = arith.index_cast %add3A_194 : i32 to index
        %swap3A_196 = tpu.vector_load %arg8[%swap3A_195] {strides = array<i32>} : memref<8192xf32, #tpu.memory_space<vmem>>, vector<16xf32>,
        tpu.vector_store %arg8[%swap3A_195], %gather3A_192 {strides = array<i32>} : memref<8192xf32, #tpu.memory_space<vmem>>, vector<16xf32>,
        %add3A_197 = arith.constant 1 : i32
        %add3A_198 = vector.broadcast %add3A_197 : i32 to vector<16xi32>
        %add3A_199 = arith.addi %broadcast_in_dim3A_186, %add3A_198 : vector<16xi32>
        %gather3A_200 = tpu.vector_load_idx %arg6[%iota3A, %add3A_199] : memref<16x512xf32, #tpu.memory_space<vmem>>[vector<16xi32>, vector<16xi32>], vector<16xf32>,
        %add3A_201 = arith.constant 16 : i32
        %add3A_202 = arith.addi %mul3A_188, %add3A_201 : i32
        %swap3A_203 = arith.index_cast %add3A_202 : i32 to index
        %swap3A_204 = tpu.vector_load %arg8[%swap3A_203] {strides = array<i32>} : memref<8192xf32, #tpu.memory_space<vmem>>, vector<16xf32>,
        tpu.vector_store %arg8[%swap3A_203], %gather3A_200 {strides = array<i32>} : memref<8192xf32, #tpu.memory_space<vmem>>, vector<16xf32>,
        %add3A_205 = arith.constant 2 : i32
        %add3A_206 = vector.broadcast %add3A_205 : i32 to vector<16xi32>
        %add3A_207 = arith.addi %broadcast_in_dim3A_186, %add3A_206 : vector<16xi32>
        %gather3A_208 = tpu.vector_load_idx %arg6[%iota3A, %add3A_207] : memref<16x512xf32, #tpu.memory_space<vmem>>[vector<16xi32>, vector<16xi32>], vector<16xf32>,
        %add3A_209 = arith.constant 32 : i32
        %add3A_210 = arith.addi %mul3A_188, %add3A_209 : i32
        %swap3A_211 = arith.index_cast %add3A_210 : i32 to index
        %swap3A_212 = tpu.vector_load %arg8[%swap3A_211] {strides = array<i32>} : memref<8192xf32, #tpu.memory_space<vmem>>, vector<16xf32>,
        tpu.vector_store %arg8[%swap3A_211], %gather3A_208 {strides = array<i32>} : memref<8192xf32, #tpu.memory_space<vmem>>, vector<16xf32>,
        %add3A_213 = arith.constant 3 : i32
        %add3A_214 = vector.broadcast %add3A_213 : i32 to vector<16xi32>
        %add3A_215 = arith.addi %broadcast_in_dim3A_186, %add3A_214 : vector<16xi32>
        %gather3A_216 = tpu.vector_load_idx %arg6[%iota3A, %add3A_215] : memref<16x512xf32, #tpu.memory_space<vmem>>[vector<16xi32>, vector<16xi32>], vector<16xf32>,
        %add3A_217 = arith.constant 48 : i32
        %add3A_218 = arith.addi %mul3A_188, %add3A_217 : i32
        %swap3A_219 = arith.index_cast %add3A_218 : i32 to index
        %swap3A_220 = tpu.vector_load %arg8[%swap3A_219] {strides = array<i32>} : memref<8192xf32, #tpu.memory_space<vmem>>, vector<16xf32>,
        tpu.vector_store %arg8[%swap3A_219], %gather3A_216 {strides = array<i32>} : memref<8192xf32, #tpu.memory_space<vmem>>, vector<16xf32>,
        %add3A_221 = arith.constant 4 : i32
        %add3A_222 = vector.broadcast %add3A_221 : i32 to vector<16xi32>
        %add3A_223 = arith.addi %broadcast_in_dim3A_186, %add3A_222 : vector<16xi32>
        %gather3A_224 = tpu.vector_load_idx %arg6[%iota3A, %add3A_223] : memref<16x512xf32, #tpu.memory_space<vmem>>[vector<16xi32>, vector<16xi32>], vector<16xf32>,
        %add3A_225 = arith.constant 64 : i32
        %add3A_226 = arith.addi %mul3A_188, %add3A_225 : i32
        %swap3A_227 = arith.index_cast %add3A_226 : i32 to index
        %swap3A_228 = tpu.vector_load %arg8[%swap3A_227] {strides = array<i32>} : memref<8192xf32, #tpu.memory_space<vmem>>, vector<16xf32>,
        tpu.vector_store %arg8[%swap3A_227], %gather3A_224 {strides = array<i32>} : memref<8192xf32, #tpu.memory_space<vmem>>, vector<16xf32>,
        %add3A_229 = arith.constant 5 : i32
        %add3A_230 = vector.broadcast %add3A_229 : i32 to vector<16xi32>
        %add3A_231 = arith.addi %broadcast_in_dim3A_186, %add3A_230 : vector<16xi32>
        %gather3A_232 = tpu.vector_load_idx %arg6[%iota3A, %add3A_231] : memref<16x512xf32, #tpu.memory_space<vmem>>[vector<16xi32>, vector<16xi32>], vector<16xf32>,
        %add3A_233 = arith.constant 80 : i32
        %add3A_234 = arith.addi %mul3A_188, %add3A_233 : i32
        %swap3A_235 = arith.index_cast %add3A_234 : i32 to index
        %swap3A_236 = tpu.vector_load %arg8[%swap3A_235] {strides = array<i32>} : memref<8192xf32, #tpu.memory_space<vmem>>, vector<16xf32>,
        tpu.vector_store %arg8[%swap3A_235], %gather3A_232 {strides = array<i32>} : memref<8192xf32, #tpu.memory_space<vmem>>, vector<16xf32>,
        %add3A_237 = arith.constant 6 : i32
        %add3A_238 = vector.broadcast %add3A_237 : i32 to vector<16xi32>
        %add3A_239 = arith.addi %broadcast_in_dim3A_186, %add3A_238 : vector<16xi32>
        %gather3A_240 = tpu.vector_load_idx %arg6[%iota3A, %add3A_239] : memref<16x512xf32, #tpu.memory_space<vmem>>[vector<16xi32>, vector<16xi32>], vector<16xf32>,
        %add3A_241 = arith.constant 96 : i32
        %add3A_242 = arith.addi %mul3A_188, %add3A_241 : i32
        %swap3A_243 = arith.index_cast %add3A_242 : i32 to index
        %swap3A_244 = tpu.vector_load %arg8[%swap3A_243] {strides = array<i32>} : memref<8192xf32, #tpu.memory_space<vmem>>, vector<16xf32>,
        tpu.vector_store %arg8[%swap3A_243], %gather3A_240 {strides = array<i32>} : memref<8192xf32, #tpu.memory_space<vmem>>, vector<16xf32>,
        %add3A_245 = arith.constant 7 : i32
        %add3A_246 = vector.broadcast %add3A_245 : i32 to vector<16xi32>
        %add3A_247 = arith.addi %broadcast_in_dim3A_186, %add3A_246 : vector<16xi32>
        %gather3A_248 = tpu.vector_load_idx %arg6[%iota3A, %add3A_247] : memref<16x512xf32, #tpu.memory_space<vmem>>[vector<16xi32>, vector<16xi32>], vector<16xf32>,
        %add3A_249 = arith.constant 112 : i32
        %add3A_250 = arith.addi %mul3A_188, %add3A_249 : i32
        %swap3A_251 = arith.index_cast %add3A_250 : i32 to index
        %swap3A_252 = tpu.vector_load %arg8[%swap3A_251] {strides = array<i32>} : memref<8192xf32, #tpu.memory_space<vmem>>, vector<16xf32>,
        tpu.vector_store %arg8[%swap3A_251], %gather3A_248 {strides = array<i32>} : memref<8192xf32, #tpu.memory_space<vmem>>, vector<16xf32>,
      }
      %scan3A_100 = arith.constant 64 : i32
      %add3A_101 = arith.constant 1 : i32
      %add3A_102 = arith.addi %mul3A_56, %add3A_101 : i32
      %add3A_103 = arith.addi %mul3A_2, %add3A_102 : i32
      %mul3A_104 = arith.constant 8192 : i32
      %mul3A_105 = arith.muli %add3A_103, %mul3A_104 : i32
      %dma_start3A_106 = tpu.memref_slice %arg4[%mul3A_105] : memref<16000000xf32, #tpu.memory_space<hbm>> -> memref<8192xf32, #tpu.memory_space<hbm>>
      %dma_start3A_107 = tpu.memref_slice %arg4[%mul3A_105] : memref<16000000xf32, #tpu.memory_space<hbm>> -> memref<8192xf32, #tpu.memory_space<hbm>>
      tpu.enqueue_dma source(%arg8 : memref<8192xf32, #tpu.memory_space<vmem>>) target(%dma_start3A_107 : memref<8192xf32, #tpu.memory_space<hbm>>) target_semaphore(%arg12 : memref<!tpu.dma_semaphore, #tpu.memory_space<semaphore_mem>>)
      %add3A_108 = arith.constant 3 : i32
      %add3A_109 = arith.addi %mul3A_56, %add3A_108 : i32
      %le3A_110 = arith.constant 60 : i32
      %le3A_111 = arith.cmpi sle, %add3A_109, %le3A_110 : i32
      %convert_element_type3A_112 = arith.extui %le3A_111 : i1 to i32
      %cond3A_113 = arith.constant 0 : i32
      %cond3A_114 = arith.cmpi ne, %convert_element_type3A_112, %cond3A_113 : i32
      scf.if %cond3A_114 {
        %add3A_115 = arith.constant 3 : i32
        %add3A_116 = arith.addi %mul3A_56, %add3A_115 : i32
        %add3A_117 = arith.addi %mul3A_2, %add3A_116 : i32
        %mul3A_118 = arith.constant 512 : i32
        %mul3A_119 = arith.muli %add3A_117, %mul3A_118 : i32
        %dma_start3A_120 = arith.constant 0 : i32
        %dma_start3A_121 = tpu.memref_slice %arg2[%dma_start3A_120, %mul3A_119] : memref<16x1000000xf32, #tpu.memory_space<hbm>> -> memref<16x512xf32, #tpu.memory_space<hbm>>
        %dma_start3A_122 = arith.constant 0 : i32
        %dma_start3A_123 = tpu.memref_slice %arg2[%dma_start3A_122, %mul3A_119] : memref<16x1000000xf32, #tpu.memory_space<hbm>> -> memref<16x512xf32, #tpu.memory_space<hbm>>
        tpu.enqueue_dma source(%dma_start3A_123 : memref<16x512xf32, #tpu.memory_space<hbm>>) target(%arg6 : memref<16x512xf32, #tpu.memory_space<vmem>>) target_semaphore(%arg10 : memref<!tpu.dma_semaphore, #tpu.memory_space<semaphore_mem>>)
      } else {
      }
    }
    %scan3A_22 = arith.constant 30 : i32
    %dma_wait3A = arith.constant 0 : i32
    %dma_wait3A_23 = arith.constant 0 : i32
    %dma_wait3A_24 = tpu.memref_slice %arg2[%dma_wait3A, %dma_wait3A_23] : memref<16x1000000xf32, #tpu.memory_space<hbm>> -> memref<16x512xf32, #tpu.memory_space<hbm>>
    %dma_wait3A_25 = arith.constant 0 : i32
    %dma_wait3A_26 = arith.constant 0 : i32
    %dma_wait3A_27 = tpu.memref_slice %arg2[%dma_wait3A_25, %dma_wait3A_26] : memref<16x1000000xf32, #tpu.memory_space<hbm>> -> memref<16x512xf32, #tpu.memory_space<hbm>>
    tpu.wait_dma2 semaphore(%arg9 : memref<!tpu.dma_semaphore, #tpu.memory_space<semaphore_mem>>) src(%dma_wait3A_27 : memref<16x512xf32, #tpu.memory_space<hbm>>) dst(%arg5 : memref<16x512xf32, #tpu.memory_space<vmem>>)
    %dma_wait3A_28 = arith.constant 0 : i32
    %dma_wait3A_29 = tpu.memref_slice %arg4[%dma_wait3A_28] : memref<16000000xf32, #tpu.memory_space<hbm>> -> memref<8192xf32, #tpu.memory_space<hbm>>
    %dma_wait3A_30 = arith.constant 0 : i32
    %dma_wait3A_31 = tpu.memref_slice %arg4[%dma_wait3A_30] : memref<16000000xf32, #tpu.memory_space<hbm>> -> memref<8192xf32, #tpu.memory_space<hbm>>
    tpu.wait_dma2 semaphore(%arg11 : memref<!tpu.dma_semaphore, #tpu.memory_space<semaphore_mem>>) src(%arg7 : memref<8192xf32, #tpu.memory_space<vmem>>) dst(%dma_wait3A_31 : memref<8192xf32, #tpu.memory_space<hbm>>)
    %scan3A_32 = arith.constant 0 : i32
    %scan3A_33 = arith.constant 0 : i32
    %scan3A_34 = arith.constant 64 : i32
    %scan3A_35 = arith.addi %scan3A_33, %scan3A_34 : i32
    %scan3A_36 = arith.constant 2 : i32
    scf.for %scan3A_54 = %scan3A_33 to %scan3A_35 step %scan3A_36  : i32 {
      %mul3A_55 = arith.constant 8 : i32
      %mul3A_56 = arith.muli %scan3A_54, %mul3A_55 : i32
      %broadcast_in_dim3A = vector.broadcast %mul3A_56 : i32 to vector<16xi32>
      %mul3A_57 = arith.constant 128 : i32
      %mul3A_58 = arith.muli %scan3A_54, %mul3A_57 : i32
      %add3A_59 = arith.constant 0 : i32
      %add3A_60 = vector.broadcast %add3A_59 : i32 to vector<16xi32>
      %add3A_61 = arith.addi %broadcast_in_dim3A, %add3A_60 : vector<16xi32>
      %gather3A = tpu.vector_load_idx %arg5[%iota3A, %add3A_61] : memref<16x512xf32, #tpu.memory_space<vmem>>[vector<16xi32>, vector<16xi32>], vector<16xf32>,
      %add3A_62 = arith.constant 0 : i32
      %add3A_63 = arith.addi %mul3A_58, %add3A_62 : i32
      %swap3A = arith.index_cast %add3A_63 : i32 to index
      %swap3A_64 = tpu.vector_load %arg7[%swap3A] {strides = array<i32>} : memref<8192xf32, #tpu.memory_space<vmem>>, vector<16xf32>,
      tpu.vector_store %arg7[%swap3A], %gather3A {strides = array<i32>} : memref<8192xf32, #tpu.memory_space<vmem>>, vector<16xf32>,
      %add3A_65 = arith.constant 1 : i32
      %add3A_66 = vector.broadcast %add3A_65 : i32 to vector<16xi32>
      %add3A_67 = arith.addi %broadcast_in_dim3A, %add3A_66 : vector<16xi32>
      %gather3A_68 = tpu.vector_load_idx %arg5[%iota3A, %add3A_67] : memref<16x512xf32, #tpu.memory_space<vmem>>[vector<16xi32>, vector<16xi32>], vector<16xf32>,
      %add3A_69 = arith.constant 16 : i32
      %add3A_70 = arith.addi %mul3A_58, %add3A_69 : i32
      %swap3A_71 = arith.index_cast %add3A_70 : i32 to index
      %swap3A_72 = tpu.vector_load %arg7[%swap3A_71] {strides = array<i32>} : memref<8192xf32, #tpu.memory_space<vmem>>, vector<16xf32>,
      tpu.vector_store %arg7[%swap3A_71], %gather3A_68 {strides = array<i32>} : memref<8192xf32, #tpu.memory_space<vmem>>, vector<16xf32>,
      %add3A_73 = arith.constant 2 : i32
      %add3A_74 = vector.broadcast %add3A_73 : i32 to vector<16xi32>
      %add3A_75 = arith.addi %broadcast_in_dim3A, %add3A_74 : vector<16xi32>
      %gather3A_76 = tpu.vector_load_idx %arg5[%iota3A, %add3A_75] : memref<16x512xf32, #tpu.memory_space<vmem>>[vector<16xi32>, vector<16xi32>], vector<16xf32>,
      %add3A_77 = arith.constant 32 : i32
      %add3A_78 = arith.addi %mul3A_58, %add3A_77 : i32
      %swap3A_79 = arith.index_cast %add3A_78 : i32 to index
      %swap3A_80 = tpu.vector_load %arg7[%swap3A_79] {strides = array<i32>} : memref<8192xf32, #tpu.memory_space<vmem>>, vector<16xf32>,
      tpu.vector_store %arg7[%swap3A_79], %gather3A_76 {strides = array<i32>} : memref<8192xf32, #tpu.memory_space<vmem>>, vector<16xf32>,
      %add3A_81 = arith.constant 3 : i32
      %add3A_82 = vector.broadcast %add3A_81 : i32 to vector<16xi32>
      %add3A_83 = arith.addi %broadcast_in_dim3A, %add3A_82 : vector<16xi32>
      %gather3A_84 = tpu.vector_load_idx %arg5[%iota3A, %add3A_83] : memref<16x512xf32, #tpu.memory_space<vmem>>[vector<16xi32>, vector<16xi32>], vector<16xf32>,
      %add3A_85 = arith.constant 48 : i32
      %add3A_86 = arith.addi %mul3A_58, %add3A_85 : i32
      %swap3A_87 = arith.index_cast %add3A_86 : i32 to index
      %swap3A_88 = tpu.vector_load %arg7[%swap3A_87] {strides = array<i32>} : memref<8192xf32, #tpu.memory_space<vmem>>, vector<16xf32>,
      tpu.vector_store %arg7[%swap3A_87], %gather3A_84 {strides = array<i32>} : memref<8192xf32, #tpu.memory_space<vmem>>, vector<16xf32>,
      %add3A_89 = arith.constant 4 : i32
      %add3A_90 = vector.broadcast %add3A_89 : i32 to vector<16xi32>
      %add3A_91 = arith.addi %broadcast_in_dim3A, %add3A_90 : vector<16xi32>
      %gather3A_92 = tpu.vector_load_idx %arg5[%iota3A, %add3A_91] : memref<16x512xf32, #tpu.memory_space<vmem>>[vector<16xi32>, vector<16xi32>], vector<16xf32>,
      %add3A_93 = arith.constant 64 : i32
      %add3A_94 = arith.addi %mul3A_58, %add3A_93 : i32
      %swap3A_95 = arith.index_cast %add3A_94 : i32 to index
      %swap3A_96 = tpu.vector_load %arg7[%swap3A_95] {strides = array<i32>} : memref<8192xf32, #tpu.memory_space<vmem>>, vector<16xf32>,
      tpu.vector_store %arg7[%swap3A_95], %gather3A_92 {strides = array<i32>} : memref<8192xf32, #tpu.memory_space<vmem>>, vector<16xf32>,
      %add3A_97 = arith.constant 5 : i32
      %add3A_98 = vector.broadcast %add3A_97 : i32 to vector<16xi32>
      %add3A_99 = arith.addi %broadcast_in_dim3A, %add3A_98 : vector<16xi32>
      %gather3A_100 = tpu.vector_load_idx %arg5[%iota3A, %add3A_99] : memref<16x512xf32, #tpu.memory_space<vmem>>[vector<16xi32>, vector<16xi32>], vector<16xf32>,
      %add3A_101 = arith.constant 80 : i32
      %add3A_102 = arith.addi %mul3A_58, %add3A_101 : i32
      %swap3A_103 = arith.index_cast %add3A_102 : i32 to index
      %swap3A_104 = tpu.vector_load %arg7[%swap3A_103] {strides = array<i32>} : memref<8192xf32, #tpu.memory_space<vmem>>, vector<16xf32>,
      tpu.vector_store %arg7[%swap3A_103], %gather3A_100 {strides = array<i32>} : memref<8192xf32, #tpu.memory_space<vmem>>, vector<16xf32>,
      %add3A_105 = arith.constant 6 : i32
      %add3A_106 = vector.broadcast %add3A_105 : i32 to vector<16xi32>
      %add3A_107 = arith.addi %broadcast_in_dim3A, %add3A_106 : vector<16xi32>
      %gather3A_108 = tpu.vector_load_idx %arg5[%iota3A, %add3A_107] : memref<16x512xf32, #tpu.memory_space<vmem>>[vector<16xi32>, vector<16xi32>], vector<16xf32>,
      %add3A_109 = arith.constant 96 : i32
      %add3A_110 = arith.addi %mul3A_58, %add3A_109 : i32
      %swap3A_111 = arith.index_cast %add3A_110 : i32 to index
      %swap3A_112 = tpu.vector_load %arg7[%swap3A_111] {strides = array<i32>} : memref<8192xf32, #tpu.memory_space<vmem>>, vector<16xf32>,
      tpu.vector_store %arg7[%swap3A_111], %gather3A_108 {strides = array<i32>} : memref<8192xf32, #tpu.memory_space<vmem>>, vector<16xf32>,
      %add3A_113 = arith.constant 7 : i32
      %add3A_114 = vector.broadcast %add3A_113 : i32 to vector<16xi32>
      %add3A_115 = arith.addi %broadcast_in_dim3A, %add3A_114 : vector<16xi32>
      %gather3A_116 = tpu.vector_load_idx %arg5[%iota3A, %add3A_115] : memref<16x512xf32, #tpu.memory_space<vmem>>[vector<16xi32>, vector<16xi32>], vector<16xf32>,
      %add3A_117 = arith.constant 112 : i32
      %add3A_118 = arith.addi %mul3A_58, %add3A_117 : i32
      %swap3A_119 = arith.index_cast %add3A_118 : i32 to index
      %swap3A_120 = tpu.vector_load %arg7[%swap3A_119] {strides = array<i32>} : memref<8192xf32, #tpu.memory_space<vmem>>, vector<16xf32>,
      tpu.vector_store %arg7[%swap3A_119], %gather3A_116 {strides = array<i32>} : memref<8192xf32, #tpu.memory_space<vmem>>, vector<16xf32>,
      %scan3A_121 = arith.constant 1 : i32
      %scan3A_122 = arith.addi %scan3A_54, %scan3A_121 : i32
      %mul3A_123 = arith.constant 8 : i32
      %mul3A_124 = arith.muli %scan3A_122, %mul3A_123 : i32
      %broadcast_in_dim3A_125 = vector.broadcast %mul3A_124 : i32 to vector<16xi32>
      %mul3A_126 = arith.constant 128 : i32
      %mul3A_127 = arith.muli %scan3A_122, %mul3A_126 : i32
      %add3A_128 = arith.constant 0 : i32
      %add3A_129 = vector.broadcast %add3A_128 : i32 to vector<16xi32>
      %add3A_130 = arith.addi %broadcast_in_dim3A_125, %add3A_129 : vector<16xi32>
      %gather3A_131 = tpu.vector_load_idx %arg5[%iota3A, %add3A_130] : memref<16x512xf32, #tpu.memory_space<vmem>>[vector<16xi32>, vector<16xi32>], vector<16xf32>,
      %add3A_132 = arith.constant 0 : i32
      %add3A_133 = arith.addi %mul3A_127, %add3A_132 : i32
      %swap3A_134 = arith.index_cast %add3A_133 : i32 to index
      %swap3A_135 = tpu.vector_load %arg7[%swap3A_134] {strides = array<i32>} : memref<8192xf32, #tpu.memory_space<vmem>>, vector<16xf32>,
      tpu.vector_store %arg7[%swap3A_134], %gather3A_131 {strides = array<i32>} : memref<8192xf32, #tpu.memory_space<vmem>>, vector<16xf32>,
      %add3A_136 = arith.constant 1 : i32
      %add3A_137 = vector.broadcast %add3A_136 : i32 to vector<16xi32>
      %add3A_138 = arith.addi %broadcast_in_dim3A_125, %add3A_137 : vector<16xi32>
      %gather3A_139 = tpu.vector_load_idx %arg5[%iota3A, %add3A_138] : memref<16x512xf32, #tpu.memory_space<vmem>>[vector<16xi32>, vector<16xi32>], vector<16xf32>,
      %add3A_140 = arith.constant 16 : i32
      %add3A_141 = arith.addi %mul3A_127, %add3A_140 : i32
      %swap3A_142 = arith.index_cast %add3A_141 : i32 to index
      %swap3A_143 = tpu.vector_load %arg7[%swap3A_142] {strides = array<i32>} : memref<8192xf32, #tpu.memory_space<vmem>>, vector<16xf32>,
      tpu.vector_store %arg7[%swap3A_142], %gather3A_139 {strides = array<i32>} : memref<8192xf32, #tpu.memory_space<vmem>>, vector<16xf32>,
      %add3A_144 = arith.constant 2 : i32
      %add3A_145 = vector.broadcast %add3A_144 : i32 to vector<16xi32>
      %add3A_146 = arith.addi %broadcast_in_dim3A_125, %add3A_145 : vector<16xi32>
      %gather3A_147 = tpu.vector_load_idx %arg5[%iota3A, %add3A_146] : memref<16x512xf32, #tpu.memory_space<vmem>>[vector<16xi32>, vector<16xi32>], vector<16xf32>,
      %add3A_148 = arith.constant 32 : i32
      %add3A_149 = arith.addi %mul3A_127, %add3A_148 : i32
      %swap3A_150 = arith.index_cast %add3A_149 : i32 to index
      %swap3A_151 = tpu.vector_load %arg7[%swap3A_150] {strides = array<i32>} : memref<8192xf32, #tpu.memory_space<vmem>>, vector<16xf32>,
      tpu.vector_store %arg7[%swap3A_150], %gather3A_147 {strides = array<i32>} : memref<8192xf32, #tpu.memory_space<vmem>>, vector<16xf32>,
      %add3A_152 = arith.constant 3 : i32
      %add3A_153 = vector.broadcast %add3A_152 : i32 to vector<16xi32>
      %add3A_154 = arith.addi %broadcast_in_dim3A_125, %add3A_153 : vector<16xi32>
      %gather3A_155 = tpu.vector_load_idx %arg5[%iota3A, %add3A_154] : memref<16x512xf32, #tpu.memory_space<vmem>>[vector<16xi32>, vector<16xi32>], vector<16xf32>,
      %add3A_156 = arith.constant 48 : i32
      %add3A_157 = arith.addi %mul3A_127, %add3A_156 : i32
      %swap3A_158 = arith.index_cast %add3A_157 : i32 to index
      %swap3A_159 = tpu.vector_load %arg7[%swap3A_158] {strides = array<i32>} : memref<8192xf32, #tpu.memory_space<vmem>>, vector<16xf32>,
      tpu.vector_store %arg7[%swap3A_158], %gather3A_155 {strides = array<i32>} : memref<8192xf32, #tpu.memory_space<vmem>>, vector<16xf32>,
      %add3A_160 = arith.constant 4 : i32
      %add3A_161 = vector.broadcast %add3A_160 : i32 to vector<16xi32>
      %add3A_162 = arith.addi %broadcast_in_dim3A_125, %add3A_161 : vector<16xi32>
      %gather3A_163 = tpu.vector_load_idx %arg5[%iota3A, %add3A_162] : memref<16x512xf32, #tpu.memory_space<vmem>>[vector<16xi32>, vector<16xi32>], vector<16xf32>,
      %add3A_164 = arith.constant 64 : i32
      %add3A_165 = arith.addi %mul3A_127, %add3A_164 : i32
      %swap3A_166 = arith.index_cast %add3A_165 : i32 to index
      %swap3A_167 = tpu.vector_load %arg7[%swap3A_166] {strides = array<i32>} : memref<8192xf32, #tpu.memory_space<vmem>>, vector<16xf32>,
      tpu.vector_store %arg7[%swap3A_166], %gather3A_163 {strides = array<i32>} : memref<8192xf32, #tpu.memory_space<vmem>>, vector<16xf32>,
      %add3A_168 = arith.constant 5 : i32
      %add3A_169 = vector.broadcast %add3A_168 : i32 to vector<16xi32>
      %add3A_170 = arith.addi %broadcast_in_dim3A_125, %add3A_169 : vector<16xi32>
      %gather3A_171 = tpu.vector_load_idx %arg5[%iota3A, %add3A_170] : memref<16x512xf32, #tpu.memory_space<vmem>>[vector<16xi32>, vector<16xi32>], vector<16xf32>,
      %add3A_172 = arith.constant 80 : i32
      %add3A_173 = arith.addi %mul3A_127, %add3A_172 : i32
      %swap3A_174 = arith.index_cast %add3A_173 : i32 to index
      %swap3A_175 = tpu.vector_load %arg7[%swap3A_174] {strides = array<i32>} : memref<8192xf32, #tpu.memory_space<vmem>>, vector<16xf32>,
      tpu.vector_store %arg7[%swap3A_174], %gather3A_171 {strides = array<i32>} : memref<8192xf32, #tpu.memory_space<vmem>>, vector<16xf32>,
      %add3A_176 = arith.constant 6 : i32
      %add3A_177 = vector.broadcast %add3A_176 : i32 to vector<16xi32>
      %add3A_178 = arith.addi %broadcast_in_dim3A_125, %add3A_177 : vector<16xi32>
      %gather3A_179 = tpu.vector_load_idx %arg5[%iota3A, %add3A_178] : memref<16x512xf32, #tpu.memory_space<vmem>>[vector<16xi32>, vector<16xi32>], vector<16xf32>,
      %add3A_180 = arith.constant 96 : i32
      %add3A_181 = arith.addi %mul3A_127, %add3A_180 : i32
      %swap3A_182 = arith.index_cast %add3A_181 : i32 to index
      %swap3A_183 = tpu.vector_load %arg7[%swap3A_182] {strides = array<i32>} : memref<8192xf32, #tpu.memory_space<vmem>>, vector<16xf32>,
      tpu.vector_store %arg7[%swap3A_182], %gather3A_179 {strides = array<i32>} : memref<8192xf32, #tpu.memory_space<vmem>>, vector<16xf32>,
      %add3A_184 = arith.constant 7 : i32
      %add3A_185 = vector.broadcast %add3A_184 : i32 to vector<16xi32>
      %add3A_186 = arith.addi %broadcast_in_dim3A_125, %add3A_185 : vector<16xi32>
      %gather3A_187 = tpu.vector_load_idx %arg5[%iota3A, %add3A_186] : memref<16x512xf32, #tpu.memory_space<vmem>>[vector<16xi32>, vector<16xi32>], vector<16xf32>,
      %add3A_188 = arith.constant 112 : i32
      %add3A_189 = arith.addi %mul3A_127, %add3A_188 : i32
      %swap3A_190 = arith.index_cast %add3A_189 : i32 to index
      %swap3A_191 = tpu.vector_load %arg7[%swap3A_190] {strides = array<i32>} : memref<8192xf32, #tpu.memory_space<vmem>>, vector<16xf32>,
      tpu.vector_store %arg7[%swap3A_190], %gather3A_187 {strides = array<i32>} : memref<8192xf32, #tpu.memory_space<vmem>>, vector<16xf32>,
    }
    %scan3A_37 = arith.constant 64 : i32
    %add3A_38 = arith.constant 60 : i32
    %add3A_39 = arith.addi %mul3A_2, %add3A_38 : i32
    %mul3A_40 = arith.constant 8192 : i32
    %mul3A_41 = arith.muli %add3A_39, %mul3A_40 : i32
    %dma_start3A_42 = tpu.memref_slice %arg4[%mul3A_41] : memref<16000000xf32, #tpu.memory_space<hbm>> -> memref<8192xf32, #tpu.memory_space<hbm>>
    %dma_start3A_43 = tpu.memref_slice %arg4[%mul3A_41] : memref<16000000xf32, #tpu.memory_space<hbm>> -> memref<8192xf32, #tpu.memory_space<hbm>>
    tpu.enqueue_dma source(%arg7 : memref<8192xf32, #tpu.memory_space<vmem>>) target(%dma_start3A_43 : memref<8192xf32, #tpu.memory_space<hbm>>) target_semaphore(%arg11 : memref<!tpu.dma_semaphore, #tpu.memory_space<semaphore_mem>>)
    %dma_wait3A_44 = arith.constant 0 : i32
    %dma_wait3A_45 = tpu.memref_slice %arg4[%dma_wait3A_44] : memref<16000000xf32, #tpu.memory_space<hbm>> -> memref<8192xf32, #tpu.memory_space<hbm>>
    %dma_wait3A_46 = arith.constant 0 : i32
    %dma_wait3A_47 = tpu.memref_slice %arg4[%dma_wait3A_46] : memref<16000000xf32, #tpu.memory_space<hbm>> -> memref<8192xf32, #tpu.memory_space<hbm>>
    tpu.wait_dma2 semaphore(%arg12 : memref<!tpu.dma_semaphore, #tpu.memory_space<semaphore_mem>>) src(%arg8 : memref<8192xf32, #tpu.memory_space<vmem>>) dst(%dma_wait3A_47 : memref<8192xf32, #tpu.memory_space<hbm>>)
    %dma_wait3A_48 = arith.constant 0 : i32
    %dma_wait3A_49 = tpu.memref_slice %arg4[%dma_wait3A_48] : memref<16000000xf32, #tpu.memory_space<hbm>> -> memref<8192xf32, #tpu.memory_space<hbm>>
    %dma_wait3A_50 = arith.constant 0 : i32
    %dma_wait3A_51 = tpu.memref_slice %arg4[%dma_wait3A_50] : memref<16000000xf32, #tpu.memory_space<hbm>> -> memref<8192xf32, #tpu.memory_space<hbm>>
    tpu.wait_dma2 semaphore(%arg11 : memref<!tpu.dma_semaphore, #tpu.memory_space<semaphore_mem>>) src(%arg7 : memref<8192xf32, #tpu.memory_space<vmem>>) dst(%dma_wait3A_51 : memref<8192xf32, #tpu.memory_space<hbm>>)
    %eq3A = arith.constant 31 : i32
    %eq3A_52 = arith.cmpi eq, %add3A, %eq3A : i32
    %convert_element_type3A = arith.extui %eq3A_52 : i1 to i32
    %cond3A = arith.constant 0 : i32
    %cond3A_53 = arith.cmpi ne, %convert_element_type3A, %cond3A : i32
    scf.if %cond3A_53 {
      "tpu.region"() ({
        %run_scoped3A = tpu.sem_alloc : memref<!tpu.dma_semaphore, #tpu.memory_space<semaphore_mem>>
        %dma_start3A_60 = arith.constant 0 : i32
        %dma_start3A_61 = arith.constant 999424 : i32
        %dma_start3A_62 = tpu.memref_slice %arg2[%dma_start3A_60, %dma_start3A_61] : memref<16x1000000xf32, #tpu.memory_space<hbm>> -> memref<16x512xf32, #tpu.memory_space<hbm>>
        %dma_start3A_63 = arith.constant 0 : i32
        %dma_start3A_64 = arith.constant 999424 : i32
        %dma_start3A_65 = tpu.memref_slice %arg2[%dma_start3A_63, %dma_start3A_64] : memref<16x1000000xf32, #tpu.memory_space<hbm>> -> memref<16x512xf32, #tpu.memory_space<hbm>>
        tpu.enqueue_dma source(%dma_start3A_65 : memref<16x512xf32, #tpu.memory_space<hbm>>) target(%arg5 : memref<16x512xf32, #tpu.memory_space<vmem>>) target_semaphore(%run_scoped3A : memref<!tpu.dma_semaphore, #tpu.memory_space<semaphore_mem>>)
        %dma_wait3A_66 = arith.constant 0 : i32
        %dma_wait3A_67 = arith.constant 999424 : i32
        %dma_wait3A_68 = tpu.memref_slice %arg2[%dma_wait3A_66, %dma_wait3A_67] : memref<16x1000000xf32, #tpu.memory_space<hbm>> -> memref<16x512xf32, #tpu.memory_space<hbm>>
        %dma_wait3A_69 = arith.constant 0 : i32
        %dma_wait3A_70 = arith.constant 999424 : i32
        %dma_wait3A_71 = tpu.memref_slice %arg2[%dma_wait3A_69, %dma_wait3A_70] : memref<16x1000000xf32, #tpu.memory_space<hbm>> -> memref<16x512xf32, #tpu.memory_space<hbm>>
        tpu.wait_dma2 semaphore(%run_scoped3A : memref<!tpu.dma_semaphore, #tpu.memory_space<semaphore_mem>>) src(%dma_wait3A_71 : memref<16x512xf32, #tpu.memory_space<hbm>>) dst(%arg5 : memref<16x512xf32, #tpu.memory_space<vmem>>)
        tpu.yield
      }) : () -> ()
      %scan3A_54 = arith.constant 0 : i32
      %scan3A_55 = arith.constant 0 : i32
      %scan3A_56 = arith.constant 64 : i32
      %scan3A_57 = arith.addi %scan3A_55, %scan3A_56 : i32
      %scan3A_58 = arith.constant 2 : i32
      scf.for %scan3A_60 = %scan3A_55 to %scan3A_57 step %scan3A_58  : i32 {
        %mul3A_61 = arith.constant 8 : i32
        %mul3A_62 = arith.muli %scan3A_60, %mul3A_61 : i32
        %broadcast_in_dim3A = vector.broadcast %mul3A_62 : i32 to vector<16xi32>
        %mul3A_63 = arith.constant 128 : i32
        %mul3A_64 = arith.muli %scan3A_60, %mul3A_63 : i32
        %add3A_65 = arith.constant 0 : i32
        %add3A_66 = vector.broadcast %add3A_65 : i32 to vector<16xi32>
        %add3A_67 = arith.addi %broadcast_in_dim3A, %add3A_66 : vector<16xi32>
        %gather3A = tpu.vector_load_idx %arg5[%iota3A, %add3A_67] : memref<16x512xf32, #tpu.memory_space<vmem>>[vector<16xi32>, vector<16xi32>], vector<16xf32>,
        %add3A_68 = arith.constant 0 : i32
        %add3A_69 = arith.addi %mul3A_64, %add3A_68 : i32
        %swap3A = arith.index_cast %add3A_69 : i32 to index
        %swap3A_70 = tpu.vector_load %arg7[%swap3A] {strides = array<i32>} : memref<8192xf32, #tpu.memory_space<vmem>>, vector<16xf32>,
        tpu.vector_store %arg7[%swap3A], %gather3A {strides = array<i32>} : memref<8192xf32, #tpu.memory_space<vmem>>, vector<16xf32>,
        %add3A_71 = arith.constant 1 : i32
        %add3A_72 = vector.broadcast %add3A_71 : i32 to vector<16xi32>
        %add3A_73 = arith.addi %broadcast_in_dim3A, %add3A_72 : vector<16xi32>
        %gather3A_74 = tpu.vector_load_idx %arg5[%iota3A, %add3A_73] : memref<16x512xf32, #tpu.memory_space<vmem>>[vector<16xi32>, vector<16xi32>], vector<16xf32>,
        %add3A_75 = arith.constant 16 : i32
        %add3A_76 = arith.addi %mul3A_64, %add3A_75 : i32
        %swap3A_77 = arith.index_cast %add3A_76 : i32 to index
        %swap3A_78 = tpu.vector_load %arg7[%swap3A_77] {strides = array<i32>} : memref<8192xf32, #tpu.memory_space<vmem>>, vector<16xf32>,
        tpu.vector_store %arg7[%swap3A_77], %gather3A_74 {strides = array<i32>} : memref<8192xf32, #tpu.memory_space<vmem>>, vector<16xf32>,
        %add3A_79 = arith.constant 2 : i32
        %add3A_80 = vector.broadcast %add3A_79 : i32 to vector<16xi32>
        %add3A_81 = arith.addi %broadcast_in_dim3A, %add3A_80 : vector<16xi32>
        %gather3A_82 = tpu.vector_load_idx %arg5[%iota3A, %add3A_81] : memref<16x512xf32, #tpu.memory_space<vmem>>[vector<16xi32>, vector<16xi32>], vector<16xf32>,
        %add3A_83 = arith.constant 32 : i32
        %add3A_84 = arith.addi %mul3A_64, %add3A_83 : i32
        %swap3A_85 = arith.index_cast %add3A_84 : i32 to index
        %swap3A_86 = tpu.vector_load %arg7[%swap3A_85] {strides = array<i32>} : memref<8192xf32, #tpu.memory_space<vmem>>, vector<16xf32>,
        tpu.vector_store %arg7[%swap3A_85], %gather3A_82 {strides = array<i32>} : memref<8192xf32, #tpu.memory_space<vmem>>, vector<16xf32>,
        %add3A_87 = arith.constant 3 : i32
        %add3A_88 = vector.broadcast %add3A_87 : i32 to vector<16xi32>
        %add3A_89 = arith.addi %broadcast_in_dim3A, %add3A_88 : vector<16xi32>
        %gather3A_90 = tpu.vector_load_idx %arg5[%iota3A, %add3A_89] : memref<16x512xf32, #tpu.memory_space<vmem>>[vector<16xi32>, vector<16xi32>], vector<16xf32>,
        %add3A_91 = arith.constant 48 : i32
        %add3A_92 = arith.addi %mul3A_64, %add3A_91 : i32
        %swap3A_93 = arith.index_cast %add3A_92 : i32 to index
        %swap3A_94 = tpu.vector_load %arg7[%swap3A_93] {strides = array<i32>} : memref<8192xf32, #tpu.memory_space<vmem>>, vector<16xf32>,
        tpu.vector_store %arg7[%swap3A_93], %gather3A_90 {strides = array<i32>} : memref<8192xf32, #tpu.memory_space<vmem>>, vector<16xf32>,
        %add3A_95 = arith.constant 4 : i32
        %add3A_96 = vector.broadcast %add3A_95 : i32 to vector<16xi32>
        %add3A_97 = arith.addi %broadcast_in_dim3A, %add3A_96 : vector<16xi32>
        %gather3A_98 = tpu.vector_load_idx %arg5[%iota3A, %add3A_97] : memref<16x512xf32, #tpu.memory_space<vmem>>[vector<16xi32>, vector<16xi32>], vector<16xf32>,
        %add3A_99 = arith.constant 64 : i32
        %add3A_100 = arith.addi %mul3A_64, %add3A_99 : i32
        %swap3A_101 = arith.index_cast %add3A_100 : i32 to index
        %swap3A_102 = tpu.vector_load %arg7[%swap3A_101] {strides = array<i32>} : memref<8192xf32, #tpu.memory_space<vmem>>, vector<16xf32>,
        tpu.vector_store %arg7[%swap3A_101], %gather3A_98 {strides = array<i32>} : memref<8192xf32, #tpu.memory_space<vmem>>, vector<16xf32>,
        %add3A_103 = arith.constant 5 : i32
        %add3A_104 = vector.broadcast %add3A_103 : i32 to vector<16xi32>
        %add3A_105 = arith.addi %broadcast_in_dim3A, %add3A_104 : vector<16xi32>
        %gather3A_106 = tpu.vector_load_idx %arg5[%iota3A, %add3A_105] : memref<16x512xf32, #tpu.memory_space<vmem>>[vector<16xi32>, vector<16xi32>], vector<16xf32>,
        %add3A_107 = arith.constant 80 : i32
        %add3A_108 = arith.addi %mul3A_64, %add3A_107 : i32
        %swap3A_109 = arith.index_cast %add3A_108 : i32 to index
        %swap3A_110 = tpu.vector_load %arg7[%swap3A_109] {strides = array<i32>} : memref<8192xf32, #tpu.memory_space<vmem>>, vector<16xf32>,
        tpu.vector_store %arg7[%swap3A_109], %gather3A_106 {strides = array<i32>} : memref<8192xf32, #tpu.memory_space<vmem>>, vector<16xf32>,
        %add3A_111 = arith.constant 6 : i32
        %add3A_112 = vector.broadcast %add3A_111 : i32 to vector<16xi32>
        %add3A_113 = arith.addi %broadcast_in_dim3A, %add3A_112 : vector<16xi32>
        %gather3A_114 = tpu.vector_load_idx %arg5[%iota3A, %add3A_113] : memref<16x512xf32, #tpu.memory_space<vmem>>[vector<16xi32>, vector<16xi32>], vector<16xf32>,
        %add3A_115 = arith.constant 96 : i32
        %add3A_116 = arith.addi %mul3A_64, %add3A_115 : i32
        %swap3A_117 = arith.index_cast %add3A_116 : i32 to index
        %swap3A_118 = tpu.vector_load %arg7[%swap3A_117] {strides = array<i32>} : memref<8192xf32, #tpu.memory_space<vmem>>, vector<16xf32>,
        tpu.vector_store %arg7[%swap3A_117], %gather3A_114 {strides = array<i32>} : memref<8192xf32, #tpu.memory_space<vmem>>, vector<16xf32>,
        %add3A_119 = arith.constant 7 : i32
        %add3A_120 = vector.broadcast %add3A_119 : i32 to vector<16xi32>
        %add3A_121 = arith.addi %broadcast_in_dim3A, %add3A_120 : vector<16xi32>
        %gather3A_122 = tpu.vector_load_idx %arg5[%iota3A, %add3A_121] : memref<16x512xf32, #tpu.memory_space<vmem>>[vector<16xi32>, vector<16xi32>], vector<16xf32>,
        %add3A_123 = arith.constant 112 : i32
        %add3A_124 = arith.addi %mul3A_64, %add3A_123 : i32
        %swap3A_125 = arith.index_cast %add3A_124 : i32 to index
        %swap3A_126 = tpu.vector_load %arg7[%swap3A_125] {strides = array<i32>} : memref<8192xf32, #tpu.memory_space<vmem>>, vector<16xf32>,
        tpu.vector_store %arg7[%swap3A_125], %gather3A_122 {strides = array<i32>} : memref<8192xf32, #tpu.memory_space<vmem>>, vector<16xf32>,
        %scan3A_127 = arith.constant 1 : i32
        %scan3A_128 = arith.addi %scan3A_60, %scan3A_127 : i32
        %mul3A_129 = arith.constant 8 : i32
        %mul3A_130 = arith.muli %scan3A_128, %mul3A_129 : i32
        %broadcast_in_dim3A_131 = vector.broadcast %mul3A_130 : i32 to vector<16xi32>
        %mul3A_132 = arith.constant 128 : i32
        %mul3A_133 = arith.muli %scan3A_128, %mul3A_132 : i32
        %add3A_134 = arith.constant 0 : i32
        %add3A_135 = vector.broadcast %add3A_134 : i32 to vector<16xi32>
        %add3A_136 = arith.addi %broadcast_in_dim3A_131, %add3A_135 : vector<16xi32>
        %gather3A_137 = tpu.vector_load_idx %arg5[%iota3A, %add3A_136] : memref<16x512xf32, #tpu.memory_space<vmem>>[vector<16xi32>, vector<16xi32>], vector<16xf32>,
        %add3A_138 = arith.constant 0 : i32
        %add3A_139 = arith.addi %mul3A_133, %add3A_138 : i32
        %swap3A_140 = arith.index_cast %add3A_139 : i32 to index
        %swap3A_141 = tpu.vector_load %arg7[%swap3A_140] {strides = array<i32>} : memref<8192xf32, #tpu.memory_space<vmem>>, vector<16xf32>,
        tpu.vector_store %arg7[%swap3A_140], %gather3A_137 {strides = array<i32>} : memref<8192xf32, #tpu.memory_space<vmem>>, vector<16xf32>,
        %add3A_142 = arith.constant 1 : i32
        %add3A_143 = vector.broadcast %add3A_142 : i32 to vector<16xi32>
        %add3A_144 = arith.addi %broadcast_in_dim3A_131, %add3A_143 : vector<16xi32>
        %gather3A_145 = tpu.vector_load_idx %arg5[%iota3A, %add3A_144] : memref<16x512xf32, #tpu.memory_space<vmem>>[vector<16xi32>, vector<16xi32>], vector<16xf32>,
        %add3A_146 = arith.constant 16 : i32
        %add3A_147 = arith.addi %mul3A_133, %add3A_146 : i32
        %swap3A_148 = arith.index_cast %add3A_147 : i32 to index
        %swap3A_149 = tpu.vector_load %arg7[%swap3A_148] {strides = array<i32>} : memref<8192xf32, #tpu.memory_space<vmem>>, vector<16xf32>,
        tpu.vector_store %arg7[%swap3A_148], %gather3A_145 {strides = array<i32>} : memref<8192xf32, #tpu.memory_space<vmem>>, vector<16xf32>,
        %add3A_150 = arith.constant 2 : i32
        %add3A_151 = vector.broadcast %add3A_150 : i32 to vector<16xi32>
        %add3A_152 = arith.addi %broadcast_in_dim3A_131, %add3A_151 : vector<16xi32>
        %gather3A_153 = tpu.vector_load_idx %arg5[%iota3A, %add3A_152] : memref<16x512xf32, #tpu.memory_space<vmem>>[vector<16xi32>, vector<16xi32>], vector<16xf32>,
        %add3A_154 = arith.constant 32 : i32
        %add3A_155 = arith.addi %mul3A_133, %add3A_154 : i32
        %swap3A_156 = arith.index_cast %add3A_155 : i32 to index
        %swap3A_157 = tpu.vector_load %arg7[%swap3A_156] {strides = array<i32>} : memref<8192xf32, #tpu.memory_space<vmem>>, vector<16xf32>,
        tpu.vector_store %arg7[%swap3A_156], %gather3A_153 {strides = array<i32>} : memref<8192xf32, #tpu.memory_space<vmem>>, vector<16xf32>,
        %add3A_158 = arith.constant 3 : i32
        %add3A_159 = vector.broadcast %add3A_158 : i32 to vector<16xi32>
        %add3A_160 = arith.addi %broadcast_in_dim3A_131, %add3A_159 : vector<16xi32>
        %gather3A_161 = tpu.vector_load_idx %arg5[%iota3A, %add3A_160] : memref<16x512xf32, #tpu.memory_space<vmem>>[vector<16xi32>, vector<16xi32>], vector<16xf32>,
        %add3A_162 = arith.constant 48 : i32
        %add3A_163 = arith.addi %mul3A_133, %add3A_162 : i32
        %swap3A_164 = arith.index_cast %add3A_163 : i32 to index
        %swap3A_165 = tpu.vector_load %arg7[%swap3A_164] {strides = array<i32>} : memref<8192xf32, #tpu.memory_space<vmem>>, vector<16xf32>,
        tpu.vector_store %arg7[%swap3A_164], %gather3A_161 {strides = array<i32>} : memref<8192xf32, #tpu.memory_space<vmem>>, vector<16xf32>,
        %add3A_166 = arith.constant 4 : i32
        %add3A_167 = vector.broadcast %add3A_166 : i32 to vector<16xi32>
        %add3A_168 = arith.addi %broadcast_in_dim3A_131, %add3A_167 : vector<16xi32>
        %gather3A_169 = tpu.vector_load_idx %arg5[%iota3A, %add3A_168] : memref<16x512xf32, #tpu.memory_space<vmem>>[vector<16xi32>, vector<16xi32>], vector<16xf32>,
        %add3A_170 = arith.constant 64 : i32
        %add3A_171 = arith.addi %mul3A_133, %add3A_170 : i32
        %swap3A_172 = arith.index_cast %add3A_171 : i32 to index
        %swap3A_173 = tpu.vector_load %arg7[%swap3A_172] {strides = array<i32>} : memref<8192xf32, #tpu.memory_space<vmem>>, vector<16xf32>,
        tpu.vector_store %arg7[%swap3A_172], %gather3A_169 {strides = array<i32>} : memref<8192xf32, #tpu.memory_space<vmem>>, vector<16xf32>,
        %add3A_174 = arith.constant 5 : i32
        %add3A_175 = vector.broadcast %add3A_174 : i32 to vector<16xi32>
        %add3A_176 = arith.addi %broadcast_in_dim3A_131, %add3A_175 : vector<16xi32>
        %gather3A_177 = tpu.vector_load_idx %arg5[%iota3A, %add3A_176] : memref<16x512xf32, #tpu.memory_space<vmem>>[vector<16xi32>, vector<16xi32>], vector<16xf32>,
        %add3A_178 = arith.constant 80 : i32
        %add3A_179 = arith.addi %mul3A_133, %add3A_178 : i32
        %swap3A_180 = arith.index_cast %add3A_179 : i32 to index
        %swap3A_181 = tpu.vector_load %arg7[%swap3A_180] {strides = array<i32>} : memref<8192xf32, #tpu.memory_space<vmem>>, vector<16xf32>,
        tpu.vector_store %arg7[%swap3A_180], %gather3A_177 {strides = array<i32>} : memref<8192xf32, #tpu.memory_space<vmem>>, vector<16xf32>,
        %add3A_182 = arith.constant 6 : i32
        %add3A_183 = vector.broadcast %add3A_182 : i32 to vector<16xi32>
        %add3A_184 = arith.addi %broadcast_in_dim3A_131, %add3A_183 : vector<16xi32>
        %gather3A_185 = tpu.vector_load_idx %arg5[%iota3A, %add3A_184] : memref<16x512xf32, #tpu.memory_space<vmem>>[vector<16xi32>, vector<16xi32>], vector<16xf32>,
        %add3A_186 = arith.constant 96 : i32
        %add3A_187 = arith.addi %mul3A_133, %add3A_186 : i32
        %swap3A_188 = arith.index_cast %add3A_187 : i32 to index
        %swap3A_189 = tpu.vector_load %arg7[%swap3A_188] {strides = array<i32>} : memref<8192xf32, #tpu.memory_space<vmem>>, vector<16xf32>,
        tpu.vector_store %arg7[%swap3A_188], %gather3A_185 {strides = array<i32>} : memref<8192xf32, #tpu.memory_space<vmem>>, vector<16xf32>,
        %add3A_190 = arith.constant 7 : i32
        %add3A_191 = vector.broadcast %add3A_190 : i32 to vector<16xi32>
        %add3A_192 = arith.addi %broadcast_in_dim3A_131, %add3A_191 : vector<16xi32>
        %gather3A_193 = tpu.vector_load_idx %arg5[%iota3A, %add3A_192] : memref<16x512xf32, #tpu.memory_space<vmem>>[vector<16xi32>, vector<16xi32>], vector<16xf32>,
        %add3A_194 = arith.constant 112 : i32
        %add3A_195 = arith.addi %mul3A_133, %add3A_194 : i32
        %swap3A_196 = arith.index_cast %add3A_195 : i32 to index
        %swap3A_197 = tpu.vector_load %arg7[%swap3A_196] {strides = array<i32>} : memref<8192xf32, #tpu.memory_space<vmem>>, vector<16xf32>,
        tpu.vector_store %arg7[%swap3A_196], %gather3A_193 {strides = array<i32>} : memref<8192xf32, #tpu.memory_space<vmem>>, vector<16xf32>,
      }
      %scan3A_59 = arith.constant 64 : i32
      "tpu.region"() ({
        %run_scoped3A = tpu.sem_alloc : memref<!tpu.dma_semaphore, #tpu.memory_space<semaphore_mem>>
        %dma_start3A_60 = arith.constant 15990784 : i32
        %dma_start3A_61 = tpu.memref_slice %arg4[%dma_start3A_60] : memref<16000000xf32, #tpu.memory_space<hbm>> -> memref<8192xf32, #tpu.memory_space<hbm>>
        %dma_start3A_62 = arith.constant 15990784 : i32
        %dma_start3A_63 = tpu.memref_slice %arg4[%dma_start3A_62] : memref<16000000xf32, #tpu.memory_space<hbm>> -> memref<8192xf32, #tpu.memory_space<hbm>>
        tpu.enqueue_dma source(%arg7 : memref<8192xf32, #tpu.memory_space<vmem>>) target(%dma_start3A_63 : memref<8192xf32, #tpu.memory_space<hbm>>) target_semaphore(%run_scoped3A : memref<!tpu.dma_semaphore, #tpu.memory_space<semaphore_mem>>)
        %dma_wait3A_64 = arith.constant 15990784 : i32
        %dma_wait3A_65 = tpu.memref_slice %arg4[%dma_wait3A_64] : memref<16000000xf32, #tpu.memory_space<hbm>> -> memref<8192xf32, #tpu.memory_space<hbm>>
        %dma_wait3A_66 = arith.constant 15990784 : i32
        %dma_wait3A_67 = tpu.memref_slice %arg4[%dma_wait3A_66] : memref<16000000xf32, #tpu.memory_space<hbm>> -> memref<8192xf32, #tpu.memory_space<hbm>>
        tpu.wait_dma2 semaphore(%run_scoped3A : memref<!tpu.dma_semaphore, #tpu.memory_space<semaphore_mem>>) src(%arg7 : memref<8192xf32, #tpu.memory_space<vmem>>) dst(%dma_wait3A_67 : memref<8192xf32, #tpu.memory_space<hbm>>)
        tpu.yield
      }) : () -> ()
      "tpu.region"() ({
        %run_scoped3A = tpu.sem_alloc : memref<!tpu.dma_semaphore, #tpu.memory_space<semaphore_mem>>
        %dma_start3A_60 = arith.constant 0 : i32
        %dma_start3A_61 = tpu.memref_slice %arg8[%dma_start3A_60] : memref<8192xf32, #tpu.memory_space<vmem>> -> memref<1024xf32, #tpu.memory_space<vmem>>
        %dma_start3A_62 = arith.constant 0 : i32
        %dma_start3A_63 = tpu.memref_slice %arg8[%dma_start3A_62] : memref<8192xf32, #tpu.memory_space<vmem>> -> memref<1024xf32, #tpu.memory_space<vmem>>
        tpu.enqueue_dma source(%arg3 : memref<1024xf32, #tpu.memory_space<hbm>>) target(%dma_start3A_63 : memref<1024xf32, #tpu.memory_space<vmem>>) target_semaphore(%run_scoped3A : memref<!tpu.dma_semaphore, #tpu.memory_space<semaphore_mem>>)
        %dma_wait3A_64 = arith.constant 0 : i32
        %dma_wait3A_65 = tpu.memref_slice %arg8[%dma_wait3A_64] : memref<8192xf32, #tpu.memory_space<vmem>> -> memref<1024xf32, #tpu.memory_space<vmem>>
        %dma_wait3A_66 = arith.constant 0 : i32
        %dma_wait3A_67 = tpu.memref_slice %arg8[%dma_wait3A_66] : memref<8192xf32, #tpu.memory_space<vmem>> -> memref<1024xf32, #tpu.memory_space<vmem>>
        tpu.wait_dma2 semaphore(%run_scoped3A : memref<!tpu.dma_semaphore, #tpu.memory_space<semaphore_mem>>) src(%arg3 : memref<1024xf32, #tpu.memory_space<hbm>>) dst(%dma_wait3A_67 : memref<1024xf32, #tpu.memory_space<vmem>>)
        tpu.yield
      }) : () -> ()
      "tpu.region"() ({
        %run_scoped3A = tpu.sem_alloc : memref<!tpu.dma_semaphore, #tpu.memory_space<semaphore_mem>>
        %dma_start3A_60 = arith.constant 0 : i32
        %dma_start3A_61 = tpu.memref_slice %arg8[%dma_start3A_60] : memref<8192xf32, #tpu.memory_space<vmem>> -> memref<1024xf32, #tpu.memory_space<vmem>>
        %dma_start3A_62 = arith.constant 15998976 : i32
        %dma_start3A_63 = tpu.memref_slice %arg4[%dma_start3A_62] : memref<16000000xf32, #tpu.memory_space<hbm>> -> memref<1024xf32, #tpu.memory_space<hbm>>
        %dma_start3A_64 = arith.constant 15998976 : i32
        %dma_start3A_65 = tpu.memref_slice %arg4[%dma_start3A_64] : memref<16000000xf32, #tpu.memory_space<hbm>> -> memref<1024xf32, #tpu.memory_space<hbm>>
        %dma_start3A_66 = arith.constant 0 : i32
        %dma_start3A_67 = tpu.memref_slice %arg8[%dma_start3A_66] : memref<8192xf32, #tpu.memory_space<vmem>> -> memref<1024xf32, #tpu.memory_space<vmem>>
        tpu.enqueue_dma source(%dma_start3A_67 : memref<1024xf32, #tpu.memory_space<vmem>>) target(%dma_start3A_65 : memref<1024xf32, #tpu.memory_space<hbm>>) target_semaphore(%run_scoped3A : memref<!tpu.dma_semaphore, #tpu.memory_space<semaphore_mem>>)
        %dma_wait3A_68 = arith.constant 0 : i32
        %dma_wait3A_69 = tpu.memref_slice %arg8[%dma_wait3A_68] : memref<8192xf32, #tpu.memory_space<vmem>> -> memref<1024xf32, #tpu.memory_space<vmem>>
        %dma_wait3A_70 = arith.constant 15998976 : i32
        %dma_wait3A_71 = tpu.memref_slice %arg4[%dma_wait3A_70] : memref<16000000xf32, #tpu.memory_space<hbm>> -> memref<1024xf32, #tpu.memory_space<hbm>>
        %dma_wait3A_72 = arith.constant 15998976 : i32
        %dma_wait3A_73 = tpu.memref_slice %arg4[%dma_wait3A_72] : memref<16000000xf32, #tpu.memory_space<hbm>> -> memref<1024xf32, #tpu.memory_space<hbm>>
        %dma_wait3A_74 = arith.constant 0 : i32
        %dma_wait3A_75 = tpu.memref_slice %arg8[%dma_wait3A_74] : memref<8192xf32, #tpu.memory_space<vmem>> -> memref<1024xf32, #tpu.memory_space<vmem>>
        tpu.wait_dma2 semaphore(%run_scoped3A : memref<!tpu.dma_semaphore, #tpu.memory_space<semaphore_mem>>) src(%dma_wait3A_75 : memref<1024xf32, #tpu.memory_space<vmem>>) dst(%dma_wait3A_73 : memref<1024xf32, #tpu.memory_space<hbm>>)
        tpu.yield
      }) : () -> ()
    } else {
    }
    return
  }
}

#map = affine_map<(d0, d1) -> (0)>
#map1 = affine_map<(d0, d1) -> (0, 0)>
#map2 = affine_map<(d0, d1) -> (0, 0, 0)>
module attributes {stable_mosaic.version = 14 : i64} {
  func.func @_gather_kernel(%arg0: i32, %arg1: i32, %arg2: memref<425984xi32, #tpu.memory_space<hbm>>, %arg3: memref<1000000x16xf32, #tpu.memory_space<hbm>>, %arg4: memref<26x16x16384xf32, #tpu.memory_space<hbm>>, %arg5: memref<1664xi32, #tpu.memory_space<vmem>>, %arg6: memref<1664x16xf32, #tpu.memory_space<vmem>>, %arg7: memref<26x16x64xf32, #tpu.memory_space<vmem>>, %arg8: memref<!tpu.dma_semaphore, #tpu.memory_space<semaphore_mem>>) attributes {dimension_semantics = [#tpu.dimension_semantics<core_parallel>, #tpu.dimension_semantics<subcore_parallel>], iteration_bounds = array<i64: 2, 16>, scalar_prefetch = 0 : i64, scratch_operands = 4 : i64, tpu.core_type = #tpu.core_type<sc_vector_subcore>, window_params = [{transform_indices = #map}, {transform_indices = #map1}, {transform_indices = #map2}]} {
    %mul3A = arith.constant 2 : i32
    %mul3A_0 = arith.muli %arg1, %mul3A : i32
    %add3A = arith.addi %mul3A_0, %arg0 : i32
    %mul3A_1 = arith.constant 512 : i32
    %mul3A_2 = arith.muli %add3A, %mul3A_1 : i32
    %mul3A_3 = arith.constant 26 : i32
    %mul3A_4 = arith.muli %mul3A_2, %mul3A_3 : i32
    %iota3A = tpu.iota {dimensions = array<i32: 0>} : vector<16xi32>
    %mul3A_5 = arith.constant 26 : i32
    %mul3A_6 = vector.broadcast %mul3A_5 : i32 to vector<16xi32>
    %mul3A_7 = arith.muli %iota3A, %mul3A_6 : vector<16xi32>
    %broadcast_in_dim3A = arith.constant 0 : i32
    %broadcast_in_dim3A_8 = vector.broadcast %broadcast_in_dim3A : i32 to vector<16xi32>
    %broadcast_in_dim3A_9 = arith.constant 1 : i32
    %broadcast_in_dim3A_10 = vector.broadcast %broadcast_in_dim3A_9 : i32 to vector<16xi32>
    %broadcast_in_dim3A_11 = arith.constant 2 : i32
    %broadcast_in_dim3A_12 = vector.broadcast %broadcast_in_dim3A_11 : i32 to vector<16xi32>
    %broadcast_in_dim3A_13 = arith.constant 3 : i32
    %broadcast_in_dim3A_14 = vector.broadcast %broadcast_in_dim3A_13 : i32 to vector<16xi32>
    %broadcast_in_dim3A_15 = arith.constant 4 : i32
    %broadcast_in_dim3A_16 = vector.broadcast %broadcast_in_dim3A_15 : i32 to vector<16xi32>
    %broadcast_in_dim3A_17 = arith.constant 5 : i32
    %broadcast_in_dim3A_18 = vector.broadcast %broadcast_in_dim3A_17 : i32 to vector<16xi32>
    %broadcast_in_dim3A_19 = arith.constant 6 : i32
    %broadcast_in_dim3A_20 = vector.broadcast %broadcast_in_dim3A_19 : i32 to vector<16xi32>
    %broadcast_in_dim3A_21 = arith.constant 7 : i32
    %broadcast_in_dim3A_22 = vector.broadcast %broadcast_in_dim3A_21 : i32 to vector<16xi32>
    %broadcast_in_dim3A_23 = arith.constant 8 : i32
    %broadcast_in_dim3A_24 = vector.broadcast %broadcast_in_dim3A_23 : i32 to vector<16xi32>
    %broadcast_in_dim3A_25 = arith.constant 9 : i32
    %broadcast_in_dim3A_26 = vector.broadcast %broadcast_in_dim3A_25 : i32 to vector<16xi32>
    %broadcast_in_dim3A_27 = arith.constant 10 : i32
    %broadcast_in_dim3A_28 = vector.broadcast %broadcast_in_dim3A_27 : i32 to vector<16xi32>
    %broadcast_in_dim3A_29 = arith.constant 11 : i32
    %broadcast_in_dim3A_30 = vector.broadcast %broadcast_in_dim3A_29 : i32 to vector<16xi32>
    %broadcast_in_dim3A_31 = arith.constant 12 : i32
    %broadcast_in_dim3A_32 = vector.broadcast %broadcast_in_dim3A_31 : i32 to vector<16xi32>
    %broadcast_in_dim3A_33 = arith.constant 13 : i32
    %broadcast_in_dim3A_34 = vector.broadcast %broadcast_in_dim3A_33 : i32 to vector<16xi32>
    %broadcast_in_dim3A_35 = arith.constant 14 : i32
    %broadcast_in_dim3A_36 = vector.broadcast %broadcast_in_dim3A_35 : i32 to vector<16xi32>
    %broadcast_in_dim3A_37 = arith.constant 15 : i32
    %broadcast_in_dim3A_38 = vector.broadcast %broadcast_in_dim3A_37 : i32 to vector<16xi32>
    %scan3A = arith.constant 0 : i32
    %scan3A_39 = arith.constant 0 : i32
    %scan3A_40 = arith.constant 8 : i32
    %scan3A_41 = arith.addi %scan3A_39, %scan3A_40 : i32
    %scan3A_42 = arith.constant 1 : i32
    scf.for %scan3A_44 = %scan3A_39 to %scan3A_41 step %scan3A_42  : i32 {
      %mul3A_45 = arith.constant 1664 : i32
      %mul3A_46 = arith.muli %scan3A_44, %mul3A_45 : i32
      %add3A_47 = arith.addi %mul3A_4, %mul3A_46 : i32
      "tpu.region"() ({
        %run_scoped3A = tpu.sem_alloc : memref<!tpu.dma_semaphore, #tpu.memory_space<semaphore_mem>>
        %dma_start3A_63 = tpu.memref_slice %arg2[%add3A_47] : memref<425984xi32, #tpu.memory_space<hbm>> -> memref<1664xi32, #tpu.memory_space<hbm>>
        %dma_start3A_64 = tpu.memref_slice %arg2[%add3A_47] : memref<425984xi32, #tpu.memory_space<hbm>> -> memref<1664xi32, #tpu.memory_space<hbm>>
        tpu.enqueue_dma source(%dma_start3A_64 : memref<1664xi32, #tpu.memory_space<hbm>>) target(%arg5 : memref<1664xi32, #tpu.memory_space<vmem>>) target_semaphore(%run_scoped3A : memref<!tpu.dma_semaphore, #tpu.memory_space<semaphore_mem>>)
        %dma_wait3A_65 = tpu.memref_slice %arg2[%add3A_47] : memref<425984xi32, #tpu.memory_space<hbm>> -> memref<1664xi32, #tpu.memory_space<hbm>>
        %dma_wait3A_66 = tpu.memref_slice %arg2[%add3A_47] : memref<425984xi32, #tpu.memory_space<hbm>> -> memref<1664xi32, #tpu.memory_space<hbm>>
        tpu.wait_dma2 semaphore(%run_scoped3A : memref<!tpu.dma_semaphore, #tpu.memory_space<semaphore_mem>>) src(%dma_wait3A_66 : memref<1664xi32, #tpu.memory_space<hbm>>) dst(%arg5 : memref<1664xi32, #tpu.memory_space<vmem>>)
        tpu.yield
      }) : () -> ()
      %dma_start3A = arith.constant 0 : i32
      %dma_start3A_48 = arith.constant 0 : i32
      %dma_start3A_49 = tpu.memref_slice %arg3[%dma_start3A, %dma_start3A_48] : memref<1000000x16xf32, #tpu.memory_space<hbm>> -> memref<1000000x16xf32, #tpu.memory_space<hbm>>
      tpu.enqueue_indirect_dma source(%dma_start3A_49 : memref<1000000x16xf32, #tpu.memory_space<hbm>>) target(%arg6 : memref<1664x16xf32, #tpu.memory_space<vmem>>) offsets(%arg5 : memref<1664xi32, #tpu.memory_space<vmem>>) semaphore(%arg8 : memref<!tpu.dma_semaphore, #tpu.memory_space<semaphore_mem>>)
      %dma_wait3A = arith.constant 0 : i32
      %dma_wait3A_50 = arith.constant 0 : i32
      %dma_wait3A_51 = tpu.memref_slice %arg3[%dma_wait3A, %dma_wait3A_50] : memref<1000000x16xf32, #tpu.memory_space<hbm>> -> memref<1000000x16xf32, #tpu.memory_space<hbm>>
      tpu.wait_indirect_dma semaphore(%arg8 : memref<!tpu.dma_semaphore, #tpu.memory_space<semaphore_mem>>) src(%dma_wait3A_51 : memref<1000000x16xf32, #tpu.memory_space<hbm>>) dst(%arg6 : memref<1664x16xf32, #tpu.memory_space<vmem>>)
      %scan3A_52 = arith.constant 0 : i32
      %scan3A_53 = arith.constant 0 : i32
      %scan3A_54 = arith.constant 4 : i32
      %scan3A_55 = arith.addi %scan3A_53, %scan3A_54 : i32
      %scan3A_56 = arith.constant 1 : i32
      scf.for %scan3A_63 = %scan3A_53 to %scan3A_55 step %scan3A_56  : i32 {
        %mul3A_64 = arith.constant 416 : i32
        %mul3A_65 = arith.muli %scan3A_63, %mul3A_64 : i32
        %add3A_66 = vector.broadcast %mul3A_65 : i32 to vector<16xi32>
        %add3A_67 = arith.addi %mul3A_7, %add3A_66 : vector<16xi32>
        %scan3A_68 = arith.constant 0 : i32
        %scan3A_69 = arith.constant 0 : i32
        %scan3A_70 = arith.constant 26 : i32
        %scan3A_71 = arith.addi %scan3A_69, %scan3A_70 : i32
        %scan3A_72 = arith.constant 2 : i32
        scf.for %scan3A_74 = %scan3A_69 to %scan3A_71 step %scan3A_72  : i32 {
          %add3A_75 = vector.broadcast %scan3A_74 : i32 to vector<16xi32>
          %add3A_76 = arith.addi %add3A_67, %add3A_75 : vector<16xi32>
          %gather3A = tpu.vector_load_idx %arg6[%add3A_76, %broadcast_in_dim3A_8] : memref<1664x16xf32, #tpu.memory_space<vmem>>[vector<16xi32>, vector<16xi32>], vector<16xf32>,
          %mul3A_77 = arith.constant 16 : i32
          %mul3A_78 = arith.muli %scan3A_63, %mul3A_77 : i32
          %swap3A = arith.constant 0 : i32
          %swap3A_79 = arith.index_cast %scan3A_74 : i32 to index
          %swap3A_80 = arith.index_cast %swap3A : i32 to index
          %swap3A_81 = arith.index_cast %mul3A_78 : i32 to index
          %swap3A_82 = tpu.vector_load %arg7[%swap3A_79, %swap3A_80, %swap3A_81] {strides = array<i32>} : memref<26x16x64xf32, #tpu.memory_space<vmem>>, vector<16xf32>,
          tpu.vector_store %arg7[%swap3A_79, %swap3A_80, %swap3A_81], %gather3A {strides = array<i32>} : memref<26x16x64xf32, #tpu.memory_space<vmem>>, vector<16xf32>,
          %gather3A_83 = tpu.vector_load_idx %arg6[%add3A_76, %broadcast_in_dim3A_10] : memref<1664x16xf32, #tpu.memory_space<vmem>>[vector<16xi32>, vector<16xi32>], vector<16xf32>,
          %mul3A_84 = arith.constant 16 : i32
          %mul3A_85 = arith.muli %scan3A_63, %mul3A_84 : i32
          %swap3A_86 = arith.constant 1 : i32
          %swap3A_87 = arith.index_cast %scan3A_74 : i32 to index
          %swap3A_88 = arith.index_cast %swap3A_86 : i32 to index
          %swap3A_89 = arith.index_cast %mul3A_85 : i32 to index
          %swap3A_90 = tpu.vector_load %arg7[%swap3A_87, %swap3A_88, %swap3A_89] {strides = array<i32>} : memref<26x16x64xf32, #tpu.memory_space<vmem>>, vector<16xf32>,
          tpu.vector_store %arg7[%swap3A_87, %swap3A_88, %swap3A_89], %gather3A_83 {strides = array<i32>} : memref<26x16x64xf32, #tpu.memory_space<vmem>>, vector<16xf32>,
          %gather3A_91 = tpu.vector_load_idx %arg6[%add3A_76, %broadcast_in_dim3A_12] : memref<1664x16xf32, #tpu.memory_space<vmem>>[vector<16xi32>, vector<16xi32>], vector<16xf32>,
          %mul3A_92 = arith.constant 16 : i32
          %mul3A_93 = arith.muli %scan3A_63, %mul3A_92 : i32
          %swap3A_94 = arith.constant 2 : i32
          %swap3A_95 = arith.index_cast %scan3A_74 : i32 to index
          %swap3A_96 = arith.index_cast %swap3A_94 : i32 to index
          %swap3A_97 = arith.index_cast %mul3A_93 : i32 to index
          %swap3A_98 = tpu.vector_load %arg7[%swap3A_95, %swap3A_96, %swap3A_97] {strides = array<i32>} : memref<26x16x64xf32, #tpu.memory_space<vmem>>, vector<16xf32>,
          tpu.vector_store %arg7[%swap3A_95, %swap3A_96, %swap3A_97], %gather3A_91 {strides = array<i32>} : memref<26x16x64xf32, #tpu.memory_space<vmem>>, vector<16xf32>,
          %gather3A_99 = tpu.vector_load_idx %arg6[%add3A_76, %broadcast_in_dim3A_14] : memref<1664x16xf32, #tpu.memory_space<vmem>>[vector<16xi32>, vector<16xi32>], vector<16xf32>,
          %mul3A_100 = arith.constant 16 : i32
          %mul3A_101 = arith.muli %scan3A_63, %mul3A_100 : i32
          %swap3A_102 = arith.constant 3 : i32
          %swap3A_103 = arith.index_cast %scan3A_74 : i32 to index
          %swap3A_104 = arith.index_cast %swap3A_102 : i32 to index
          %swap3A_105 = arith.index_cast %mul3A_101 : i32 to index
          %swap3A_106 = tpu.vector_load %arg7[%swap3A_103, %swap3A_104, %swap3A_105] {strides = array<i32>} : memref<26x16x64xf32, #tpu.memory_space<vmem>>, vector<16xf32>,
          tpu.vector_store %arg7[%swap3A_103, %swap3A_104, %swap3A_105], %gather3A_99 {strides = array<i32>} : memref<26x16x64xf32, #tpu.memory_space<vmem>>, vector<16xf32>,
          %gather3A_107 = tpu.vector_load_idx %arg6[%add3A_76, %broadcast_in_dim3A_16] : memref<1664x16xf32, #tpu.memory_space<vmem>>[vector<16xi32>, vector<16xi32>], vector<16xf32>,
          %mul3A_108 = arith.constant 16 : i32
          %mul3A_109 = arith.muli %scan3A_63, %mul3A_108 : i32
          %swap3A_110 = arith.constant 4 : i32
          %swap3A_111 = arith.index_cast %scan3A_74 : i32 to index
          %swap3A_112 = arith.index_cast %swap3A_110 : i32 to index
          %swap3A_113 = arith.index_cast %mul3A_109 : i32 to index
          %swap3A_114 = tpu.vector_load %arg7[%swap3A_111, %swap3A_112, %swap3A_113] {strides = array<i32>} : memref<26x16x64xf32, #tpu.memory_space<vmem>>, vector<16xf32>,
          tpu.vector_store %arg7[%swap3A_111, %swap3A_112, %swap3A_113], %gather3A_107 {strides = array<i32>} : memref<26x16x64xf32, #tpu.memory_space<vmem>>, vector<16xf32>,
          %gather3A_115 = tpu.vector_load_idx %arg6[%add3A_76, %broadcast_in_dim3A_18] : memref<1664x16xf32, #tpu.memory_space<vmem>>[vector<16xi32>, vector<16xi32>], vector<16xf32>,
          %mul3A_116 = arith.constant 16 : i32
          %mul3A_117 = arith.muli %scan3A_63, %mul3A_116 : i32
          %swap3A_118 = arith.constant 5 : i32
          %swap3A_119 = arith.index_cast %scan3A_74 : i32 to index
          %swap3A_120 = arith.index_cast %swap3A_118 : i32 to index
          %swap3A_121 = arith.index_cast %mul3A_117 : i32 to index
          %swap3A_122 = tpu.vector_load %arg7[%swap3A_119, %swap3A_120, %swap3A_121] {strides = array<i32>} : memref<26x16x64xf32, #tpu.memory_space<vmem>>, vector<16xf32>,
          tpu.vector_store %arg7[%swap3A_119, %swap3A_120, %swap3A_121], %gather3A_115 {strides = array<i32>} : memref<26x16x64xf32, #tpu.memory_space<vmem>>, vector<16xf32>,
          %gather3A_123 = tpu.vector_load_idx %arg6[%add3A_76, %broadcast_in_dim3A_20] : memref<1664x16xf32, #tpu.memory_space<vmem>>[vector<16xi32>, vector<16xi32>], vector<16xf32>,
          %mul3A_124 = arith.constant 16 : i32
          %mul3A_125 = arith.muli %scan3A_63, %mul3A_124 : i32
          %swap3A_126 = arith.constant 6 : i32
          %swap3A_127 = arith.index_cast %scan3A_74 : i32 to index
          %swap3A_128 = arith.index_cast %swap3A_126 : i32 to index
          %swap3A_129 = arith.index_cast %mul3A_125 : i32 to index
          %swap3A_130 = tpu.vector_load %arg7[%swap3A_127, %swap3A_128, %swap3A_129] {strides = array<i32>} : memref<26x16x64xf32, #tpu.memory_space<vmem>>, vector<16xf32>,
          tpu.vector_store %arg7[%swap3A_127, %swap3A_128, %swap3A_129], %gather3A_123 {strides = array<i32>} : memref<26x16x64xf32, #tpu.memory_space<vmem>>, vector<16xf32>,
          %gather3A_131 = tpu.vector_load_idx %arg6[%add3A_76, %broadcast_in_dim3A_22] : memref<1664x16xf32, #tpu.memory_space<vmem>>[vector<16xi32>, vector<16xi32>], vector<16xf32>,
          %mul3A_132 = arith.constant 16 : i32
          %mul3A_133 = arith.muli %scan3A_63, %mul3A_132 : i32
          %swap3A_134 = arith.constant 7 : i32
          %swap3A_135 = arith.index_cast %scan3A_74 : i32 to index
          %swap3A_136 = arith.index_cast %swap3A_134 : i32 to index
          %swap3A_137 = arith.index_cast %mul3A_133 : i32 to index
          %swap3A_138 = tpu.vector_load %arg7[%swap3A_135, %swap3A_136, %swap3A_137] {strides = array<i32>} : memref<26x16x64xf32, #tpu.memory_space<vmem>>, vector<16xf32>,
          tpu.vector_store %arg7[%swap3A_135, %swap3A_136, %swap3A_137], %gather3A_131 {strides = array<i32>} : memref<26x16x64xf32, #tpu.memory_space<vmem>>, vector<16xf32>,
          %gather3A_139 = tpu.vector_load_idx %arg6[%add3A_76, %broadcast_in_dim3A_24] : memref<1664x16xf32, #tpu.memory_space<vmem>>[vector<16xi32>, vector<16xi32>], vector<16xf32>,
          %mul3A_140 = arith.constant 16 : i32
          %mul3A_141 = arith.muli %scan3A_63, %mul3A_140 : i32
          %swap3A_142 = arith.constant 8 : i32
          %swap3A_143 = arith.index_cast %scan3A_74 : i32 to index
          %swap3A_144 = arith.index_cast %swap3A_142 : i32 to index
          %swap3A_145 = arith.index_cast %mul3A_141 : i32 to index
          %swap3A_146 = tpu.vector_load %arg7[%swap3A_143, %swap3A_144, %swap3A_145] {strides = array<i32>} : memref<26x16x64xf32, #tpu.memory_space<vmem>>, vector<16xf32>,
          tpu.vector_store %arg7[%swap3A_143, %swap3A_144, %swap3A_145], %gather3A_139 {strides = array<i32>} : memref<26x16x64xf32, #tpu.memory_space<vmem>>, vector<16xf32>,
          %gather3A_147 = tpu.vector_load_idx %arg6[%add3A_76, %broadcast_in_dim3A_26] : memref<1664x16xf32, #tpu.memory_space<vmem>>[vector<16xi32>, vector<16xi32>], vector<16xf32>,
          %mul3A_148 = arith.constant 16 : i32
          %mul3A_149 = arith.muli %scan3A_63, %mul3A_148 : i32
          %swap3A_150 = arith.constant 9 : i32
          %swap3A_151 = arith.index_cast %scan3A_74 : i32 to index
          %swap3A_152 = arith.index_cast %swap3A_150 : i32 to index
          %swap3A_153 = arith.index_cast %mul3A_149 : i32 to index
          %swap3A_154 = tpu.vector_load %arg7[%swap3A_151, %swap3A_152, %swap3A_153] {strides = array<i32>} : memref<26x16x64xf32, #tpu.memory_space<vmem>>, vector<16xf32>,
          tpu.vector_store %arg7[%swap3A_151, %swap3A_152, %swap3A_153], %gather3A_147 {strides = array<i32>} : memref<26x16x64xf32, #tpu.memory_space<vmem>>, vector<16xf32>,
          %gather3A_155 = tpu.vector_load_idx %arg6[%add3A_76, %broadcast_in_dim3A_28] : memref<1664x16xf32, #tpu.memory_space<vmem>>[vector<16xi32>, vector<16xi32>], vector<16xf32>,
          %mul3A_156 = arith.constant 16 : i32
          %mul3A_157 = arith.muli %scan3A_63, %mul3A_156 : i32
          %swap3A_158 = arith.constant 10 : i32
          %swap3A_159 = arith.index_cast %scan3A_74 : i32 to index
          %swap3A_160 = arith.index_cast %swap3A_158 : i32 to index
          %swap3A_161 = arith.index_cast %mul3A_157 : i32 to index
          %swap3A_162 = tpu.vector_load %arg7[%swap3A_159, %swap3A_160, %swap3A_161] {strides = array<i32>} : memref<26x16x64xf32, #tpu.memory_space<vmem>>, vector<16xf32>,
          tpu.vector_store %arg7[%swap3A_159, %swap3A_160, %swap3A_161], %gather3A_155 {strides = array<i32>} : memref<26x16x64xf32, #tpu.memory_space<vmem>>, vector<16xf32>,
          %gather3A_163 = tpu.vector_load_idx %arg6[%add3A_76, %broadcast_in_dim3A_30] : memref<1664x16xf32, #tpu.memory_space<vmem>>[vector<16xi32>, vector<16xi32>], vector<16xf32>,
          %mul3A_164 = arith.constant 16 : i32
          %mul3A_165 = arith.muli %scan3A_63, %mul3A_164 : i32
          %swap3A_166 = arith.constant 11 : i32
          %swap3A_167 = arith.index_cast %scan3A_74 : i32 to index
          %swap3A_168 = arith.index_cast %swap3A_166 : i32 to index
          %swap3A_169 = arith.index_cast %mul3A_165 : i32 to index
          %swap3A_170 = tpu.vector_load %arg7[%swap3A_167, %swap3A_168, %swap3A_169] {strides = array<i32>} : memref<26x16x64xf32, #tpu.memory_space<vmem>>, vector<16xf32>,
          tpu.vector_store %arg7[%swap3A_167, %swap3A_168, %swap3A_169], %gather3A_163 {strides = array<i32>} : memref<26x16x64xf32, #tpu.memory_space<vmem>>, vector<16xf32>,
          %gather3A_171 = tpu.vector_load_idx %arg6[%add3A_76, %broadcast_in_dim3A_32] : memref<1664x16xf32, #tpu.memory_space<vmem>>[vector<16xi32>, vector<16xi32>], vector<16xf32>,
          %mul3A_172 = arith.constant 16 : i32
          %mul3A_173 = arith.muli %scan3A_63, %mul3A_172 : i32
          %swap3A_174 = arith.constant 12 : i32
          %swap3A_175 = arith.index_cast %scan3A_74 : i32 to index
          %swap3A_176 = arith.index_cast %swap3A_174 : i32 to index
          %swap3A_177 = arith.index_cast %mul3A_173 : i32 to index
          %swap3A_178 = tpu.vector_load %arg7[%swap3A_175, %swap3A_176, %swap3A_177] {strides = array<i32>} : memref<26x16x64xf32, #tpu.memory_space<vmem>>, vector<16xf32>,
          tpu.vector_store %arg7[%swap3A_175, %swap3A_176, %swap3A_177], %gather3A_171 {strides = array<i32>} : memref<26x16x64xf32, #tpu.memory_space<vmem>>, vector<16xf32>,
          %gather3A_179 = tpu.vector_load_idx %arg6[%add3A_76, %broadcast_in_dim3A_34] : memref<1664x16xf32, #tpu.memory_space<vmem>>[vector<16xi32>, vector<16xi32>], vector<16xf32>,
          %mul3A_180 = arith.constant 16 : i32
          %mul3A_181 = arith.muli %scan3A_63, %mul3A_180 : i32
          %swap3A_182 = arith.constant 13 : i32
          %swap3A_183 = arith.index_cast %scan3A_74 : i32 to index
          %swap3A_184 = arith.index_cast %swap3A_182 : i32 to index
          %swap3A_185 = arith.index_cast %mul3A_181 : i32 to index
          %swap3A_186 = tpu.vector_load %arg7[%swap3A_183, %swap3A_184, %swap3A_185] {strides = array<i32>} : memref<26x16x64xf32, #tpu.memory_space<vmem>>, vector<16xf32>,
          tpu.vector_store %arg7[%swap3A_183, %swap3A_184, %swap3A_185], %gather3A_179 {strides = array<i32>} : memref<26x16x64xf32, #tpu.memory_space<vmem>>, vector<16xf32>,
          %gather3A_187 = tpu.vector_load_idx %arg6[%add3A_76, %broadcast_in_dim3A_36] : memref<1664x16xf32, #tpu.memory_space<vmem>>[vector<16xi32>, vector<16xi32>], vector<16xf32>,
          %mul3A_188 = arith.constant 16 : i32
          %mul3A_189 = arith.muli %scan3A_63, %mul3A_188 : i32
          %swap3A_190 = arith.constant 14 : i32
          %swap3A_191 = arith.index_cast %scan3A_74 : i32 to index
          %swap3A_192 = arith.index_cast %swap3A_190 : i32 to index
          %swap3A_193 = arith.index_cast %mul3A_189 : i32 to index
          %swap3A_194 = tpu.vector_load %arg7[%swap3A_191, %swap3A_192, %swap3A_193] {strides = array<i32>} : memref<26x16x64xf32, #tpu.memory_space<vmem>>, vector<16xf32>,
          tpu.vector_store %arg7[%swap3A_191, %swap3A_192, %swap3A_193], %gather3A_187 {strides = array<i32>} : memref<26x16x64xf32, #tpu.memory_space<vmem>>, vector<16xf32>,
          %gather3A_195 = tpu.vector_load_idx %arg6[%add3A_76, %broadcast_in_dim3A_38] : memref<1664x16xf32, #tpu.memory_space<vmem>>[vector<16xi32>, vector<16xi32>], vector<16xf32>,
          %mul3A_196 = arith.constant 16 : i32
          %mul3A_197 = arith.muli %scan3A_63, %mul3A_196 : i32
          %swap3A_198 = arith.constant 15 : i32
          %swap3A_199 = arith.index_cast %scan3A_74 : i32 to index
          %swap3A_200 = arith.index_cast %swap3A_198 : i32 to index
          %swap3A_201 = arith.index_cast %mul3A_197 : i32 to index
          %swap3A_202 = tpu.vector_load %arg7[%swap3A_199, %swap3A_200, %swap3A_201] {strides = array<i32>} : memref<26x16x64xf32, #tpu.memory_space<vmem>>, vector<16xf32>,
          tpu.vector_store %arg7[%swap3A_199, %swap3A_200, %swap3A_201], %gather3A_195 {strides = array<i32>} : memref<26x16x64xf32, #tpu.memory_space<vmem>>, vector<16xf32>,
          %scan3A_203 = arith.constant 1 : i32
          %scan3A_204 = arith.addi %scan3A_74, %scan3A_203 : i32
          %add3A_205 = vector.broadcast %scan3A_204 : i32 to vector<16xi32>
          %add3A_206 = arith.addi %add3A_67, %add3A_205 : vector<16xi32>
          %gather3A_207 = tpu.vector_load_idx %arg6[%add3A_206, %broadcast_in_dim3A_8] : memref<1664x16xf32, #tpu.memory_space<vmem>>[vector<16xi32>, vector<16xi32>], vector<16xf32>,
          %mul3A_208 = arith.constant 16 : i32
          %mul3A_209 = arith.muli %scan3A_63, %mul3A_208 : i32
          %swap3A_210 = arith.constant 0 : i32
          %swap3A_211 = arith.index_cast %scan3A_204 : i32 to index
          %swap3A_212 = arith.index_cast %swap3A_210 : i32 to index
          %swap3A_213 = arith.index_cast %mul3A_209 : i32 to index
          %swap3A_214 = tpu.vector_load %arg7[%swap3A_211, %swap3A_212, %swap3A_213] {strides = array<i32>} : memref<26x16x64xf32, #tpu.memory_space<vmem>>, vector<16xf32>,
          tpu.vector_store %arg7[%swap3A_211, %swap3A_212, %swap3A_213], %gather3A_207 {strides = array<i32>} : memref<26x16x64xf32, #tpu.memory_space<vmem>>, vector<16xf32>,
          %gather3A_215 = tpu.vector_load_idx %arg6[%add3A_206, %broadcast_in_dim3A_10] : memref<1664x16xf32, #tpu.memory_space<vmem>>[vector<16xi32>, vector<16xi32>], vector<16xf32>,
          %mul3A_216 = arith.constant 16 : i32
          %mul3A_217 = arith.muli %scan3A_63, %mul3A_216 : i32
          %swap3A_218 = arith.constant 1 : i32
          %swap3A_219 = arith.index_cast %scan3A_204 : i32 to index
          %swap3A_220 = arith.index_cast %swap3A_218 : i32 to index
          %swap3A_221 = arith.index_cast %mul3A_217 : i32 to index
          %swap3A_222 = tpu.vector_load %arg7[%swap3A_219, %swap3A_220, %swap3A_221] {strides = array<i32>} : memref<26x16x64xf32, #tpu.memory_space<vmem>>, vector<16xf32>,
          tpu.vector_store %arg7[%swap3A_219, %swap3A_220, %swap3A_221], %gather3A_215 {strides = array<i32>} : memref<26x16x64xf32, #tpu.memory_space<vmem>>, vector<16xf32>,
          %gather3A_223 = tpu.vector_load_idx %arg6[%add3A_206, %broadcast_in_dim3A_12] : memref<1664x16xf32, #tpu.memory_space<vmem>>[vector<16xi32>, vector<16xi32>], vector<16xf32>,
          %mul3A_224 = arith.constant 16 : i32
          %mul3A_225 = arith.muli %scan3A_63, %mul3A_224 : i32
          %swap3A_226 = arith.constant 2 : i32
          %swap3A_227 = arith.index_cast %scan3A_204 : i32 to index
          %swap3A_228 = arith.index_cast %swap3A_226 : i32 to index
          %swap3A_229 = arith.index_cast %mul3A_225 : i32 to index
          %swap3A_230 = tpu.vector_load %arg7[%swap3A_227, %swap3A_228, %swap3A_229] {strides = array<i32>} : memref<26x16x64xf32, #tpu.memory_space<vmem>>, vector<16xf32>,
          tpu.vector_store %arg7[%swap3A_227, %swap3A_228, %swap3A_229], %gather3A_223 {strides = array<i32>} : memref<26x16x64xf32, #tpu.memory_space<vmem>>, vector<16xf32>,
          %gather3A_231 = tpu.vector_load_idx %arg6[%add3A_206, %broadcast_in_dim3A_14] : memref<1664x16xf32, #tpu.memory_space<vmem>>[vector<16xi32>, vector<16xi32>], vector<16xf32>,
          %mul3A_232 = arith.constant 16 : i32
          %mul3A_233 = arith.muli %scan3A_63, %mul3A_232 : i32
          %swap3A_234 = arith.constant 3 : i32
          %swap3A_235 = arith.index_cast %scan3A_204 : i32 to index
          %swap3A_236 = arith.index_cast %swap3A_234 : i32 to index
          %swap3A_237 = arith.index_cast %mul3A_233 : i32 to index
          %swap3A_238 = tpu.vector_load %arg7[%swap3A_235, %swap3A_236, %swap3A_237] {strides = array<i32>} : memref<26x16x64xf32, #tpu.memory_space<vmem>>, vector<16xf32>,
          tpu.vector_store %arg7[%swap3A_235, %swap3A_236, %swap3A_237], %gather3A_231 {strides = array<i32>} : memref<26x16x64xf32, #tpu.memory_space<vmem>>, vector<16xf32>,
          %gather3A_239 = tpu.vector_load_idx %arg6[%add3A_206, %broadcast_in_dim3A_16] : memref<1664x16xf32, #tpu.memory_space<vmem>>[vector<16xi32>, vector<16xi32>], vector<16xf32>,
          %mul3A_240 = arith.constant 16 : i32
          %mul3A_241 = arith.muli %scan3A_63, %mul3A_240 : i32
          %swap3A_242 = arith.constant 4 : i32
          %swap3A_243 = arith.index_cast %scan3A_204 : i32 to index
          %swap3A_244 = arith.index_cast %swap3A_242 : i32 to index
          %swap3A_245 = arith.index_cast %mul3A_241 : i32 to index
          %swap3A_246 = tpu.vector_load %arg7[%swap3A_243, %swap3A_244, %swap3A_245] {strides = array<i32>} : memref<26x16x64xf32, #tpu.memory_space<vmem>>, vector<16xf32>,
          tpu.vector_store %arg7[%swap3A_243, %swap3A_244, %swap3A_245], %gather3A_239 {strides = array<i32>} : memref<26x16x64xf32, #tpu.memory_space<vmem>>, vector<16xf32>,
          %gather3A_247 = tpu.vector_load_idx %arg6[%add3A_206, %broadcast_in_dim3A_18] : memref<1664x16xf32, #tpu.memory_space<vmem>>[vector<16xi32>, vector<16xi32>], vector<16xf32>,
          %mul3A_248 = arith.constant 16 : i32
          %mul3A_249 = arith.muli %scan3A_63, %mul3A_248 : i32
          %swap3A_250 = arith.constant 5 : i32
          %swap3A_251 = arith.index_cast %scan3A_204 : i32 to index
          %swap3A_252 = arith.index_cast %swap3A_250 : i32 to index
          %swap3A_253 = arith.index_cast %mul3A_249 : i32 to index
          %swap3A_254 = tpu.vector_load %arg7[%swap3A_251, %swap3A_252, %swap3A_253] {strides = array<i32>} : memref<26x16x64xf32, #tpu.memory_space<vmem>>, vector<16xf32>,
          tpu.vector_store %arg7[%swap3A_251, %swap3A_252, %swap3A_253], %gather3A_247 {strides = array<i32>} : memref<26x16x64xf32, #tpu.memory_space<vmem>>, vector<16xf32>,
          %gather3A_255 = tpu.vector_load_idx %arg6[%add3A_206, %broadcast_in_dim3A_20] : memref<1664x16xf32, #tpu.memory_space<vmem>>[vector<16xi32>, vector<16xi32>], vector<16xf32>,
          %mul3A_256 = arith.constant 16 : i32
          %mul3A_257 = arith.muli %scan3A_63, %mul3A_256 : i32
          %swap3A_258 = arith.constant 6 : i32
          %swap3A_259 = arith.index_cast %scan3A_204 : i32 to index
          %swap3A_260 = arith.index_cast %swap3A_258 : i32 to index
          %swap3A_261 = arith.index_cast %mul3A_257 : i32 to index
          %swap3A_262 = tpu.vector_load %arg7[%swap3A_259, %swap3A_260, %swap3A_261] {strides = array<i32>} : memref<26x16x64xf32, #tpu.memory_space<vmem>>, vector<16xf32>,
          tpu.vector_store %arg7[%swap3A_259, %swap3A_260, %swap3A_261], %gather3A_255 {strides = array<i32>} : memref<26x16x64xf32, #tpu.memory_space<vmem>>, vector<16xf32>,
          %gather3A_263 = tpu.vector_load_idx %arg6[%add3A_206, %broadcast_in_dim3A_22] : memref<1664x16xf32, #tpu.memory_space<vmem>>[vector<16xi32>, vector<16xi32>], vector<16xf32>,
          %mul3A_264 = arith.constant 16 : i32
          %mul3A_265 = arith.muli %scan3A_63, %mul3A_264 : i32
          %swap3A_266 = arith.constant 7 : i32
          %swap3A_267 = arith.index_cast %scan3A_204 : i32 to index
          %swap3A_268 = arith.index_cast %swap3A_266 : i32 to index
          %swap3A_269 = arith.index_cast %mul3A_265 : i32 to index
          %swap3A_270 = tpu.vector_load %arg7[%swap3A_267, %swap3A_268, %swap3A_269] {strides = array<i32>} : memref<26x16x64xf32, #tpu.memory_space<vmem>>, vector<16xf32>,
          tpu.vector_store %arg7[%swap3A_267, %swap3A_268, %swap3A_269], %gather3A_263 {strides = array<i32>} : memref<26x16x64xf32, #tpu.memory_space<vmem>>, vector<16xf32>,
          %gather3A_271 = tpu.vector_load_idx %arg6[%add3A_206, %broadcast_in_dim3A_24] : memref<1664x16xf32, #tpu.memory_space<vmem>>[vector<16xi32>, vector<16xi32>], vector<16xf32>,
          %mul3A_272 = arith.constant 16 : i32
          %mul3A_273 = arith.muli %scan3A_63, %mul3A_272 : i32
          %swap3A_274 = arith.constant 8 : i32
          %swap3A_275 = arith.index_cast %scan3A_204 : i32 to index
          %swap3A_276 = arith.index_cast %swap3A_274 : i32 to index
          %swap3A_277 = arith.index_cast %mul3A_273 : i32 to index
          %swap3A_278 = tpu.vector_load %arg7[%swap3A_275, %swap3A_276, %swap3A_277] {strides = array<i32>} : memref<26x16x64xf32, #tpu.memory_space<vmem>>, vector<16xf32>,
          tpu.vector_store %arg7[%swap3A_275, %swap3A_276, %swap3A_277], %gather3A_271 {strides = array<i32>} : memref<26x16x64xf32, #tpu.memory_space<vmem>>, vector<16xf32>,
          %gather3A_279 = tpu.vector_load_idx %arg6[%add3A_206, %broadcast_in_dim3A_26] : memref<1664x16xf32, #tpu.memory_space<vmem>>[vector<16xi32>, vector<16xi32>], vector<16xf32>,
          %mul3A_280 = arith.constant 16 : i32
          %mul3A_281 = arith.muli %scan3A_63, %mul3A_280 : i32
          %swap3A_282 = arith.constant 9 : i32
          %swap3A_283 = arith.index_cast %scan3A_204 : i32 to index
          %swap3A_284 = arith.index_cast %swap3A_282 : i32 to index
          %swap3A_285 = arith.index_cast %mul3A_281 : i32 to index
          %swap3A_286 = tpu.vector_load %arg7[%swap3A_283, %swap3A_284, %swap3A_285] {strides = array<i32>} : memref<26x16x64xf32, #tpu.memory_space<vmem>>, vector<16xf32>,
          tpu.vector_store %arg7[%swap3A_283, %swap3A_284, %swap3A_285], %gather3A_279 {strides = array<i32>} : memref<26x16x64xf32, #tpu.memory_space<vmem>>, vector<16xf32>,
          %gather3A_287 = tpu.vector_load_idx %arg6[%add3A_206, %broadcast_in_dim3A_28] : memref<1664x16xf32, #tpu.memory_space<vmem>>[vector<16xi32>, vector<16xi32>], vector<16xf32>,
          %mul3A_288 = arith.constant 16 : i32
          %mul3A_289 = arith.muli %scan3A_63, %mul3A_288 : i32
          %swap3A_290 = arith.constant 10 : i32
          %swap3A_291 = arith.index_cast %scan3A_204 : i32 to index
          %swap3A_292 = arith.index_cast %swap3A_290 : i32 to index
          %swap3A_293 = arith.index_cast %mul3A_289 : i32 to index
          %swap3A_294 = tpu.vector_load %arg7[%swap3A_291, %swap3A_292, %swap3A_293] {strides = array<i32>} : memref<26x16x64xf32, #tpu.memory_space<vmem>>, vector<16xf32>,
          tpu.vector_store %arg7[%swap3A_291, %swap3A_292, %swap3A_293], %gather3A_287 {strides = array<i32>} : memref<26x16x64xf32, #tpu.memory_space<vmem>>, vector<16xf32>,
          %gather3A_295 = tpu.vector_load_idx %arg6[%add3A_206, %broadcast_in_dim3A_30] : memref<1664x16xf32, #tpu.memory_space<vmem>>[vector<16xi32>, vector<16xi32>], vector<16xf32>,
          %mul3A_296 = arith.constant 16 : i32
          %mul3A_297 = arith.muli %scan3A_63, %mul3A_296 : i32
          %swap3A_298 = arith.constant 11 : i32
          %swap3A_299 = arith.index_cast %scan3A_204 : i32 to index
          %swap3A_300 = arith.index_cast %swap3A_298 : i32 to index
          %swap3A_301 = arith.index_cast %mul3A_297 : i32 to index
          %swap3A_302 = tpu.vector_load %arg7[%swap3A_299, %swap3A_300, %swap3A_301] {strides = array<i32>} : memref<26x16x64xf32, #tpu.memory_space<vmem>>, vector<16xf32>,
          tpu.vector_store %arg7[%swap3A_299, %swap3A_300, %swap3A_301], %gather3A_295 {strides = array<i32>} : memref<26x16x64xf32, #tpu.memory_space<vmem>>, vector<16xf32>,
          %gather3A_303 = tpu.vector_load_idx %arg6[%add3A_206, %broadcast_in_dim3A_32] : memref<1664x16xf32, #tpu.memory_space<vmem>>[vector<16xi32>, vector<16xi32>], vector<16xf32>,
          %mul3A_304 = arith.constant 16 : i32
          %mul3A_305 = arith.muli %scan3A_63, %mul3A_304 : i32
          %swap3A_306 = arith.constant 12 : i32
          %swap3A_307 = arith.index_cast %scan3A_204 : i32 to index
          %swap3A_308 = arith.index_cast %swap3A_306 : i32 to index
          %swap3A_309 = arith.index_cast %mul3A_305 : i32 to index
          %swap3A_310 = tpu.vector_load %arg7[%swap3A_307, %swap3A_308, %swap3A_309] {strides = array<i32>} : memref<26x16x64xf32, #tpu.memory_space<vmem>>, vector<16xf32>,
          tpu.vector_store %arg7[%swap3A_307, %swap3A_308, %swap3A_309], %gather3A_303 {strides = array<i32>} : memref<26x16x64xf32, #tpu.memory_space<vmem>>, vector<16xf32>,
          %gather3A_311 = tpu.vector_load_idx %arg6[%add3A_206, %broadcast_in_dim3A_34] : memref<1664x16xf32, #tpu.memory_space<vmem>>[vector<16xi32>, vector<16xi32>], vector<16xf32>,
          %mul3A_312 = arith.constant 16 : i32
          %mul3A_313 = arith.muli %scan3A_63, %mul3A_312 : i32
          %swap3A_314 = arith.constant 13 : i32
          %swap3A_315 = arith.index_cast %scan3A_204 : i32 to index
          %swap3A_316 = arith.index_cast %swap3A_314 : i32 to index
          %swap3A_317 = arith.index_cast %mul3A_313 : i32 to index
          %swap3A_318 = tpu.vector_load %arg7[%swap3A_315, %swap3A_316, %swap3A_317] {strides = array<i32>} : memref<26x16x64xf32, #tpu.memory_space<vmem>>, vector<16xf32>,
          tpu.vector_store %arg7[%swap3A_315, %swap3A_316, %swap3A_317], %gather3A_311 {strides = array<i32>} : memref<26x16x64xf32, #tpu.memory_space<vmem>>, vector<16xf32>,
          %gather3A_319 = tpu.vector_load_idx %arg6[%add3A_206, %broadcast_in_dim3A_36] : memref<1664x16xf32, #tpu.memory_space<vmem>>[vector<16xi32>, vector<16xi32>], vector<16xf32>,
          %mul3A_320 = arith.constant 16 : i32
          %mul3A_321 = arith.muli %scan3A_63, %mul3A_320 : i32
          %swap3A_322 = arith.constant 14 : i32
          %swap3A_323 = arith.index_cast %scan3A_204 : i32 to index
          %swap3A_324 = arith.index_cast %swap3A_322 : i32 to index
          %swap3A_325 = arith.index_cast %mul3A_321 : i32 to index
          %swap3A_326 = tpu.vector_load %arg7[%swap3A_323, %swap3A_324, %swap3A_325] {strides = array<i32>} : memref<26x16x64xf32, #tpu.memory_space<vmem>>, vector<16xf32>,
          tpu.vector_store %arg7[%swap3A_323, %swap3A_324, %swap3A_325], %gather3A_319 {strides = array<i32>} : memref<26x16x64xf32, #tpu.memory_space<vmem>>, vector<16xf32>,
          %gather3A_327 = tpu.vector_load_idx %arg6[%add3A_206, %broadcast_in_dim3A_38] : memref<1664x16xf32, #tpu.memory_space<vmem>>[vector<16xi32>, vector<16xi32>], vector<16xf32>,
          %mul3A_328 = arith.constant 16 : i32
          %mul3A_329 = arith.muli %scan3A_63, %mul3A_328 : i32
          %swap3A_330 = arith.constant 15 : i32
          %swap3A_331 = arith.index_cast %scan3A_204 : i32 to index
          %swap3A_332 = arith.index_cast %swap3A_330 : i32 to index
          %swap3A_333 = arith.index_cast %mul3A_329 : i32 to index
          %swap3A_334 = tpu.vector_load %arg7[%swap3A_331, %swap3A_332, %swap3A_333] {strides = array<i32>} : memref<26x16x64xf32, #tpu.memory_space<vmem>>, vector<16xf32>,
          tpu.vector_store %arg7[%swap3A_331, %swap3A_332, %swap3A_333], %gather3A_327 {strides = array<i32>} : memref<26x16x64xf32, #tpu.memory_space<vmem>>, vector<16xf32>,
        }
        %scan3A_73 = arith.constant 26 : i32
      }
      %scan3A_57 = arith.constant 4 : i32
      %mul3A_58 = arith.constant 512 : i32
      %mul3A_59 = arith.muli %add3A, %mul3A_58 : i32
      %mul3A_60 = arith.constant 64 : i32
      %mul3A_61 = arith.muli %scan3A_44, %mul3A_60 : i32
      %add3A_62 = arith.addi %mul3A_59, %mul3A_61 : i32
      "tpu.region"() ({
        %run_scoped3A = tpu.sem_alloc : memref<!tpu.dma_semaphore, #tpu.memory_space<semaphore_mem>>
        %dma_start3A_63 = arith.constant 0 : i32
        %dma_start3A_64 = arith.constant 0 : i32
        %dma_start3A_65 = tpu.memref_slice %arg4[%dma_start3A_63, %dma_start3A_64, %add3A_62] : memref<26x16x16384xf32, #tpu.memory_space<hbm>> -> memref<26x16x64xf32, #tpu.memory_space<hbm>>
        %dma_start3A_66 = arith.constant 0 : i32
        %dma_start3A_67 = arith.constant 0 : i32
        %dma_start3A_68 = tpu.memref_slice %arg4[%dma_start3A_66, %dma_start3A_67, %add3A_62] : memref<26x16x16384xf32, #tpu.memory_space<hbm>> -> memref<26x16x64xf32, #tpu.memory_space<hbm>>
        tpu.enqueue_dma source(%arg7 : memref<26x16x64xf32, #tpu.memory_space<vmem>>) target(%dma_start3A_68 : memref<26x16x64xf32, #tpu.memory_space<hbm>>) target_semaphore(%run_scoped3A : memref<!tpu.dma_semaphore, #tpu.memory_space<semaphore_mem>>)
        %dma_wait3A_69 = arith.constant 0 : i32
        %dma_wait3A_70 = arith.constant 0 : i32
        %dma_wait3A_71 = tpu.memref_slice %arg4[%dma_wait3A_69, %dma_wait3A_70, %add3A_62] : memref<26x16x16384xf32, #tpu.memory_space<hbm>> -> memref<26x16x64xf32, #tpu.memory_space<hbm>>
        %dma_wait3A_72 = arith.constant 0 : i32
        %dma_wait3A_73 = arith.constant 0 : i32
        %dma_wait3A_74 = tpu.memref_slice %arg4[%dma_wait3A_72, %dma_wait3A_73, %add3A_62] : memref<26x16x16384xf32, #tpu.memory_space<hbm>> -> memref<26x16x64xf32, #tpu.memory_space<hbm>>
        tpu.wait_dma2 semaphore(%run_scoped3A : memref<!tpu.dma_semaphore, #tpu.memory_space<semaphore_mem>>) src(%arg7 : memref<26x16x64xf32, #tpu.memory_space<vmem>>) dst(%dma_wait3A_74 : memref<26x16x64xf32, #tpu.memory_space<hbm>>)
        tpu.yield
      }) : () -> ()
    }
    %scan3A_43 = arith.constant 8 : i32
    return
  }
}

</mosaic_0001>

<sc_bundles>
// kernel: kernel.4.cloned.1.call-start
scs
__scs_entry_jumppad:
0x0: {  	(pc) =	sbr.rel $0x88, $3  }
0x1: {  	(tag) =	ssettag $0x0;
	lr =	simm.s32 $0x1  }
0x2: {  	[smem:$0x3F9F] =	sst lr;
	_ =	strace $0xD0000000  }
0x3: {  	_ = 	snop  }
0x4: {  	_ = 	snop  }
0x5: {  	_ = 	snop  }
0x6: {  	_ = 	snop  }
0x7: {  	_ = 	snop  }
__scs_overlays_trampoline_lowered:
0x8: {  	[smem:$0x3FAE] =	sst s0  }
0x9: {  	[smem:$0x3FAF] =	sst s1  }
0xa: {  	[smem:$0x3FB0] =	sst s2  }
0xb: {  	[smem:$0x3FB1] =	sst s3  }
0xc: {  	[smem:$0x3FB2] =	sst s4  }
0xd: {  	[smem:$0x3FB3] =	sst s5  }
0xe: {  	[smem:$0x3FB4] =	sst s6  }
0xf: {  	[smem:$0x3FB5] =	sst s7  }
0x10: {  	[smem:$0x3FB6] =	sst s8  }
0x11: {  	[smem:$0x3FB7] =	sst s9;
	s0 =	simm.s32 @!p0 $0x0  }
0x12: {  	s1 =	sld [smem:$0x3F9D];
	s0 =	simm.s32 @p0 $0x1  }
0x13: {  	[smem:$0x3FB8] =	sst s0;
	s0 =	simm.s32 @!p1 $0x0  }
0x14: {  	s2 =	sld [smem:$0x3F9C];
	s0 =	simm.s32 @p1 $0x1  }
0x15: {  	[smem:$0x3FB9] =	sst s0;
	s0 =	simm.s32 @!p2 $0x0  }
0x16: {  	s3 =	sld [smem:$0x3FDB];
	s0 =	simm.s32 @p2 $0x1  }
0x17: {  	s4 =	simm.s32 $0x1BF5;
	[smem:$0x3FBB] =	sst s0  }
0x18: {  	s0 =	sld [smem:$0x3F9E];
	_ =	swait.ge [sflag:s4], $0x0  }
0x19: {  	s7 =	sld [smem:$0x3F9F]  }
0x1a: {  	s8 =	sadd.s32 $0xFFFFE003, lr  }
0x1b: {  	s9 =	sadd.s32 $0xFFFFFEF7, lr;
	s5 =	simm.s32 $0xFFFFFFFF;
	p2 =	slt.u32 s8, $0xFFFFF086  }
0x1c: {  	p1 =	slt.u32 s9, $0xF7A;
	s5 =	simm.s32 @!p2 $0x0  }
0x1d: {  	s5 =	simm.s32 @p1 $0x1;
	p0 =	seq.s32 s7, s2  }
0x1e: {  	s7 =	smul.u32 @!p0 $0xF7A, s2;
	p2 =	seq.s32 @!p0 s5, $0x0  }
0x1f: {  	s9 =	smul.u32 $0xF7A, s1;
	s8 =	simm.s32 @!p0 $0x1BF5;
	p2 =	por !p2, p0  }
0x20: {  	[sflag:s8] =	ssyncset.s32 @!p0 $0xFFFFF086;
	s6 =	sadd.s32 @!p0 s3, s7;
	s7 =	simm.s32 @!p0 $0x108  }
0x21: {  	s3 =	sadd.s32 s3, s9;
	s6 =	sadd.s32 @!p0 $0x88, s6;
	s7 =	simm.s32 @p2 $0x1082  }
0x22: {  	[simem:s7], [sflag:s8] =	dma.local @!p0 [hbm:s6], $0xF7A  }
0x23: {  	s9 =	sor.u32 $0xD0000000, s2;
	s6 =	simm.s32 $0x108;
	_ =	swait.ge @!p0 [sflag:s8], $0x0  }
0x24: {  	s3 =	sadd.s32 $0x88, s3;
	s6 =	simm.s32 @!p1 $0x1082;
	[sflag:s4] =	ssyncset.s32 $0xFFFFF086  }
0x25: {  	[simem:s6], [sflag:s4] =	dma.local [hbm:s3], $0xF7A  }
0x26: {  	[smem:$0x3F9F] =	sst s1;
	(tag) =	ssettag s2;
	_ =	strace s9  }
0x27: {  	s1 =	sld [smem:$0x3FAF]  }
0x28: {  	s2 =	sld [smem:$0x3FB0]  }
0x29: {  	s4 =	sld [smem:$0x3FB2]  }
0x2a: {  	p0 =	seq.s32 s5, $0x0;
	s5 =	sld [smem:$0x3FB3]  }
0x2b: {  	s6 =	sld [smem:$0x3FB4]  }
0x2c: {  	s7 =	sld [smem:$0x3FB5]  }
0x2d: {  	s3 =	simm.s32 $0x108;
	s8 =	sld [smem:$0x3FB6]  }
0x2e: {  	s3 =	simm.s32 @!p0 $0x1082;
	s9 =	sld [smem:$0x3FB7]  }
0x2f: {  	lr =	sadd.s32 s0, s3;
	s0 =	sld [smem:$0x3FAE]  }
0x30: {  	s3 =	sld [smem:$0x3FB1]  }
0x31: {  	[smem:$0x3FBA] =	sst s10  }
0x32: {  	s10 =	sld [smem:$0x3FB8];
	_ =	sdelay $0x3  }
0x33: {  	p0 =	seq.s32 s10, $0x1;
	s10 =	sld [smem:$0x3FBA];
	_ =	sdelay $0x3  }
0x34: {  	[smem:$0x3FBA] =	sst s10  }
0x35: {  	s10 =	sld [smem:$0x3FB9];
	_ =	sdelay $0x3  }
0x36: {  	p1 =	seq.s32 s10, $0x1;
	s10 =	sld [smem:$0x3FBA];
	_ =	sdelay $0x3  }
0x37: {  	[smem:$0x3FBA] =	sst s10  }
0x38: {  	s10 =	sld [smem:$0x3FBB]  }
0x39: {  	_ = 	snop;
	(pc) =	sbr.ind lr, $3  }
0x3a: {  	_ = 	snop  }
0x3b: {  	_ = 	snop  }
0x3c: {  	p2 =	seq.s32 s10, $0x1;
	s10 =	sld [smem:$0x3FBA]  }
0x3d: {  	_ =	shalt  }
0x3e: {  	_ =	shalt  }
0x3f: {  	_ =	shalt  }
0x40: {  	_ =	shalt  }
0x41: {  	_ =	shalt  }
0x42: {  	_ =	shalt  }
0x43: {  	_ =	shalt  }
0x44: {  	_ =	shalt  }
0x45: {  	_ =	shalt  }
0x46: {  	_ =	shalt  }
0x47: {  	_ =	shalt  }
0x48: {  	_ =	shalt  }
0x49: {  	_ =	shalt  }
0x4a: {  	_ =	shalt  }
0x4b: {  	_ =	shalt  }
0x4c: {  	_ =	shalt  }
0x4d: {  	_ =	shalt  }
0x4e: {  	_ =	shalt  }
0x4f: {  	_ =	shalt  }
0x50: {  	_ =	shalt  }
0x51: {  	_ =	shalt  }
0x52: {  	_ =	shalt  }
0x53: {  	_ =	shalt  }
0x54: {  	_ =	shalt  }
0x55: {  	_ =	shalt  }
0x56: {  	_ =	shalt  }
0x57: {  	_ =	shalt  }
0x58: {  	_ =	shalt  }
0x59: {  	_ =	shalt  }
0x5a: {  	_ =	shalt  }
0x5b: {  	_ =	shalt  }
0x5c: {  	_ =	shalt  }
0x5d: {  	_ =	shalt  }
0x5e: {  	_ =	shalt  }
0x5f: {  	_ =	shalt  }
0x60: {  	_ =	shalt  }
0x61: {  	_ =	shalt  }
0x62: {  	_ =	shalt  }
0x63: {  	_ =	shalt  }
0x64: {  	_ =	shalt  }
0x65: {  	_ =	shalt  }
0x66: {  	_ =	shalt  }
0x67: {  	_ =	shalt  }
0x68: {  	_ =	shalt  }
0x69: {  	_ =	shalt  }
0x6a: {  	_ =	shalt  }
0x6b: {  	_ =	shalt  }
0x6c: {  	_ =	shalt  }
0x6d: {  	_ =	shalt  }
0x6e: {  	_ =	shalt  }
0x6f: {  	_ =	shalt  }
0x70: {  	_ =	shalt  }
0x71: {  	_ =	shalt  }
0x72: {  	_ =	shalt  }
0x73: {  	_ =	shalt  }
0x74: {  	_ =	shalt  }
0x75: {  	_ =	shalt  }
0x76: {  	_ =	shalt  }
0x77: {  	_ =	shalt  }
0x78: {  	_ =	shalt  }
0x79: {  	_ =	shalt  }
0x7a: {  	_ =	shalt  }
0x7b: {  	_ =	shalt  }
0x7c: {  	_ =	shalt  }
0x7d: {  	_ =	shalt  }
0x7e: {  	_ =	shalt  }
0x7f: {  	_ =	shalt  }
0x80: {  	_ =	shalt  }
0x81: {  	_ =	shalt  }
0x82: {  	_ =	shalt  }
0x83: {  	_ =	shalt  }
0x84: {  	_ =	shalt  }
0x85: {  	_ =	shalt  }
0x86: {  	_ =	shalt  }
0x87: {  	_ =	shalt  }
.Lfunc_end0:
.L_simem_size_0:
called_computation_lowered:
.L_overlay_start_0:
0x88: {  	s2 =	sld [smem:$0x3FD9]  }
0x89: {  	s3 =	sld [smem:$0x3FFE];
	_ =	sdelay $0x1  }
0x8a: {  	s1 =	srdreg.scid  }
0x8b: {  	s0 =	sand.u32 $0x1, s1  }
0x8c: {  	s17 =	sshll.u32 s0, $0xA;
	s2 =	sadd.s32 s3, s2  }
0x8d: {  	s2 =	sadd.s32 s2, s17  }
0x8e: {  	[smem:$0x3FC6] =	sst s2  }
0x8f: {  	_ = 	snop  }
0x90: {  	s2 =	sld [smem:$0x3FC8];
	(tm) =	ssettm $0x1  }
0x91: {  	s18 =	sld [smem:$0x3FFB];
	_ =	sdelay $0x3  }
0x92: {  	_ =	strace s18  }
0x93: {  	s3 =	sld [smem:$0x3FFC];
	_ =	sdelay $0x3  }
0x94: {  	_ =	strace s3  }
0x95: {  	s3 =	sld [smem:$0x3FFD];
	_ =	sdelay $0x3  }
0x96: {  	_ =	strace s3  }
0x97: {  	_ =	strace $0x8FFFFFFF  }
0x98: {  	s19 =	sld [smem:$0x3FDB];
	_ =	sdelay $0x1  }
0x99: {  	s4 =	simm.s32 $_scs_section_size  }
0x9a: {  	s5 =	simm.s32 $_size__tile_overlayer_lowered;
	s6 =	simm.s32 $_tile_overlayer_lowered  }
0x9b: {  	s22 =	simm.s32 $0x1BFF;
	s21 =	sshll.u32 s6, $0x1;
	s3 =	sadd.s32 s4, s19  }
0x9c: {  	s7 =	simm.s32 $0x0;
	s20 =	sshll.u32 s5, $0x1;
	s5 =	sadd.s32 s21, s3  }
0x9d: {  	[timem:s7], [sflag:s22] =	dma.local [hbm:s5], s20  }
0x9e: {  	_ =	swait.ge [sflag:s22], s20  }
0x9f: {  	s4 =	ssub.s32 $0x0, s20;
	[sflag:s22] =	ssyncset.done $0x0  }
0xa0: {  	[sflag:s22] =	ssyncadd.s32 s4;
	_ =	sdelay $0x1  }
0xa1: {  	s23 =	simm.s32 $0x1B8B  }
0xa2: {  	_ =	swait.ge [sflag:s23], $0x1  }
0xa3: {  	[sflag:s23] =	ssyncset.done $0x0  }
0xa4: {  	s25 =	simm.s32 $0x1B8E;
	s24 =	sld [smem:$0x3FFE];
	[sflag:s23] =	ssyncadd.s32 $0xFFFFFFFF  }
0xa5: {  	s26 =	simm.s32 $execute0_lowered;
	[smem:$0x3FD2] =	sst s25  }
0xa6: {  	s5 =	sshll.u32 s26, $0x1;
	_ =	strace $0x80000046;
	[dreg:$0x1] =	wrdreg $0xFFFFFFFF  }
0xa7: {  	s28 =	simm.s32 $_size_execute0_lowered;
	s3 =	sadd.s32 s3, s5;
	[dreg:$0x0] =	wrdreg $0x0  }
0xa8: {  	s5 =	sshll.u32 s28, $0x1;
	[dreg:$0x2] =	wrdreg s3  }
0xa9: {  	[dreg:$0x3] =	wrdreg s5  }
0xaa: {  	[dreg:$0x4] =	wrdreg $0xC0  }
0xab: {  	_ =	task [dreg:s7], $0x5FFFF  }
0xac: {  	[dreg:$0x1] =	wrdreg $0xFFFFFFFF  }
0xad: {  	[dreg:$0x0] =	wrdreg $0x60  }
0xae: {  	[dreg:$0x2] =	wrdreg s2  }
0xaf: {  	[dreg:$0x3] =	wrdreg s24  }
0xb0: {  	[dreg:$0x4] =	wrdreg $0x9  }
0xb1: {  	_ =	task.clear_ibuf [dreg:s7], $0x5FFFF;
	_ =	strace $0x90000046  }
0xb2: {  	s29 =	simm.s32 $0x9;
	_ =	strace $0x80000048  }
0xb3: {  	_ =	swait.ge [sflag:s29], $0x1  }
0xb4: {  	[sflag:s29] =	ssyncadd.s32 $0xFFFFFFFF  }
0xb5: {  	_ =	strace $0x90000048  }
0xb6: {  	_ =	sfence  }
0xb7: {  	s30 =	sld [smem:$0x0];
	_ =	sdelay $0x2  }
0xb8: {  	s31 =	sshll.u32 s1, $0xD;
	s1 =	sshrl.u32 s1, $0x2  }
0xb9: {  	s3 =	sand.u32 $0x4000, s31;
	s1 =	sadd.s32 s1, s30  }
0xba: {  	s0 =	sor.u32 s3, s0;
	s1 =	sshll.u32 s1, $0x11  }
0xbb: {  	s0 =	sor.u32 s1, s0  }
0xbc: {  	s0 =	sadd.s32 $0x8F2B, s0  }
0xbd: {  	[sflag:s0] =	ssyncadd.remote.s32 $0x1  }
0xbe: {  	_ =	sfence.sel $0xFFFF  }
0xbf: {  	[dreg:$0x0] =	wrdreg $0xFFFFFFFF;
	(pc) =	sbr.abs _section_cstart, $3  }
0xc0: {  	[dreg:$0x1] =	wrdreg $0xFFFFFFFF  }
0xc1: {  	_ =	task.clear_ibuf [dreg:s7], $0x2FFFF;
	_ =	strace $0x9FFFFFFF  }
0xc2: {  	(tm) =	ssettm $0x7FFFFFFF  }
0xc3: {  	_ =	shalt  }
tec
execute0_lowered:
.L_overlay_start_1:
0x0: {  	(tag) =	ssettag $0x1  }
0x1: {  	v0 =	vimm.s32 $0x1380;
	vm14 =	vcmask $0x300  }
0x2: {  	v1 =	vimm.s32 $0x1381;
	vm13 =	vcmask $0x704;
	vm12 =	vcmask $0xB08  }
0x3: {  	vm11 =	vcmask $0xF0C;
	vm10 =	vcmask $0x1310;
	vm9 =	vcmask $0x1714  }
0x4: {  	vm8 =	vcmask $0x1B18;
	vm7 =	vcmask $0x1F1C;
	vm6 =	vcmask $0x2320  }
0x5: {  	vm5 =	vcmask $0x2724;
	vm4 =	vcmask $0x2B28;
	vm3 =	vcmask $0x2F2C  }
0x6: {  	vm2 =	vcmask $0x3330;
	vm1 =	vcmask $0x3734;
	vm0 =	vcmask $0x3B38  }
0x7: {  	v2 =	vimm.s32 $0x1382;
	v3 =	vimm.s32 $0x1383;
	v4 =	vimm.s32 $0x1384  }
0x8: {  	v5 =	vimm.s32 $0x1385;
	v6 =	vimm.s32 $0x1386;
	v7 =	vimm.s32 $0x1387  }
0x9: {  	v0 =	vsel vm14, $0x0, v0;
	v1 =	vsel vm14, $0x1, v1;
	v2 =	vsel vm14, $0x2, v2  }
0xa: {  	v3 =	vsel vm14, $0x3, v3;
	v4 =	vsel vm14, $0x4, v4;
	v5 =	vsel vm14, $0x5, v5  }
0xb: {  	v6 =	vsel vm14, $0x6, v6;
	v7 =	vsel vm14, $0x7, v7;
	v0 =	vsel vm13, $0x80, v0  }
0xc: {  	v1 =	vsel vm13, $0x81, v1;
	v2 =	vsel vm13, $0x82, v2;
	v3 =	vsel vm13, $0x83, v3  }
0xd: {  	v4 =	vsel vm13, $0x84, v4;
	v5 =	vsel vm13, $0x85, v5;
	v6 =	vsel vm13, $0x86, v6  }
0xe: {  	v7 =	vsel vm13, $0x87, v7;
	v0 =	vsel vm12, $0x100, v0;
	v1 =	vsel vm12, $0x101, v1  }
0xf: {  	v2 =	vsel vm12, $0x102, v2;
	v3 =	vsel vm12, $0x103, v3;
	v4 =	vsel vm12, $0x104, v4  }
0x10: {  	v5 =	vsel vm12, $0x105, v5;
	v6 =	vsel vm12, $0x106, v6;
	v7 =	vsel vm12, $0x107, v7  }
0x11: {  	v0 =	vsel vm11, $0x180, v0;
	v1 =	vsel vm11, $0x181, v1;
	v2 =	vsel vm11, $0x182, v2  }
0x12: {  	v3 =	vsel vm11, $0x183, v3;
	v4 =	vsel vm11, $0x184, v4;
	v5 =	vsel vm11, $0x185, v5  }
0x13: {  	v6 =	vsel vm11, $0x186, v6;
	v7 =	vsel vm11, $0x187, v7;
	v0 =	vsel vm10, $0x200, v0  }
0x14: {  	v1 =	vsel vm10, $0x201, v1;
	v2 =	vsel vm10, $0x202, v2;
	v3 =	vsel vm10, $0x203, v3  }
0x15: {  	v4 =	vsel vm10, $0x204, v4;
	v5 =	vsel vm10, $0x205, v5;
	v6 =	vsel vm10, $0x206, v6  }
0x16: {  	v7 =	vsel vm10, $0x207, v7;
	v0 =	vsel vm9, $0x280, v0;
	v1 =	vsel vm9, $0x281, v1  }
0x17: {  	v2 =	vsel vm9, $0x282, v2;
	v3 =	vsel vm9, $0x283, v3;
	v4 =	vsel vm9, $0x284, v4  }
0x18: {  	v5 =	vsel vm9, $0x285, v5;
	v6 =	vsel vm9, $0x286, v6;
	v7 =	vsel vm9, $0x287, v7  }
0x19: {  	v0 =	vsel vm8, $0x300, v0;
	v1 =	vsel vm8, $0x301, v1;
	v2 =	vsel vm8, $0x302, v2  }
0x1a: {  	v3 =	vsel vm8, $0x303, v3;
	v4 =	vsel vm8, $0x304, v4;
	v5 =	vsel vm8, $0x305, v5  }
0x1b: {  	v6 =	vsel vm8, $0x306, v6;
	v7 =	vsel vm8, $0x307, v7;
	v0 =	vsel vm7, $0x380, v0  }
0x1c: {  	v1 =	vsel vm7, $0x381, v1;
	v2 =	vsel vm7, $0x382, v2;
	v3 =	vsel vm7, $0x383, v3  }
0x1d: {  	v4 =	vsel vm7, $0x384, v4;
	v5 =	vsel vm7, $0x385, v5;
	v6 =	vsel vm7, $0x386, v6  }
0x1e: {  	v7 =	vsel vm7, $0x387, v7;
	v0 =	vsel vm6, $0x1000, v0;
	v1 =	vsel vm6, $0x1001, v1  }
0x1f: {  	v2 =	vsel vm6, $0x1002, v2;
	v3 =	vsel vm6, $0x1003, v3;
	v4 =	vsel vm6, $0x1004, v4  }
0x20: {  	s0 =	rddreg [dreg:$0x0];
	v5 =	vsel vm6, $0x1005, v5;
	v6 =	vsel vm6, $0x1006, v6;
	v7 =	vsel vm6, $0x1007, v7  }
0x21: {  	s2 =	rddreg [dreg:$0x1];
	v0 =	vsel vm5, $0x1080, v0;
	v1 =	vsel vm5, $0x1081, v1;
	v2 =	vsel vm5, $0x1082, v2  }
0x22: {  	s3 =	simm.s32 $0x0;
	s1 =	srdreg.scid;
	s16 =	simm.s32 $0x1000;
	v3 =	vsel vm5, $0x1083, v3;
	v4 =	vsel vm5, $0x1084, v4;
	v5 =	vsel vm5, $0x1085, v5  }
0x23: {  	s4 =	stileid.u32;
	s18 =	simm.s32 $0x7A1400;
	s19 =	simm.s32 $0x2000;
	v6 =	vsel vm5, $0x1086, v6;
	v7 =	vsel vm5, $0x1087, v7;
	v0 =	vsel vm4, $0x1100, v0  }
0x24: {  	s20 =	simm.s32 $0x1;
	s21 =	simm.s32 $0x4000;
	s22 =	simm.s32 $0x2;
	v1 =	vsel vm4, $0x1101, v1;
	v2 =	vsel vm4, $0x1102, v2;
	v3 =	vsel vm4, $0x1103, v3  }
0x25: {  	s23 =	simm.s32 $0x6000;
	s24 =	simm.s32 $0x3;
	s25 =	simm.s32 $0x4;
	v4 =	vsel vm4, $0x1104, v4;
	v5 =	vsel vm4, $0x1105, v5;
	v6 =	vsel vm4, $0x1106, v6  }
0x26: {  	s26 =	simm.s32 $0x5;
	s28 =	simm.s32 $0x0;
	[smem:$0x7FF] =	sst s3;
	v7 =	vsel vm4, $0x1107, v7;
	v0 =	vsel vm3, $0x1180, v0;
	v1 =	vsel vm3, $0x1181, v1  }
0x27: {  	s6 =	sand.u32 $0x1, s1;
	s29 =	sshll.u32 s4, $0x1;
	s30 =	sadd.s32 $0xA00, s2;
	v2 =	vsel vm3, $0x1182, v2;
	v3 =	vsel vm3, $0x1183, v3;
	v4 =	vsel vm3, $0x1184, v4  }
0x28: {  	s5 =	sadd.s32 $0xC00, s2;
	s13 =	sadd.s32 $0x1E8C00, s2;
	s1 =	sor.u32 s6, s29;
	v5 =	vsel vm3, $0x1185, v5;
	v6 =	vsel vm3, $0x1186, v6;
	v7 =	vsel vm3, $0x1187, v7  }
0x29: {  	s14 =	sadd.s32 $0xF4000, s0;
	s15 =	sadd.s32 $0x1E9000, s2;
	s7 =	smul.u32 $0x3D000, s1;
	v0 =	vsel vm2, $0x1200, v0;
	v1 =	vsel vm2, $0x1201, v1;
	v2 =	vsel vm2, $0x1202, v2  }
0x2a: {  	_ =	strace $0x80000047;
	s6 =	ssub.s32 $0x2, s6;
	s8 =	smul.u32 $0x7A00, s1;
	v3 =	vsel vm2, $0x1203, v3;
	v4 =	vsel vm2, $0x1204, v4;
	v5 =	vsel vm2, $0x1205, v5  }
0x2b: {  	[dreg:$0x3] =	wrdreg s30;
	s9 =	sshrl.u32 s6, $0x1;
	s10 =	smul.u32 $0x7A000, s1;
	v6 =	vsel vm2, $0x1206, v6;
	v7 =	vsel vm2, $0x1207, v7;
	v0 =	vsel vm1, $0x1280, v0  }
.Ltmp0:
0x2c: {  	p0 =	sne.s32 s1, $0x1F;
	s17 =	ssub.s32 s6, s9;
	v1 =	vsel vm1, $0x1281, v1;
	v2 =	vsel vm1, $0x1282, v2;
	v3 =	vsel vm1, $0x1283, v3;
	(pc) =	sbr.rel .LBB2_1-.Ltmp0, $4  }
0x2d: {  	s6 =	smul.u32 $0x3D, s1;
	s7 =	sshrl.u32 s7, $0x3;
	s11 =	sshrl.u32 s10, $0x3;
	v4 =	vsel vm1, $0x1284, v4;
	v5 =	vsel vm1, $0x1285, v5;
	v6 =	vsel vm1, $0x1286, v6  }
0x2e: {  	s17 =	smax.u32 s17, $0x1;
	s31 =	sadd.s32 s0, s7;
	s7 =	sadd.s32 s0, s8;
	v7 =	vsel vm1, $0x1287, v7;
	v0 =	vsel vm0, $0x1300, v0;
	v1 =	vsel vm0, $0x1301, v1  }
0x2f: {  	s9 =	sadd.s32 $0x2, s6;
	s10 =	sadd.s32 $0x1, s6;
	s12 =	sadd.s32 s5, s11;
	v2 =	vsel vm0, $0x1302, v2;
	v3 =	vsel vm0, $0x1303, v3;
	v4 =	vsel vm0, $0x1304, v4  }
0x30: {  	s11 =	sadd.s32 $0x3, s6;
	s8 =	sadd.s32 $0x200, s31;
	s12 =	sadd.s32 $0xF000, s12;
	v5 =	vsel vm0, $0x1305, v5;
	v6 =	vsel vm0, $0x1306, v6;
	v7 =	vsel vm0, $0x1307, v7  }
.LBB2_14:
0x31: {  	s28 =	sadd.s32 $0x1, s28  }
0x32: {  	p1 =	sne.s32 s28, s17  }
.Ltmp1:
0x33: {  	_ = 	snop;
	(pc) =	sbr.rel @!p1 .LBB2_15-.Ltmp1, $1  }
0x34: {  	_ =	sdelay $0x3  }
.LBB2_1:
0x35: {  	[tilespmem:s3], [sflag:$0x1] =	stream.strided.gather [hbm4b:s7+s16], $0x2000, s18, s16, $0x38;
	[tilespmem:$0x8000] =	vst v63  }
0x36: {  	s29 =	simm.s32 $0x0  }
0x37: {  	[tilespmem:s19], [sflag:$0x2] =	stream.strided.gather [hbm4b:s8+s16], $0x2000, s18, s16, $0x38;
	[tilespmem:$0x8000] =	vst v63  }
.LBB2_2:
0x38: {  	s1 =	simm.s32 $0x0  }
0x39: {  	v8 =	vmov s1  }
0x3a: {  	v9 =	vshll.u32 v8, $0x3  }
0x3b: {  	v8 =	vand.u32 $0x70, v8;
	v9 =	vand.u32 $0xC00, v9  }
0x3c: {  	_ =	swait.ge [sflag:s20], $0x2000;
	v8 =	vor.u32 v8, v9  }
0x3d: {  	p1 =	seq.s32 s29, $0x0;
	[sflag:s20] =	ssyncset.done $0x0;
	v9 =	vor.u32 v0, v8  }
0x3e: {  	s1 =	simm.s32 @!p1 $0x3;
	[sflag:s20] =	ssyncadd.s32 $0xFFFFE000  }
0x3f: {  	_ =	swait.ge @!p1 [sflag:s1], $0x2000  }
0x40: {  	[sflag:s1] =	ssyncset.done @!p1 $0x0  }
0x41: {  	[sflag:s1] =	ssyncadd.s32 @!p1 $0xFFFFE000  }
0x42: {  	v9 =	vld.idx.msk [tilespmem:v9+s3+$0x0], $0xffff  }
0x43: {  	v10 =	vor.u32 v1, v8;
	_ =	sdelay $0x2  }
0x44: {  	s31 =	simm.s32 $0x4080  }
0x45: {  	[tilespmem:s31+$0xFFFFFF80] =	vst v9  }
0x46: {  	v9 =	vld.idx.msk [tilespmem:v10+s3+$0x0], $0xffff  }
0x47: {  	v10 =	vor.u32 v2, v8;
	_ =	sdelay $0x3  }
0x48: {  	[tilespmem:s31+$0xFFFFFF90] =	vst v9  }
0x49: {  	v9 =	vld.idx.msk [tilespmem:v10+s3+$0x0], $0xffff  }
0x4a: {  	v10 =	vor.u32 v3, v8;
	_ =	sdelay $0x3  }
0x4b: {  	[tilespmem:s31+$0xFFFFFFA0] =	vst v9  }
0x4c: {  	v9 =	vld.idx.msk [tilespmem:v10+s3+$0x0], $0xffff  }
0x4d: {  	v10 =	vor.u32 v4, v8;
	_ =	sdelay $0x3  }
0x4e: {  	[tilespmem:s31+$0xFFFFFFB0] =	vst v9  }
0x4f: {  	v9 =	vld.idx.msk [tilespmem:v10+s3+$0x0], $0xffff  }
0x50: {  	v10 =	vor.u32 v5, v8;
	_ =	sdelay $0x3  }
0x51: {  	[tilespmem:s31+$0xFFFFFFC0] =	vst v9  }
0x52: {  	v9 =	vld.idx.msk [tilespmem:v10+s3+$0x0], $0xffff  }
0x53: {  	v10 =	vor.u32 v6, v8;
	_ =	sdelay $0x3  }
0x54: {  	[tilespmem:s31+$0xFFFFFFD0] =	vst v9  }
0x55: {  	v9 =	vld.idx.msk [tilespmem:v10+s3+$0x0], $0xffff  }
0x56: {  	v8 =	vor.u32 v7, v8  }
0x57: {  	s4 =	simm.s32 $0x8  }
0x58: {  	v10 =	vmov s4  }
0x59: {  	v11 =	vshll.u32 v10, $0x3  }
0x5a: {  	[tilespmem:s31+$0xFFFFFFE0] =	vst v9;
	v9 =	vand.u32 $0x78, v10;
	v10 =	vand.u32 $0xC00, v11  }
0x5b: {  	v8 =	vld.idx.msk [tilespmem:v8+s3+$0x0], $0xffff;
	v10 =	vor.u32 v9, v10  }
0x5c: {  	v9 =	vor.u32 v0, v10;
	_ =	sdelay $0x3  }
0x5d: {  	[tilespmem:s31+$0xFFFFFFF0] =	vst v8  }
0x5e: {  	v8 =	vld.idx.msk [tilespmem:v9+s3+$0x0], $0xffff  }
0x5f: {  	v9 =	vor.u32 v1, v10;
	_ =	sdelay $0x3  }
0x60: {  	[tilespmem:s31+$0x0] =	vst v8  }
0x61: {  	v8 =	vld.idx.msk [tilespmem:v9+s3+$0x0], $0xffff  }
0x62: {  	v9 =	vor.u32 v2, v10;
	_ =	sdelay $0x3  }
0x63: {  	[tilespmem:s31+$0x10] =	vst v8  }
0x64: {  	v8 =	vld.idx.msk [tilespmem:v9+s3+$0x0], $0xffff  }
0x65: {  	v9 =	vor.u32 v3, v10;
	_ =	sdelay $0x3  }
0x66: {  	[tilespmem:s31+$0x20] =	vst v8  }
0x67: {  	v8 =	vld.idx.msk [tilespmem:v9+s3+$0x0], $0xffff  }
0x68: {  	v9 =	vor.u32 v4, v10;
	_ =	sdelay $0x3  }
0x69: {  	[tilespmem:s31+$0x30] =	vst v8  }
0x6a: {  	v8 =	vld.idx.msk [tilespmem:v9+s3+$0x0], $0xffff  }
0x6b: {  	v9 =	vor.u32 v5, v10;
	_ =	sdelay $0x3  }
0x6c: {  	[tilespmem:s31+$0x40] =	vst v8  }
0x6d: {  	v8 =	vld.idx.msk [tilespmem:v9+s3+$0x0], $0xffff  }
0x6e: {  	v9 =	vor.u32 v6, v10;
	_ =	sdelay $0x3  }
0x6f: {  	[tilespmem:s31+$0x50] =	vst v8  }
0x70: {  	v9 =	vld.idx.msk [tilespmem:v9+s3+$0x0], $0xffff  }
0x71: {  	v8 =	vor.u32 v7, v10;
	_ =	sdelay $0x1  }
0x72: {  	s30 =	sshll.u32 s29, $0x1;
	s2 =	simm.s32 $0x10;
	s1 =	simm.s32 $0x0  }
.LBB2_3:
0x73: {  	v10 =	vmov s2;
	s1 =	sadd.s32 $0x2, s1  }
0x74: {  	v11 =	vshll.u32 v10, $0x3;
	p2 =	slt.u32 s1, $0x3E;
	[tilespmem:s31+$0x60] =	vst v9  }
0x75: {  	v9 =	vand.u32 $0x70, v10;
	v10 =	vand.u32 $0xC00, v11;
	v8 =	vld.idx.msk [tilespmem:v8+s3+$0x0], $0xffff  }
0x76: {  	v9 =	vor.u32 v9, v10  }
0x77: {  	v10 =	vor.u32 v0, v9;
	_ =	sdelay $0x3  }
0x78: {  	[tilespmem:s31+$0x70] =	vst v8  }
0x79: {  	v8 =	vld.idx.msk [tilespmem:v10+s3+$0x0], $0xffff;
	_ =	sdelay $0x1  }
0x7a: {  	v10 =	vor.u32 v1, v9;
	_ =	sdelay $0x2  }
0x7b: {  	s31 =	sadd.s32 $0x100, s31  }
0x7c: {  	[tilespmem:s31+$0xFFFFFF80] =	vst v8  }
0x7d: {  	v8 =	vld.idx.msk [tilespmem:v10+s3+$0x0], $0xffff;
	_ =	sdelay $0x1  }
0x7e: {  	v10 =	vor.u32 v2, v9;
	_ =	sdelay $0x3  }
0x7f: {  	[tilespmem:s31+$0xFFFFFF90] =	vst v8  }
0x80: {  	v8 =	vld.idx.msk [tilespmem:v10+s3+$0x0], $0xffff;
	_ =	sdelay $0x1  }
0x81: {  	v10 =	vor.u32 v3, v9;
	_ =	sdelay $0x3  }
0x82: {  	[tilespmem:s31+$0xFFFFFFA0] =	vst v8  }
0x83: {  	v8 =	vld.idx.msk [tilespmem:v10+s3+$0x0], $0xffff;
	_ =	sdelay $0x1  }
0x84: {  	v10 =	vor.u32 v4, v9;
	_ =	sdelay $0x3  }
0x85: {  	[tilespmem:s31+$0xFFFFFFB0] =	vst v8  }
0x86: {  	v8 =	vld.idx.msk [tilespmem:v10+s3+$0x0], $0xffff;
	_ =	sdelay $0x1  }
0x87: {  	v10 =	vor.u32 v5, v9;
	_ =	sdelay $0x3  }
0x88: {  	[tilespmem:s31+$0xFFFFFFC0] =	vst v8  }
0x89: {  	v8 =	vld.idx.msk [tilespmem:v10+s3+$0x0], $0xffff;
	_ =	sdelay $0x1  }
0x8a: {  	v10 =	vor.u32 v6, v9;
	_ =	sdelay $0x3  }
0x8b: {  	[tilespmem:s31+$0xFFFFFFD0] =	vst v8  }
0x8c: {  	v8 =	vld.idx.msk [tilespmem:v10+s3+$0x0], $0xffff;
	_ =	sdelay $0x1  }
0x8d: {  	v9 =	vor.u32 v7, v9;
	_ =	sdelay $0x1  }
0x8e: {  	s4 =	sadd.s32 $0x8, s2  }
0x8f: {  	v10 =	vmov s4  }
0x90: {  	[tilespmem:s31+$0xFFFFFFE0] =	vst v8;
	v8 =	vshll.u32 v10, $0x3  }
0x91: {  	v10 =	vand.u32 $0x78, v10;
	v9 =	vld.idx.msk [tilespmem:v9+s3+$0x0], $0xffff;
	v8 =	vand.u32 $0xC00, v8  }
0x92: {  	v8 =	vor.u32 v10, v8  }
0x93: {  	v10 =	vor.u32 v0, v8;
	_ =	sdelay $0x3  }
0x94: {  	[tilespmem:s31+$0xFFFFFFF0] =	vst v9  }
0x95: {  	v9 =	vld.idx.msk [tilespmem:v10+s3+$0x0], $0xffff;
	_ =	sdelay $0x1  }
0x96: {  	v10 =	vor.u32 v1, v8;
	_ =	sdelay $0x3  }
0x97: {  	[tilespmem:s31+$0x0] =	vst v9  }
0x98: {  	v9 =	vld.idx.msk [tilespmem:v10+s3+$0x0], $0xffff;
	_ =	sdelay $0x1  }
0x99: {  	v10 =	vor.u32 v2, v8;
	_ =	sdelay $0x3  }
0x9a: {  	[tilespmem:s31+$0x10] =	vst v9  }
0x9b: {  	v9 =	vld.idx.msk [tilespmem:v10+s3+$0x0], $0xffff;
	_ =	sdelay $0x1  }
0x9c: {  	v10 =	vor.u32 v3, v8;
	_ =	sdelay $0x3  }
0x9d: {  	[tilespmem:s31+$0x20] =	vst v9  }
0x9e: {  	v9 =	vld.idx.msk [tilespmem:v10+s3+$0x0], $0xffff;
	_ =	sdelay $0x1  }
0x9f: {  	v10 =	vor.u32 v4, v8;
	_ =	sdelay $0x3  }
0xa0: {  	[tilespmem:s31+$0x30] =	vst v9  }
0xa1: {  	v9 =	vld.idx.msk [tilespmem:v10+s3+$0x0], $0xffff;
	_ =	sdelay $0x1  }
0xa2: {  	v10 =	vor.u32 v5, v8;
	_ =	sdelay $0x3  }
0xa3: {  	[tilespmem:s31+$0x40] =	vst v9  }
0xa4: {  	v9 =	vld.idx.msk [tilespmem:v10+s3+$0x0], $0xffff;
	_ =	sdelay $0x1  }
0xa5: {  	v10 =	vor.u32 v6, v8;
	_ =	sdelay $0x3  }
0xa6: {  	[tilespmem:s31+$0x50] =	vst v9  }
.Ltmp2:
0xa7: {  	v9 =	vld.idx.msk [tilespmem:v10+s3+$0x0], $0xffff;
	(pc) =	sbr.rel @p2 .LBB2_3-.Ltmp2, $3  }
0xa8: {  	_ = 	snop  }
0xa9: {  	v8 =	vor.u32 v7, v8;
	_ =	sdelay $0x1  }
0xaa: {  	s2 =	sadd.s32 $0x10, s2  }
0xab: {  	_ =	sdelay $0x2  }
0xac: {  	[tilespmem:s31+$0x60] =	vst v9  }
0xad: {  	v8 =	vld.idx.msk [tilespmem:v8+s3+$0x0], $0xffff;
	_ =	sdelay $0x2  }
0xae: {  	s1 =	sadd.s32 s6, s30  }
0xaf: {  	s1 =	sshll.u32 s1, $0xA  }
0xb0: {  	s2 =	sadd.s32 s30, s9;
	s1 =	sadd.s32 s5, s1;
	[tilespmem:s31+$0x70] =	vst v8  }
0xb1: {  	[hbm4b:s1+s3] =	stream.linear.scatter [tilespmem:s21], [sflag:$0x3], $0x2000, $0x38;
	[tilespmem:$0x8000] =	vst v63  }
0xb2: {  	s1 =	sshll.u32 s2, $0x9;
	s2 =	simm.s32 $0x0  }
0xb3: {  	s1 =	sand.u32 $0x1FFFFE00, s1;
	v8 =	vmov s2  }
0xb4: {  	s1 =	sadd.s32 s0, s1;
	v9 =	vshll.u32 v8, $0x3  }
0xb5: {  	v8 =	vand.u32 $0x70, v8;
	[tilespmem:s3], [sflag:$0x1] =	stream.strided.gather [hbm4b:s1+s16], $0x2000, s18, s16, $0x38;
	v9 =	vand.u32 $0xC00, v9;
	[tilespmem:$0x8000] =	vst v63  }
0xb6: {  	_ =	swait.ge [sflag:s22], $0x2000;
	v8 =	vor.u32 v8, v9  }
0xb7: {  	[sflag:s22] =	ssyncset.done $0x0;
	v9 =	vor.u32 v0, v8  }
0xb8: {  	s1 =	simm.s32 @!p1 $0x4;
	[sflag:s22] =	ssyncadd.s32 $0xFFFFE000  }
0xb9: {  	_ =	swait.ge @!p1 [sflag:s1], $0x2000  }
0xba: {  	[sflag:s1] =	ssyncset.done @!p1 $0x0  }
0xbb: {  	[sflag:s1] =	ssyncadd.s32 @!p1 $0xFFFFE000  }
0xbc: {  	v9 =	vld.idx.msk [tilespmem:v9+s19+$0x0], $0xffff  }
0xbd: {  	v10 =	vor.u32 v1, v8;
	_ =	sdelay $0x2  }
0xbe: {  	s31 =	simm.s32 $0x6080  }
0xbf: {  	[tilespmem:s31+$0xFFFFFF80] =	vst v9  }
0xc0: {  	v9 =	vld.idx.msk [tilespmem:v10+s19+$0x0], $0xffff  }
0xc1: {  	v10 =	vor.u32 v2, v8;
	_ =	sdelay $0x3  }
0xc2: {  	[tilespmem:s31+$0xFFFFFF90] =	vst v9  }
0xc3: {  	v9 =	vld.idx.msk [tilespmem:v10+s19+$0x0], $0xffff  }
0xc4: {  	v10 =	vor.u32 v3, v8;
	_ =	sdelay $0x3  }
0xc5: {  	[tilespmem:s31+$0xFFFFFFA0] =	vst v9  }
0xc6: {  	v9 =	vld.idx.msk [tilespmem:v10+s19+$0x0], $0xffff  }
0xc7: {  	v10 =	vor.u32 v4, v8;
	_ =	sdelay $0x3  }
0xc8: {  	[tilespmem:s31+$0xFFFFFFB0] =	vst v9  }
0xc9: {  	v9 =	vld.idx.msk [tilespmem:v10+s19+$0x0], $0xffff  }
0xca: {  	v10 =	vor.u32 v5, v8;
	_ =	sdelay $0x3  }
0xcb: {  	[tilespmem:s31+$0xFFFFFFC0] =	vst v9  }
0xcc: {  	v9 =	vld.idx.msk [tilespmem:v10+s19+$0x0], $0xffff  }
0xcd: {  	v10 =	vor.u32 v6, v8;
	_ =	sdelay $0x3  }
0xce: {  	[tilespmem:s31+$0xFFFFFFD0] =	vst v9  }
0xcf: {  	v9 =	vld.idx.msk [tilespmem:v10+s19+$0x0], $0xffff  }
0xd0: {  	v8 =	vor.u32 v7, v8  }
0xd1: {  	s4 =	simm.s32 $0x8  }
0xd2: {  	v10 =	vmov s4  }
0xd3: {  	v11 =	vshll.u32 v10, $0x3  }
0xd4: {  	[tilespmem:s31+$0xFFFFFFE0] =	vst v9;
	v9 =	vand.u32 $0x78, v10;
	v10 =	vand.u32 $0xC00, v11  }
0xd5: {  	v8 =	vld.idx.msk [tilespmem:v8+s19+$0x0], $0xffff;
	v10 =	vor.u32 v9, v10  }
0xd6: {  	v9 =	vor.u32 v0, v10;
	_ =	sdelay $0x3  }
0xd7: {  	[tilespmem:s31+$0xFFFFFFF0] =	vst v8  }
0xd8: {  	v8 =	vld.idx.msk [tilespmem:v9+s19+$0x0], $0xffff  }
0xd9: {  	v9 =	vor.u32 v1, v10;
	_ =	sdelay $0x3  }
0xda: {  	[tilespmem:s31+$0x0] =	vst v8  }
0xdb: {  	v8 =	vld.idx.msk [tilespmem:v9+s19+$0x0], $0xffff  }
0xdc: {  	v9 =	vor.u32 v2, v10;
	_ =	sdelay $0x3  }
0xdd: {  	[tilespmem:s31+$0x10] =	vst v8  }
0xde: {  	v8 =	vld.idx.msk [tilespmem:v9+s19+$0x0], $0xffff  }
0xdf: {  	v9 =	vor.u32 v3, v10;
	_ =	sdelay $0x3  }
0xe0: {  	[tilespmem:s31+$0x20] =	vst v8  }
0xe1: {  	v8 =	vld.idx.msk [tilespmem:v9+s19+$0x0], $0xffff  }
0xe2: {  	v9 =	vor.u32 v4, v10;
	_ =	sdelay $0x3  }
0xe3: {  	[tilespmem:s31+$0x30] =	vst v8  }
0xe4: {  	v8 =	vld.idx.msk [tilespmem:v9+s19+$0x0], $0xffff  }
0xe5: {  	v9 =	vor.u32 v5, v10;
	_ =	sdelay $0x3  }
0xe6: {  	[tilespmem:s31+$0x40] =	vst v8  }
0xe7: {  	v8 =	vld.idx.msk [tilespmem:v9+s19+$0x0], $0xffff  }
0xe8: {  	v9 =	vor.u32 v6, v10;
	_ =	sdelay $0x3  }
0xe9: {  	[tilespmem:s31+$0x50] =	vst v8  }
0xea: {  	v9 =	vld.idx.msk [tilespmem:v9+s19+$0x0], $0xffff  }
0xeb: {  	v8 =	vor.u32 v7, v10;
	_ =	sdelay $0x1  }
0xec: {  	s2 =	simm.s32 $0x10;
	s1 =	simm.s32 $0x0  }
.LBB2_5:
0xed: {  	v10 =	vmov s2;
	s1 =	sadd.s32 $0x2, s1  }
0xee: {  	v11 =	vshll.u32 v10, $0x3;
	p1 =	slt.u32 s1, $0x3E;
	[tilespmem:s31+$0x60] =	vst v9  }
0xef: {  	v9 =	vand.u32 $0x70, v10;
	v10 =	vand.u32 $0xC00, v11;
	v8 =	vld.idx.msk [tilespmem:v8+s19+$0x0], $0xffff  }
0xf0: {  	v9 =	vor.u32 v9, v10  }
0xf1: {  	v10 =	vor.u32 v0, v9;
	_ =	sdelay $0x3  }
0xf2: {  	[tilespmem:s31+$0x70] =	vst v8  }
0xf3: {  	v8 =	vld.idx.msk [tilespmem:v10+s19+$0x0], $0xffff;
	_ =	sdelay $0x1  }
0xf4: {  	v10 =	vor.u32 v1, v9;
	_ =	sdelay $0x2  }
0xf5: {  	s31 =	sadd.s32 $0x100, s31  }
0xf6: {  	[tilespmem:s31+$0xFFFFFF80] =	vst v8  }
0xf7: {  	v8 =	vld.idx.msk [tilespmem:v10+s19+$0x0], $0xffff;
	_ =	sdelay $0x1  }
0xf8: {  	v10 =	vor.u32 v2, v9;
	_ =	sdelay $0x3  }
0xf9: {  	[tilespmem:s31+$0xFFFFFF90] =	vst v8  }
0xfa: {  	v8 =	vld.idx.msk [tilespmem:v10+s19+$0x0], $0xffff;
	_ =	sdelay $0x1  }
0xfb: {  	v10 =	vor.u32 v3, v9;
	_ =	sdelay $0x3  }
0xfc: {  	[tilespmem:s31+$0xFFFFFFA0] =	vst v8  }
0xfd: {  	v8 =	vld.idx.msk [tilespmem:v10+s19+$0x0], $0xffff;
	_ =	sdelay $0x1  }
0xfe: {  	v10 =	vor.u32 v4, v9;
	_ =	sdelay $0x3  }
0xff: {  	[tilespmem:s31+$0xFFFFFFB0] =	vst v8  }
0x100: {  	v8 =	vld.idx.msk [tilespmem:v10+s19+$0x0], $0xffff;
	_ =	sdelay $0x1  }
0x101: {  	v10 =	vor.u32 v5, v9;
	_ =	sdelay $0x3  }
0x102: {  	[tilespmem:s31+$0xFFFFFFC0] =	vst v8  }
0x103: {  	v8 =	vld.idx.msk [tilespmem:v10+s19+$0x0], $0xffff;
	_ =	sdelay $0x1  }
0x104: {  	v10 =	vor.u32 v6, v9;
	_ =	sdelay $0x3  }
0x105: {  	[tilespmem:s31+$0xFFFFFFD0] =	vst v8  }
0x106: {  	v8 =	vld.idx.msk [tilespmem:v10+s19+$0x0], $0xffff;
	_ =	sdelay $0x1  }
0x107: {  	v9 =	vor.u32 v7, v9;
	_ =	sdelay $0x1  }
0x108: {  	s4 =	sadd.s32 $0x8, s2  }
0x109: {  	v10 =	vmov s4  }
0x10a: {  	[tilespmem:s31+$0xFFFFFFE0] =	vst v8;
	v8 =	vshll.u32 v10, $0x3  }
0x10b: {  	v10 =	vand.u32 $0x78, v10;
	v9 =	vld.idx.msk [tilespmem:v9+s19+$0x0], $0xffff;
	v8 =	vand.u32 $0xC00, v8  }
0x10c: {  	v8 =	vor.u32 v10, v8  }
0x10d: {  	v10 =	vor.u32 v0, v8;
	_ =	sdelay $0x3  }
0x10e: {  	[tilespmem:s31+$0xFFFFFFF0] =	vst v9  }
0x10f: {  	v9 =	vld.idx.msk [tilespmem:v10+s19+$0x0], $0xffff;
	_ =	sdelay $0x1  }
0x110: {  	v10 =	vor.u32 v1, v8;
	_ =	sdelay $0x3  }
0x111: {  	[tilespmem:s31+$0x0] =	vst v9  }
0x112: {  	v9 =	vld.idx.msk [tilespmem:v10+s19+$0x0], $0xffff;
	_ =	sdelay $0x1  }
0x113: {  	v10 =	vor.u32 v2, v8;
	_ =	sdelay $0x3  }
0x114: {  	[tilespmem:s31+$0x10] =	vst v9  }
0x115: {  	v9 =	vld.idx.msk [tilespmem:v10+s19+$0x0], $0xffff;
	_ =	sdelay $0x1  }
0x116: {  	v10 =	vor.u32 v3, v8;
	_ =	sdelay $0x3  }
0x117: {  	[tilespmem:s31+$0x20] =	vst v9  }
0x118: {  	v9 =	vld.idx.msk [tilespmem:v10+s19+$0x0], $0xffff;
	_ =	sdelay $0x1  }
0x119: {  	v10 =	vor.u32 v4, v8;
	_ =	sdelay $0x3  }
0x11a: {  	[tilespmem:s31+$0x30] =	vst v9  }
0x11b: {  	v9 =	vld.idx.msk [tilespmem:v10+s19+$0x0], $0xffff;
	_ =	sdelay $0x1  }
0x11c: {  	v10 =	vor.u32 v5, v8;
	_ =	sdelay $0x3  }
0x11d: {  	[tilespmem:s31+$0x40] =	vst v9  }
0x11e: {  	v9 =	vld.idx.msk [tilespmem:v10+s19+$0x0], $0xffff;
	_ =	sdelay $0x1  }
0x11f: {  	v10 =	vor.u32 v6, v8;
	_ =	sdelay $0x3  }
0x120: {  	[tilespmem:s31+$0x50] =	vst v9  }
.Ltmp3:
0x121: {  	v9 =	vld.idx.msk [tilespmem:v10+s19+$0x0], $0xffff;
	(pc) =	sbr.rel @p1 .LBB2_5-.Ltmp3, $3  }
0x122: {  	_ = 	snop  }
0x123: {  	v8 =	vor.u32 v7, v8;
	_ =	sdelay $0x1  }
0x124: {  	s2 =	sadd.s32 $0x10, s2  }
0x125: {  	_ =	sdelay $0x2  }
0x126: {  	[tilespmem:s31+$0x60] =	vst v9  }
0x127: {  	v8 =	vld.idx.msk [tilespmem:v8+s19+$0x0], $0xffff  }
0x128: {  	p1 =	seq.s32 s29, $0x1D  }
.Ltmp4:
0x129: {  	s1 =	sadd.s32 s30, s10;
	(pc) =	sbr.rel @p1 .LBB2_8-.Ltmp4, $4  }
0x12a: {  	s1 =	sshll.u32 s1, $0xA  }
0x12b: {  	s1 =	sand.u32 $0x1FFFFC00, s1  }
0x12c: {  	s1 =	sadd.s32 s5, s1;
	[tilespmem:s31+$0x70] =	vst v8  }
0x12d: {  	[hbm4b:s1+s3] =	stream.linear.scatter [tilespmem:s23], [sflag:$0x4], $0x2000, $0x38;
	[tilespmem:$0x8000] =	vst v63  }
.Ltmp5:
0x12e: {  	s1 =	sadd.s32 s30, s11;
	(pc) =	sbr.rel .LBB2_2-.Ltmp5, $4  }
0x12f: {  	s1 =	sshll.u32 s1, $0x9  }
0x130: {  	s1 =	sand.u32 $0x1FFFFE00, s1  }
0x131: {  	s29 =	sadd.s32 $0x1, s29;
	s1 =	sadd.s32 s0, s1  }
0x132: {  	[tilespmem:s19], [sflag:$0x2] =	stream.strided.gather [hbm4b:s1+s16], $0x2000, s18, s16, $0x38;
	[tilespmem:$0x8000] =	vst v63  }
.LBB2_8:
0x133: {  	s1 =	simm.s32 $0x0  }
0x134: {  	v8 =	vmov s1  }
0x135: {  	v9 =	vshll.u32 v8, $0x3  }
0x136: {  	v8 =	vand.u32 $0x70, v8;
	v9 =	vand.u32 $0xC00, v9  }
0x137: {  	_ =	swait.ge [sflag:s20], $0x2000;
	v8 =	vor.u32 v8, v9  }
0x138: {  	[sflag:s20] =	ssyncset.done $0x0;
	v9 =	vor.u32 v0, v8  }
0x139: {  	[sflag:s20] =	ssyncadd.s32 $0xFFFFE000  }
0x13a: {  	_ =	swait.ge [sflag:s24], $0x2000  }
0x13b: {  	[sflag:s24] =	ssyncset.done $0x0  }
0x13c: {  	[sflag:s24] =	ssyncadd.s32 $0xFFFFE000  }
0x13d: {  	v9 =	vld.idx.msk [tilespmem:v9+s3+$0x0], $0xffff  }
0x13e: {  	v10 =	vor.u32 v1, v8;
	_ =	sdelay $0x2  }
0x13f: {  	s29 =	simm.s32 $0x4080  }
0x140: {  	[tilespmem:s29+$0xFFFFFF80] =	vst v9  }
0x141: {  	v9 =	vld.idx.msk [tilespmem:v10+s3+$0x0], $0xffff  }
0x142: {  	v10 =	vor.u32 v2, v8;
	_ =	sdelay $0x3  }
0x143: {  	[tilespmem:s29+$0xFFFFFF90] =	vst v9  }
0x144: {  	v9 =	vld.idx.msk [tilespmem:v10+s3+$0x0], $0xffff  }
0x145: {  	v10 =	vor.u32 v3, v8;
	_ =	sdelay $0x3  }
0x146: {  	[tilespmem:s29+$0xFFFFFFA0] =	vst v9  }
0x147: {  	v9 =	vld.idx.msk [tilespmem:v10+s3+$0x0], $0xffff  }
0x148: {  	v10 =	vor.u32 v4, v8;
	_ =	sdelay $0x3  }
0x149: {  	[tilespmem:s29+$0xFFFFFFB0] =	vst v9  }
0x14a: {  	v9 =	vld.idx.msk [tilespmem:v10+s3+$0x0], $0xffff  }
0x14b: {  	v10 =	vor.u32 v5, v8;
	_ =	sdelay $0x3  }
0x14c: {  	[tilespmem:s29+$0xFFFFFFC0] =	vst v9  }
0x14d: {  	v9 =	vld.idx.msk [tilespmem:v10+s3+$0x0], $0xffff  }
0x14e: {  	v10 =	vor.u32 v6, v8;
	_ =	sdelay $0x3  }
0x14f: {  	[tilespmem:s29+$0xFFFFFFD0] =	vst v9  }
0x150: {  	v9 =	vld.idx.msk [tilespmem:v10+s3+$0x0], $0xffff  }
0x151: {  	v8 =	vor.u32 v7, v8  }
0x152: {  	s31 =	simm.s32 $0x8  }
0x153: {  	v10 =	vmov s31  }
0x154: {  	v11 =	vshll.u32 v10, $0x3  }
0x155: {  	[tilespmem:s29+$0xFFFFFFE0] =	vst v9;
	v9 =	vand.u32 $0x78, v10;
	v10 =	vand.u32 $0xC00, v11  }
0x156: {  	v8 =	vld.idx.msk [tilespmem:v8+s3+$0x0], $0xffff;
	v10 =	vor.u32 v9, v10  }
0x157: {  	v9 =	vor.u32 v0, v10;
	_ =	sdelay $0x3  }
0x158: {  	[tilespmem:s29+$0xFFFFFFF0] =	vst v8  }
0x159: {  	v8 =	vld.idx.msk [tilespmem:v9+s3+$0x0], $0xffff  }
0x15a: {  	v9 =	vor.u32 v1, v10;
	_ =	sdelay $0x3  }
0x15b: {  	[tilespmem:s29+$0x0] =	vst v8  }
0x15c: {  	v8 =	vld.idx.msk [tilespmem:v9+s3+$0x0], $0xffff  }
0x15d: {  	v9 =	vor.u32 v2, v10;
	_ =	sdelay $0x3  }
0x15e: {  	[tilespmem:s29+$0x10] =	vst v8  }
0x15f: {  	v8 =	vld.idx.msk [tilespmem:v9+s3+$0x0], $0xffff  }
0x160: {  	v9 =	vor.u32 v3, v10;
	_ =	sdelay $0x3  }
0x161: {  	[tilespmem:s29+$0x20] =	vst v8  }
0x162: {  	v8 =	vld.idx.msk [tilespmem:v9+s3+$0x0], $0xffff  }
0x163: {  	v9 =	vor.u32 v4, v10;
	_ =	sdelay $0x3  }
0x164: {  	[tilespmem:s29+$0x30] =	vst v8  }
0x165: {  	v8 =	vld.idx.msk [tilespmem:v9+s3+$0x0], $0xffff  }
0x166: {  	v9 =	vor.u32 v5, v10;
	_ =	sdelay $0x3  }
0x167: {  	[tilespmem:s29+$0x40] =	vst v8  }
0x168: {  	v8 =	vld.idx.msk [tilespmem:v9+s3+$0x0], $0xffff  }
0x169: {  	v9 =	vor.u32 v6, v10;
	_ =	sdelay $0x3  }
0x16a: {  	[tilespmem:s29+$0x50] =	vst v8  }
0x16b: {  	v9 =	vld.idx.msk [tilespmem:v9+s3+$0x0], $0xffff  }
0x16c: {  	v8 =	vor.u32 v7, v10;
	_ =	sdelay $0x1  }
0x16d: {  	s2 =	simm.s32 $0x10;
	s1 =	simm.s32 $0x0  }
.LBB2_9:
0x16e: {  	v10 =	vmov s2;
	s1 =	sadd.s32 $0x2, s1  }
0x16f: {  	v11 =	vshll.u32 v10, $0x3;
	p1 =	slt.u32 s1, $0x3E;
	[tilespmem:s29+$0x60] =	vst v9  }
0x170: {  	v9 =	vand.u32 $0x70, v10;
	v10 =	vand.u32 $0xC00, v11;
	v8 =	vld.idx.msk [tilespmem:v8+s3+$0x0], $0xffff  }
0x171: {  	v9 =	vor.u32 v9, v10  }
0x172: {  	v10 =	vor.u32 v0, v9;
	_ =	sdelay $0x3  }
0x173: {  	[tilespmem:s29+$0x70] =	vst v8  }
0x174: {  	v8 =	vld.idx.msk [tilespmem:v10+s3+$0x0], $0xffff;
	_ =	sdelay $0x1  }
0x175: {  	v10 =	vor.u32 v1, v9;
	_ =	sdelay $0x2  }
0x176: {  	s29 =	sadd.s32 $0x100, s29  }
0x177: {  	[tilespmem:s29+$0xFFFFFF80] =	vst v8  }
0x178: {  	v8 =	vld.idx.msk [tilespmem:v10+s3+$0x0], $0xffff;
	_ =	sdelay $0x1  }
0x179: {  	v10 =	vor.u32 v2, v9;
	_ =	sdelay $0x3  }
0x17a: {  	[tilespmem:s29+$0xFFFFFF90] =	vst v8  }
0x17b: {  	v8 =	vld.idx.msk [tilespmem:v10+s3+$0x0], $0xffff;
	_ =	sdelay $0x1  }
0x17c: {  	v10 =	vor.u32 v3, v9;
	_ =	sdelay $0x3  }
0x17d: {  	[tilespmem:s29+$0xFFFFFFA0] =	vst v8  }
0x17e: {  	v8 =	vld.idx.msk [tilespmem:v10+s3+$0x0], $0xffff;
	_ =	sdelay $0x1  }
0x17f: {  	v10 =	vor.u32 v4, v9;
	_ =	sdelay $0x3  }
0x180: {  	[tilespmem:s29+$0xFFFFFFB0] =	vst v8  }
0x181: {  	v8 =	vld.idx.msk [tilespmem:v10+s3+$0x0], $0xffff;
	_ =	sdelay $0x1  }
0x182: {  	v10 =	vor.u32 v5, v9;
	_ =	sdelay $0x3  }
0x183: {  	[tilespmem:s29+$0xFFFFFFC0] =	vst v8  }
0x184: {  	v8 =	vld.idx.msk [tilespmem:v10+s3+$0x0], $0xffff;
	_ =	sdelay $0x1  }
0x185: {  	v10 =	vor.u32 v6, v9;
	_ =	sdelay $0x3  }
0x186: {  	[tilespmem:s29+$0xFFFFFFD0] =	vst v8  }
0x187: {  	v8 =	vld.idx.msk [tilespmem:v10+s3+$0x0], $0xffff;
	_ =	sdelay $0x1  }
0x188: {  	v9 =	vor.u32 v7, v9;
	_ =	sdelay $0x1  }
0x189: {  	s4 =	sadd.s32 $0x8, s2  }
0x18a: {  	v10 =	vmov s4  }
0x18b: {  	[tilespmem:s29+$0xFFFFFFE0] =	vst v8;
	v8 =	vshll.u32 v10, $0x3  }
0x18c: {  	v10 =	vand.u32 $0x78, v10;
	v9 =	vld.idx.msk [tilespmem:v9+s3+$0x0], $0xffff;
	v8 =	vand.u32 $0xC00, v8  }
0x18d: {  	v8 =	vor.u32 v10, v8  }
0x18e: {  	v10 =	vor.u32 v0, v8;
	_ =	sdelay $0x3  }
0x18f: {  	[tilespmem:s29+$0xFFFFFFF0] =	vst v9  }
0x190: {  	v9 =	vld.idx.msk [tilespmem:v10+s3+$0x0], $0xffff;
	_ =	sdelay $0x1  }
0x191: {  	v10 =	vor.u32 v1, v8;
	_ =	sdelay $0x3  }
0x192: {  	[tilespmem:s29+$0x0] =	vst v9  }
0x193: {  	v9 =	vld.idx.msk [tilespmem:v10+s3+$0x0], $0xffff;
	_ =	sdelay $0x1  }
0x194: {  	v10 =	vor.u32 v2, v8;
	_ =	sdelay $0x3  }
0x195: {  	[tilespmem:s29+$0x10] =	vst v9  }
0x196: {  	v9 =	vld.idx.msk [tilespmem:v10+s3+$0x0], $0xffff;
	_ =	sdelay $0x1  }
0x197: {  	v10 =	vor.u32 v3, v8;
	_ =	sdelay $0x3  }
0x198: {  	[tilespmem:s29+$0x20] =	vst v9  }
0x199: {  	v9 =	vld.idx.msk [tilespmem:v10+s3+$0x0], $0xffff;
	_ =	sdelay $0x1  }
0x19a: {  	v10 =	vor.u32 v4, v8;
	_ =	sdelay $0x3  }
0x19b: {  	[tilespmem:s29+$0x30] =	vst v9  }
0x19c: {  	v9 =	vld.idx.msk [tilespmem:v10+s3+$0x0], $0xffff;
	_ =	sdelay $0x1  }
0x19d: {  	v10 =	vor.u32 v5, v8;
	_ =	sdelay $0x3  }
0x19e: {  	[tilespmem:s29+$0x40] =	vst v9  }
0x19f: {  	v9 =	vld.idx.msk [tilespmem:v10+s3+$0x0], $0xffff;
	_ =	sdelay $0x1  }
0x1a0: {  	v10 =	vor.u32 v6, v8;
	_ =	sdelay $0x3  }
0x1a1: {  	[tilespmem:s29+$0x50] =	vst v9  }
.Ltmp6:
0x1a2: {  	v9 =	vld.idx.msk [tilespmem:v10+s3+$0x0], $0xffff;
	(pc) =	sbr.rel @p1 .LBB2_9-.Ltmp6, $3  }
0x1a3: {  	_ = 	snop  }
0x1a4: {  	v8 =	vor.u32 v7, v8;
	_ =	sdelay $0x1  }
0x1a5: {  	s2 =	sadd.s32 $0x10, s2  }
0x1a6: {  	_ =	sdelay $0x2  }
0x1a7: {  	[tilespmem:s29+$0x60] =	vst v9  }
0x1a8: {  	v8 =	vld.idx.msk [tilespmem:v8+s3+$0x0], $0xffff;
	_ =	sdelay $0x4  }
0x1a9: {  	[tilespmem:s29+$0x70] =	vst v8  }
0x1aa: {  	[hbm4b:s12+s3] =	stream.linear.scatter [tilespmem:s21], [sflag:$0x3], $0x2000, $0x38;
	[tilespmem:$0x8000] =	vst v63  }
0x1ab: {  	_ =	swait.ge [sflag:s25], $0x2000  }
.Ltmp7:
0x1ac: {  	[sflag:s25] =	ssyncset.done $0x0;
	(pc) =	sbr.rel @p0 .LBB2_14-.Ltmp7, $4  }
0x1ad: {  	[sflag:s25] =	ssyncadd.s32 $0xFFFFE000  }
0x1ae: {  	_ =	swait.ge [sflag:s24], $0x2000  }
0x1af: {  	[sflag:s24] =	ssyncset.done $0x0  }
0x1b0: {  	[sflag:s24] =	ssyncadd.s32 $0xFFFFE000  }
0x1b1: {  	s1 =	simm.s32 $0x0  }
0x1b2: {  	v8 =	vmov s1  }
0x1b3: {  	v9 =	vshll.u32 v8, $0x3  }
0x1b4: {  	v8 =	vand.u32 $0x70, v8;
	v9 =	vand.u32 $0xC00, v9  }
0x1b5: {  	v8 =	vor.u32 v8, v9  }
0x1b6: {  	v9 =	vor.u32 v0, v8  }
0x1b7: {  	[tilespmem:s1], [sflag:$0x5] =	stream.strided.gather [hbm4b:s14+s16], $0x2000, s18, s16, $0x38;
	[tilespmem:$0x8000] =	vst v63  }
0x1b8: {  	_ =	swait.ge [sflag:s26], $0x2000  }
0x1b9: {  	[sflag:s26] =	ssyncset.done $0x0  }
0x1ba: {  	[sflag:s26] =	ssyncadd.s32 $0xFFFFE000  }
0x1bb: {  	v9 =	vld.idx.msk [tilespmem:v9+s3+$0x0], $0xffff  }
0x1bc: {  	v10 =	vor.u32 v1, v8;
	_ =	sdelay $0x2  }
0x1bd: {  	s29 =	simm.s32 $0x4080  }
0x1be: {  	[tilespmem:s29+$0xFFFFFF80] =	vst v9  }
0x1bf: {  	v9 =	vld.idx.msk [tilespmem:v10+s3+$0x0], $0xffff  }
0x1c0: {  	v10 =	vor.u32 v2, v8;
	_ =	sdelay $0x3  }
0x1c1: {  	[tilespmem:s29+$0xFFFFFF90] =	vst v9  }
0x1c2: {  	v9 =	vld.idx.msk [tilespmem:v10+s3+$0x0], $0xffff  }
0x1c3: {  	v10 =	vor.u32 v3, v8;
	_ =	sdelay $0x3  }
0x1c4: {  	[tilespmem:s29+$0xFFFFFFA0] =	vst v9  }
0x1c5: {  	v9 =	vld.idx.msk [tilespmem:v10+s3+$0x0], $0xffff  }
0x1c6: {  	v10 =	vor.u32 v4, v8;
	_ =	sdelay $0x3  }
0x1c7: {  	[tilespmem:s29+$0xFFFFFFB0] =	vst v9  }
0x1c8: {  	v9 =	vld.idx.msk [tilespmem:v10+s3+$0x0], $0xffff  }
0x1c9: {  	v10 =	vor.u32 v5, v8;
	_ =	sdelay $0x3  }
0x1ca: {  	[tilespmem:s29+$0xFFFFFFC0] =	vst v9  }
0x1cb: {  	v9 =	vld.idx.msk [tilespmem:v10+s3+$0x0], $0xffff  }
0x1cc: {  	v10 =	vor.u32 v6, v8;
	_ =	sdelay $0x3  }
0x1cd: {  	[tilespmem:s29+$0xFFFFFFD0] =	vst v9  }
0x1ce: {  	v9 =	vld.idx.msk [tilespmem:v10+s3+$0x0], $0xffff  }
0x1cf: {  	v8 =	vor.u32 v7, v8  }
0x1d0: {  	s31 =	simm.s32 $0x8  }
0x1d1: {  	v10 =	vmov s31  }
0x1d2: {  	v11 =	vshll.u32 v10, $0x3  }
0x1d3: {  	[tilespmem:s29+$0xFFFFFFE0] =	vst v9;
	v9 =	vand.u32 $0x78, v10;
	v10 =	vand.u32 $0xC00, v11  }
0x1d4: {  	v8 =	vld.idx.msk [tilespmem:v8+s3+$0x0], $0xffff;
	v10 =	vor.u32 v9, v10  }
0x1d5: {  	v9 =	vor.u32 v0, v10;
	_ =	sdelay $0x3  }
0x1d6: {  	[tilespmem:s29+$0xFFFFFFF0] =	vst v8  }
0x1d7: {  	v8 =	vld.idx.msk [tilespmem:v9+s3+$0x0], $0xffff  }
0x1d8: {  	v9 =	vor.u32 v1, v10;
	_ =	sdelay $0x3  }
0x1d9: {  	[tilespmem:s29+$0x0] =	vst v8  }
0x1da: {  	v8 =	vld.idx.msk [tilespmem:v9+s3+$0x0], $0xffff  }
0x1db: {  	v9 =	vor.u32 v2, v10;
	_ =	sdelay $0x3  }
0x1dc: {  	[tilespmem:s29+$0x10] =	vst v8  }
0x1dd: {  	v8 =	vld.idx.msk [tilespmem:v9+s3+$0x0], $0xffff  }
0x1de: {  	v9 =	vor.u32 v3, v10;
	_ =	sdelay $0x3  }
0x1df: {  	[tilespmem:s29+$0x20] =	vst v8  }
0x1e0: {  	v8 =	vld.idx.msk [tilespmem:v9+s3+$0x0], $0xffff  }
0x1e1: {  	v9 =	vor.u32 v4, v10;
	_ =	sdelay $0x3  }
0x1e2: {  	[tilespmem:s29+$0x30] =	vst v8  }
0x1e3: {  	v8 =	vld.idx.msk [tilespmem:v9+s3+$0x0], $0xffff  }
0x1e4: {  	v9 =	vor.u32 v5, v10;
	_ =	sdelay $0x3  }
0x1e5: {  	[tilespmem:s29+$0x40] =	vst v8  }
0x1e6: {  	v8 =	vld.idx.msk [tilespmem:v9+s3+$0x0], $0xffff  }
0x1e7: {  	v9 =	vor.u32 v6, v10;
	_ =	sdelay $0x3  }
0x1e8: {  	[tilespmem:s29+$0x50] =	vst v8  }
0x1e9: {  	v9 =	vld.idx.msk [tilespmem:v9+s3+$0x0], $0xffff  }
0x1ea: {  	v8 =	vor.u32 v7, v10;
	_ =	sdelay $0x1  }
0x1eb: {  	s2 =	simm.s32 $0x10;
	s1 =	simm.s32 $0x0  }
.LBB2_12:
0x1ec: {  	v10 =	vmov s2;
	s1 =	sadd.s32 $0x2, s1  }
0x1ed: {  	v11 =	vshll.u32 v10, $0x3;
	p1 =	slt.u32 s1, $0x3E;
	[tilespmem:s29+$0x60] =	vst v9  }
0x1ee: {  	v9 =	vand.u32 $0x70, v10;
	v10 =	vand.u32 $0xC00, v11;
	v8 =	vld.idx.msk [tilespmem:v8+s3+$0x0], $0xffff  }
0x1ef: {  	v9 =	vor.u32 v9, v10  }
0x1f0: {  	v10 =	vor.u32 v0, v9;
	_ =	sdelay $0x3  }
0x1f1: {  	[tilespmem:s29+$0x70] =	vst v8  }
0x1f2: {  	v8 =	vld.idx.msk [tilespmem:v10+s3+$0x0], $0xffff;
	_ =	sdelay $0x1  }
0x1f3: {  	v10 =	vor.u32 v1, v9;
	_ =	sdelay $0x2  }
0x1f4: {  	s29 =	sadd.s32 $0x100, s29  }
0x1f5: {  	[tilespmem:s29+$0xFFFFFF80] =	vst v8  }
0x1f6: {  	v8 =	vld.idx.msk [tilespmem:v10+s3+$0x0], $0xffff;
	_ =	sdelay $0x1  }
0x1f7: {  	v10 =	vor.u32 v2, v9;
	_ =	sdelay $0x3  }
0x1f8: {  	[tilespmem:s29+$0xFFFFFF90] =	vst v8  }
0x1f9: {  	v8 =	vld.idx.msk [tilespmem:v10+s3+$0x0], $0xffff;
	_ =	sdelay $0x1  }
0x1fa: {  	v10 =	vor.u32 v3, v9;
	_ =	sdelay $0x3  }
0x1fb: {  	[tilespmem:s29+$0xFFFFFFA0] =	vst v8  }
0x1fc: {  	v8 =	vld.idx.msk [tilespmem:v10+s3+$0x0], $0xffff;
	_ =	sdelay $0x1  }
0x1fd: {  	v10 =	vor.u32 v4, v9;
	_ =	sdelay $0x3  }
0x1fe: {  	[tilespmem:s29+$0xFFFFFFB0] =	vst v8  }
0x1ff: {  	v8 =	vld.idx.msk [tilespmem:v10+s3+$0x0], $0xffff;
	_ =	sdelay $0x1  }
0x200: {  	v10 =	vor.u32 v5, v9;
	_ =	sdelay $0x3  }
0x201: {  	[tilespmem:s29+$0xFFFFFFC0] =	vst v8  }
0x202: {  	v8 =	vld.idx.msk [tilespmem:v10+s3+$0x0], $0xffff;
	_ =	sdelay $0x1  }
0x203: {  	v10 =	vor.u32 v6, v9;
	_ =	sdelay $0x3  }
0x204: {  	[tilespmem:s29+$0xFFFFFFD0] =	vst v8  }
0x205: {  	v8 =	vld.idx.msk [tilespmem:v10+s3+$0x0], $0xffff;
	_ =	sdelay $0x1  }
0x206: {  	v9 =	vor.u32 v7, v9;
	_ =	sdelay $0x1  }
0x207: {  	s4 =	sadd.s32 $0x8, s2  }
0x208: {  	v10 =	vmov s4  }
0x209: {  	[tilespmem:s29+$0xFFFFFFE0] =	vst v8;
	v8 =	vshll.u32 v10, $0x3  }
0x20a: {  	v10 =	vand.u32 $0x78, v10;
	v9 =	vld.idx.msk [tilespmem:v9+s3+$0x0], $0xffff;
	v8 =	vand.u32 $0xC00, v8  }
0x20b: {  	v8 =	vor.u32 v10, v8  }
0x20c: {  	v10 =	vor.u32 v0, v8;
	_ =	sdelay $0x3  }
0x20d: {  	[tilespmem:s29+$0xFFFFFFF0] =	vst v9  }
0x20e: {  	v9 =	vld.idx.msk [tilespmem:v10+s3+$0x0], $0xffff;
	_ =	sdelay $0x1  }
0x20f: {  	v10 =	vor.u32 v1, v8;
	_ =	sdelay $0x3  }
0x210: {  	[tilespmem:s29+$0x0] =	vst v9  }
0x211: {  	v9 =	vld.idx.msk [tilespmem:v10+s3+$0x0], $0xffff;
	_ =	sdelay $0x1  }
0x212: {  	v10 =	vor.u32 v2, v8;
	_ =	sdelay $0x3  }
0x213: {  	[tilespmem:s29+$0x10] =	vst v9  }
0x214: {  	v9 =	vld.idx.msk [tilespmem:v10+s3+$0x0], $0xffff;
	_ =	sdelay $0x1  }
0x215: {  	v10 =	vor.u32 v3, v8;
	_ =	sdelay $0x3  }
0x216: {  	[tilespmem:s29+$0x20] =	vst v9  }
0x217: {  	v9 =	vld.idx.msk [tilespmem:v10+s3+$0x0], $0xffff;
	_ =	sdelay $0x1  }
0x218: {  	v10 =	vor.u32 v4, v8;
	_ =	sdelay $0x3  }
0x219: {  	[tilespmem:s29+$0x30] =	vst v9  }
0x21a: {  	v9 =	vld.idx.msk [tilespmem:v10+s3+$0x0], $0xffff;
	_ =	sdelay $0x1  }
0x21b: {  	v10 =	vor.u32 v5, v8;
	_ =	sdelay $0x3  }
0x21c: {  	[tilespmem:s29+$0x40] =	vst v9  }
0x21d: {  	v9 =	vld.idx.msk [tilespmem:v10+s3+$0x0], $0xffff;
	_ =	sdelay $0x1  }
0x21e: {  	v10 =	vor.u32 v6, v8;
	_ =	sdelay $0x3  }
0x21f: {  	[tilespmem:s29+$0x50] =	vst v9  }
.Ltmp8:
0x220: {  	v9 =	vld.idx.msk [tilespmem:v10+s3+$0x0], $0xffff;
	(pc) =	sbr.rel @p1 .LBB2_12-.Ltmp8, $3  }
0x221: {  	_ = 	snop  }
0x222: {  	v8 =	vor.u32 v7, v8;
	_ =	sdelay $0x1  }
0x223: {  	s2 =	sadd.s32 $0x10, s2  }
0x224: {  	_ =	sdelay $0x2  }
0x225: {  	[tilespmem:s29+$0x60] =	vst v9  }
0x226: {  	v8 =	vld.idx.msk [tilespmem:v8+s3+$0x0], $0xffff;
	_ =	sdelay $0x4  }
0x227: {  	[tilespmem:s29+$0x70] =	vst v8  }
0x228: {  	[hbm4b:s13+s3] =	stream.linear.scatter [tilespmem:s21], [sflag:$0x5], $0x2000, $0x38;
	[tilespmem:$0x8000] =	vst v63  }
0x229: {  	_ =	swait.ge [sflag:s26], $0x2000  }
0x22a: {  	[sflag:s26] =	ssyncset.done $0x0  }
0x22b: {  	s1 =	rddreg [dreg:$0x3];
	[sflag:s26] =	ssyncadd.s32 $0xFFFFE000  }
0x22c: {  	[tilespmem:s23], [sflag:$0x5] =	stream.linear.gather [hbm4b:s1+s3], $0x400, $0x38;
	[tilespmem:$0x8000] =	vst v63  }
0x22d: {  	_ =	swait.ge [sflag:s26], $0x400  }
0x22e: {  	[sflag:s26] =	ssyncset.done $0x0  }
.Ltmp9:
0x22f: {  	[sflag:s26] =	ssyncadd.s32 $0xFFFFFC00;
	(pc) =	sbr.rel .LBB2_14-.Ltmp9, $4  }
0x230: {  	[hbm4b:s15+s3] =	stream.linear.scatter [tilespmem:s23], [sflag:$0x5], $0x400, $0x38;
	[tilespmem:$0x8000] =	vst v63  }
0x231: {  	_ =	swait.ge [sflag:s26], $0x400  }
0x232: {  	[sflag:s26] =	ssyncset.done $0x0  }
0x233: {  	[sflag:s26] =	ssyncadd.s32 $0xFFFFFC00  }
.LBB2_15:
0x234: {  	_ =	sfence.sel $0x180000  }
0x235: {  	[bflag:$0x0] =	sbarrier.arrive $0xFFFF  }
0x236: {  	_ =	strace $0x90000047  }
0x237: {  	s0 =	stileid.u32;
	[bflag:$0x2] =	sbarrier.arrive $0xFFFF  }
0x238: {  	p0 =	sne.s32 s0, $0x0;
	s0 =	rddreg [dreg:$0x2]  }
0x239: {  	s0 =	sadd.s32 @!p0 $0x100000, s0  }
0x23a: {  	[sflag:s0] =	ssyncadd.tile.s32 @!p0 $0x1;
	_ =	shalt  }
.Lfunc_end2:
_tile_overlayer_lowered:
.L_overlay_start_2:
0x23b: {  	(tag) =	ssettag $0x2  }
0x23c: {  	s0 =	rddreg [dreg:$0x0];
	s2 =	stileid.u32  }
0x23d: {  	s1 =	rddreg [dreg:$0x1];
	p0 =	sne.s32 s2, $0x0  }
0x23e: {  	s3 =	rddreg [dreg:$0x2];
	[bflag:$0x3] =	sbarrier.arrive $0xFFFF;
	s2 =	simm.s32 @!p0 $0x1C05  }
0x23f: {  	[timem:s3], [sflag:s2] =	dma.local @!p0 [hbm:s0], s1  }
0x240: {  	s0 =	simm.s32 @!p0 $0x5  }
0x241: {  	_ =	swait.ge @!p0 [sflag:s0], s1  }
0x242: {  	s1 =	ssub.s32 @!p0 $0x0, s1;
	[sflag:s0] =	ssyncset.done @!p0 $0x0  }
0x243: {  	[sflag:s0] =	ssyncadd.s32 @!p0 s1  }
0x244: {  	[bflag:$0x3] =	sbarrier.arrive $0xFFFF  }
0x245: {  	_ =	shalt  }

// kernel: kernel.7.cloned.1.call-start
scs
__scs_entry_jumppad:
0x0: {  	(pc) =	sbr.rel $0x88, $3  }
0x1: {  	(tag) =	ssettag $0x0;
	lr =	simm.s32 $0x1  }
0x2: {  	[smem:$0x3F9F] =	sst lr;
	_ =	strace $0xD0000000  }
0x3: {  	_ = 	snop  }
0x4: {  	_ = 	snop  }
0x5: {  	_ = 	snop  }
0x6: {  	_ = 	snop  }
0x7: {  	_ = 	snop  }
__scs_overlays_trampoline_lowered:
0x8: {  	[smem:$0x3FAE] =	sst s0  }
0x9: {  	[smem:$0x3FAF] =	sst s1  }
0xa: {  	[smem:$0x3FB0] =	sst s2  }
0xb: {  	[smem:$0x3FB1] =	sst s3  }
0xc: {  	[smem:$0x3FB2] =	sst s4  }
0xd: {  	[smem:$0x3FB3] =	sst s5  }
0xe: {  	[smem:$0x3FB4] =	sst s6  }
0xf: {  	[smem:$0x3FB5] =	sst s7  }
0x10: {  	[smem:$0x3FB6] =	sst s8  }
0x11: {  	[smem:$0x3FB7] =	sst s9;
	s0 =	simm.s32 @!p0 $0x0  }
0x12: {  	s1 =	sld [smem:$0x3F9D];
	s0 =	simm.s32 @p0 $0x1  }
0x13: {  	[smem:$0x3FB8] =	sst s0;
	s0 =	simm.s32 @!p1 $0x0  }
0x14: {  	s2 =	sld [smem:$0x3F9C];
	s0 =	simm.s32 @p1 $0x1  }
0x15: {  	[smem:$0x3FB9] =	sst s0;
	s0 =	simm.s32 @!p2 $0x0  }
0x16: {  	s3 =	sld [smem:$0x3FDB];
	s0 =	simm.s32 @p2 $0x1  }
0x17: {  	s4 =	simm.s32 $0x1BF5;
	[smem:$0x3FBB] =	sst s0  }
0x18: {  	s0 =	sld [smem:$0x3F9E];
	_ =	swait.ge [sflag:s4], $0x0  }
0x19: {  	s7 =	sld [smem:$0x3F9F]  }
0x1a: {  	s8 =	sadd.s32 $0xFFFFE003, lr  }
0x1b: {  	s9 =	sadd.s32 $0xFFFFFEF7, lr;
	s5 =	simm.s32 $0xFFFFFFFF;
	p2 =	slt.u32 s8, $0xFFFFF086  }
0x1c: {  	p1 =	slt.u32 s9, $0xF7A;
	s5 =	simm.s32 @!p2 $0x0  }
0x1d: {  	s5 =	simm.s32 @p1 $0x1;
	p0 =	seq.s32 s7, s2  }
0x1e: {  	s7 =	smul.u32 @!p0 $0xF7A, s2;
	p2 =	seq.s32 @!p0 s5, $0x0  }
0x1f: {  	s9 =	smul.u32 $0xF7A, s1;
	s8 =	simm.s32 @!p0 $0x1BF5;
	p2 =	por !p2, p0  }
0x20: {  	[sflag:s8] =	ssyncset.s32 @!p0 $0xFFFFF086;
	s6 =	sadd.s32 @!p0 s3, s7;
	s7 =	simm.s32 @!p0 $0x108  }
0x21: {  	s3 =	sadd.s32 s3, s9;
	s6 =	sadd.s32 @!p0 $0x88, s6;
	s7 =	simm.s32 @p2 $0x1082  }
0x22: {  	[simem:s7], [sflag:s8] =	dma.local @!p0 [hbm:s6], $0xF7A  }
0x23: {  	s9 =	sor.u32 $0xD0000000, s2;
	s6 =	simm.s32 $0x108;
	_ =	swait.ge @!p0 [sflag:s8], $0x0  }
0x24: {  	s3 =	sadd.s32 $0x88, s3;
	s6 =	simm.s32 @!p1 $0x1082;
	[sflag:s4] =	ssyncset.s32 $0xFFFFF086  }
0x25: {  	[simem:s6], [sflag:s4] =	dma.local [hbm:s3], $0xF7A  }
0x26: {  	[smem:$0x3F9F] =	sst s1;
	(tag) =	ssettag s2;
	_ =	strace s9  }
0x27: {  	s1 =	sld [smem:$0x3FAF]  }
0x28: {  	s2 =	sld [smem:$0x3FB0]  }
0x29: {  	s4 =	sld [smem:$0x3FB2]  }
0x2a: {  	p0 =	seq.s32 s5, $0x0;
	s5 =	sld [smem:$0x3FB3]  }
0x2b: {  	s6 =	sld [smem:$0x3FB4]  }
0x2c: {  	s7 =	sld [smem:$0x3FB5]  }
0x2d: {  	s3 =	simm.s32 $0x108;
	s8 =	sld [smem:$0x3FB6]  }
0x2e: {  	s3 =	simm.s32 @!p0 $0x1082;
	s9 =	sld [smem:$0x3FB7]  }
0x2f: {  	lr =	sadd.s32 s0, s3;
	s0 =	sld [smem:$0x3FAE]  }
0x30: {  	s3 =	sld [smem:$0x3FB1]  }
0x31: {  	[smem:$0x3FBA] =	sst s10  }
0x32: {  	s10 =	sld [smem:$0x3FB8];
	_ =	sdelay $0x3  }
0x33: {  	p0 =	seq.s32 s10, $0x1;
	s10 =	sld [smem:$0x3FBA];
	_ =	sdelay $0x3  }
0x34: {  	[smem:$0x3FBA] =	sst s10  }
0x35: {  	s10 =	sld [smem:$0x3FB9];
	_ =	sdelay $0x3  }
0x36: {  	p1 =	seq.s32 s10, $0x1;
	s10 =	sld [smem:$0x3FBA];
	_ =	sdelay $0x3  }
0x37: {  	[smem:$0x3FBA] =	sst s10  }
0x38: {  	s10 =	sld [smem:$0x3FBB]  }
0x39: {  	_ = 	snop;
	(pc) =	sbr.ind lr, $3  }
0x3a: {  	_ = 	snop  }
0x3b: {  	_ = 	snop  }
0x3c: {  	p2 =	seq.s32 s10, $0x1;
	s10 =	sld [smem:$0x3FBA]  }
0x3d: {  	_ =	shalt  }
0x3e: {  	_ =	shalt  }
0x3f: {  	_ =	shalt  }
0x40: {  	_ =	shalt  }
0x41: {  	_ =	shalt  }
0x42: {  	_ =	shalt  }
0x43: {  	_ =	shalt  }
0x44: {  	_ =	shalt  }
0x45: {  	_ =	shalt  }
0x46: {  	_ =	shalt  }
0x47: {  	_ =	shalt  }
0x48: {  	_ =	shalt  }
0x49: {  	_ =	shalt  }
0x4a: {  	_ =	shalt  }
0x4b: {  	_ =	shalt  }
0x4c: {  	_ =	shalt  }
0x4d: {  	_ =	shalt  }
0x4e: {  	_ =	shalt  }
0x4f: {  	_ =	shalt  }
0x50: {  	_ =	shalt  }
0x51: {  	_ =	shalt  }
0x52: {  	_ =	shalt  }
0x53: {  	_ =	shalt  }
0x54: {  	_ =	shalt  }
0x55: {  	_ =	shalt  }
0x56: {  	_ =	shalt  }
0x57: {  	_ =	shalt  }
0x58: {  	_ =	shalt  }
0x59: {  	_ =	shalt  }
0x5a: {  	_ =	shalt  }
0x5b: {  	_ =	shalt  }
0x5c: {  	_ =	shalt  }
0x5d: {  	_ =	shalt  }
0x5e: {  	_ =	shalt  }
0x5f: {  	_ =	shalt  }
0x60: {  	_ =	shalt  }
0x61: {  	_ =	shalt  }
0x62: {  	_ =	shalt  }
0x63: {  	_ =	shalt  }
0x64: {  	_ =	shalt  }
0x65: {  	_ =	shalt  }
0x66: {  	_ =	shalt  }
0x67: {  	_ =	shalt  }
0x68: {  	_ =	shalt  }
0x69: {  	_ =	shalt  }
0x6a: {  	_ =	shalt  }
0x6b: {  	_ =	shalt  }
0x6c: {  	_ =	shalt  }
0x6d: {  	_ =	shalt  }
0x6e: {  	_ =	shalt  }
0x6f: {  	_ =	shalt  }
0x70: {  	_ =	shalt  }
0x71: {  	_ =	shalt  }
0x72: {  	_ =	shalt  }
0x73: {  	_ =	shalt  }
0x74: {  	_ =	shalt  }
0x75: {  	_ =	shalt  }
0x76: {  	_ =	shalt  }
0x77: {  	_ =	shalt  }
0x78: {  	_ =	shalt  }
0x79: {  	_ =	shalt  }
0x7a: {  	_ =	shalt  }
0x7b: {  	_ =	shalt  }
0x7c: {  	_ =	shalt  }
0x7d: {  	_ =	shalt  }
0x7e: {  	_ =	shalt  }
0x7f: {  	_ =	shalt  }
0x80: {  	_ =	shalt  }
0x81: {  	_ =	shalt  }
0x82: {  	_ =	shalt  }
0x83: {  	_ =	shalt  }
0x84: {  	_ =	shalt  }
0x85: {  	_ =	shalt  }
0x86: {  	_ =	shalt  }
0x87: {  	_ =	shalt  }
.Lfunc_end0:
.L_simem_size_0:
called_computation.1_lowered:
.L_overlay_start_0:
0x88: {  	s2 =	sld [smem:$0x3FD9]  }
0x89: {  	s3 =	sld [smem:$0x3FFE];
	_ =	sdelay $0x1  }
0x8a: {  	s1 =	srdreg.scid  }
0x8b: {  	s0 =	sand.u32 $0x1, s1  }
0x8c: {  	s17 =	sshll.u32 s0, $0xA;
	s2 =	sadd.s32 s3, s2  }
0x8d: {  	s2 =	sadd.s32 s2, s17  }
0x8e: {  	[smem:$0x3FC6] =	sst s2  }
0x8f: {  	_ = 	snop  }
0x90: {  	s2 =	sld [smem:$0x3FD0];
	(tm) =	ssettm $0x1  }
0x91: {  	s18 =	sld [smem:$0x3FFB];
	_ =	sdelay $0x3  }
0x92: {  	_ =	strace s18  }
0x93: {  	s3 =	sld [smem:$0x3FFC];
	_ =	sdelay $0x3  }
0x94: {  	_ =	strace s3  }
0x95: {  	s3 =	sld [smem:$0x3FFD];
	_ =	sdelay $0x3  }
0x96: {  	_ =	strace s3  }
0x97: {  	_ =	strace $0x8FFFFFFF  }
0x98: {  	s19 =	sld [smem:$0x3FDB];
	_ =	sdelay $0x1  }
0x99: {  	s4 =	simm.s32 $_scs_section_size  }
0x9a: {  	s5 =	simm.s32 $_size__tile_overlayer_lowered;
	s6 =	simm.s32 $_tile_overlayer_lowered  }
0x9b: {  	s22 =	simm.s32 $0x1BFF;
	s21 =	sshll.u32 s6, $0x1;
	s3 =	sadd.s32 s4, s19  }
0x9c: {  	s7 =	simm.s32 $0x0;
	s20 =	sshll.u32 s5, $0x1;
	s5 =	sadd.s32 s21, s3  }
0x9d: {  	[timem:s7], [sflag:s22] =	dma.local [hbm:s5], s20  }
0x9e: {  	_ =	swait.ge [sflag:s22], s20  }
0x9f: {  	s4 =	ssub.s32 $0x0, s20;
	[sflag:s22] =	ssyncset.done $0x0  }
0xa0: {  	[sflag:s22] =	ssyncadd.s32 s4;
	_ =	sdelay $0x1  }
0xa1: {  	s23 =	simm.s32 $0x1B8B  }
0xa2: {  	_ =	swait.ge [sflag:s23], $0x1  }
0xa3: {  	[sflag:s23] =	ssyncset.done $0x0  }
0xa4: {  	s25 =	simm.s32 $0x1B8E;
	s24 =	sld [smem:$0x3FFE];
	[sflag:s23] =	ssyncadd.s32 $0xFFFFFFFF  }
0xa5: {  	s26 =	simm.s32 $execute0_lowered;
	[smem:$0x3FD2] =	sst s25  }
0xa6: {  	s5 =	sshll.u32 s26, $0x1;
	_ =	strace $0x80000049;
	[dreg:$0x1] =	wrdreg $0xFFFFFFFF  }
0xa7: {  	s28 =	simm.s32 $_size_execute0_lowered;
	s3 =	sadd.s32 s3, s5;
	[dreg:$0x0] =	wrdreg $0x0  }
0xa8: {  	s5 =	sshll.u32 s28, $0x1;
	[dreg:$0x2] =	wrdreg s3  }
0xa9: {  	[dreg:$0x3] =	wrdreg s5  }
0xaa: {  	[dreg:$0x4] =	wrdreg $0xC0  }
0xab: {  	_ =	task [dreg:s7], $0x5FFFF  }
0xac: {  	[dreg:$0x1] =	wrdreg $0xFFFFFFFF  }
0xad: {  	[dreg:$0x0] =	wrdreg $0x60  }
0xae: {  	[dreg:$0x2] =	wrdreg s2  }
0xaf: {  	[dreg:$0x3] =	wrdreg s24  }
0xb0: {  	[dreg:$0x4] =	wrdreg $0x9  }
0xb1: {  	_ =	task.clear_ibuf [dreg:s7], $0x5FFFF;
	_ =	strace $0x90000049  }
0xb2: {  	s29 =	simm.s32 $0x9;
	_ =	strace $0x8000004B  }
0xb3: {  	_ =	swait.ge [sflag:s29], $0x1  }
0xb4: {  	[sflag:s29] =	ssyncadd.s32 $0xFFFFFFFF  }
0xb5: {  	_ =	strace $0x9000004B  }
0xb6: {  	_ =	sfence  }
0xb7: {  	s30 =	sld [smem:$0x0];
	_ =	sdelay $0x2  }
0xb8: {  	s31 =	sshll.u32 s1, $0xD;
	s1 =	sshrl.u32 s1, $0x2  }
0xb9: {  	s3 =	sand.u32 $0x4000, s31;
	s1 =	sadd.s32 s1, s30  }
0xba: {  	s0 =	sor.u32 s3, s0;
	s1 =	sshll.u32 s1, $0x11  }
0xbb: {  	s0 =	sor.u32 s1, s0  }
0xbc: {  	s0 =	sadd.s32 $0x8F2B, s0  }
0xbd: {  	[sflag:s0] =	ssyncadd.remote.s32 $0x1  }
0xbe: {  	_ =	sfence.sel $0xFFFF  }
0xbf: {  	[dreg:$0x0] =	wrdreg $0xFFFFFFFF;
	(pc) =	sbr.abs _section_cstart, $3  }
0xc0: {  	[dreg:$0x1] =	wrdreg $0xFFFFFFFF  }
0xc1: {  	_ =	task.clear_ibuf [dreg:s7], $0x2FFFF;
	_ =	strace $0x9FFFFFFF  }
0xc2: {  	(tm) =	ssettm $0x7FFFFFFF  }
0xc3: {  	_ =	shalt  }
tec
execute0_lowered:
.L_overlay_start_1:
0x0: {  	(tag) =	ssettag $0x1  }
0x1: {  	s2 =	rddreg [dreg:$0x0]  }
0x2: {  	s5 =	rddreg [dreg:$0x1]  }
0x3: {  	s0 =	rddreg [dreg:$0x2]  }
0x4: {  	s4 =	srdreg.scid;
	s1 =	stileid.u32  }
0x5: {  	s3 =	simm.s32 $0x0;
	s10 =	simm.s32 $0x1;
	s11 =	simm.s32 $0x40  }
0x6: {  	s12 =	simm.s32 $0x4000;
	s4 =	sand.u32 $0x1, s4;
	s6 =	sshll.u32 s1, $0x1  }
0x7: {  	s13 =	simm.s32 $0x6E80;
	[smem:$0x7FF] =	sst s3;
	s6 =	sor.u32 s4, s6  }
0x8: {  	s7 =	ssub.s32 $0x2, s4;
	_ =	strace $0x8000004A;
	s8 =	sshll.u32 s6, $0x6  }
0x9: {  	s4 =	sadd.s32 $0xC00, s5;
	s9 =	sshrl.u32 s7, $0x1;
	s8 =	sadd.s32 s8, s5  }
0xa: {  	v0 =	vlaneseq.u32;
	s7 =	ssub.s32 s7, s9;
	s5 =	smul.u32 $0x3400, s6;
	s9 =	simm.s32 $0x680  }
0xb: {  	v0 =	vmul.u32 $0x1A, v0;
	s6 =	sadd.s32 $0x1E9200, s8;
	s7 =	smax.u32 s7, $0x1;
	s8 =	simm.s32 $0x2  }
.LBB2_1:
0xc: {  	s14 =	simm.s32 $0x0  }
.LBB2_2:
0xd: {  	s15 =	smul.u32 $0x680, s14;
	_ =	sdelay $0x1  }
0xe: {  	s15 =	sadd.s32 s5, s15  }
0xf: {  	s15 =	sshrl.u32 s15, $0x3  }
0x10: {  	s16 =	sadd.s32 s2, s15;
	s15 =	simm.s32 $0x0  }
0x11: {  	[tilespmem:s15], [sflag:$0x2] =	stream.linear.gather [hbm4b:s16+s15], $0x680, $0x38;
	[tilespmem:$0xD680] =	vst v63  }
0x12: {  	_ =	swait.ge [sflag:s8], $0x680  }
0x13: {  	[sflag:s8] =	ssyncset.done $0x0  }
0x14: {  	[sflag:s8] =	ssyncadd.s32 $0xFFFFF980  }
0x15: {  	[tilespmem:s9], [sflag:$0x1] =	stream.indirect.gather [hbm4b:s4+s9], $0x10, s15, s9, $0xb8;
	[tilespmem:$0xD680] =	vst v63  }
0x16: {  	_ =	swait.ge [sflag:s10], $0x6800  }
0x17: {  	[sflag:s10] =	ssyncset.done $0x0  }
0x18: {  	s17 =	simm.s32 $0x0;
	s16 =	simm.s32 $0x7280;
	[sflag:s10] =	ssyncadd.s32 $0xFFFF9800  }
.LBB2_3:
0x19: {  	s18 =	smul.u32 $0x1A0, s17;
	_ =	sdelay $0x1  }
0x1a: {  	v1 =	vadd.s32 s18, v0  }
0x1b: {  	v2 =	vadd.s32 s15, v1  }
0x1c: {  	v2 =	vshll.u32 v2, $0x4;
	_ =	sdelay $0x4  }
0x1d: {  	v3 =	vld.idx.msk [tilespmem:v2+s9+$0x0], $0xffff  }
0x1e: {  	v4 =	vor.u32 $0x1, v2;
	_ =	sdelay $0x3  }
0x1f: {  	[tilespmem:s16+$0xFFFFFC00] =	vst v3  }
0x20: {  	v3 =	vld.idx.msk [tilespmem:v4+s9+$0x0], $0xffff  }
0x21: {  	v4 =	vor.u32 $0x2, v2;
	_ =	sdelay $0x3  }
0x22: {  	[tilespmem:s16+$0xFFFFFC40] =	vst v3  }
0x23: {  	v3 =	vld.idx.msk [tilespmem:v4+s9+$0x0], $0xffff  }
0x24: {  	v4 =	vor.u32 $0x3, v2;
	_ =	sdelay $0x3  }
0x25: {  	[tilespmem:s16+$0xFFFFFC80] =	vst v3  }
0x26: {  	v3 =	vld.idx.msk [tilespmem:v4+s9+$0x0], $0xffff  }
0x27: {  	v4 =	vor.u32 $0x4, v2;
	_ =	sdelay $0x3  }
0x28: {  	[tilespmem:s16+$0xFFFFFCC0] =	vst v3  }
0x29: {  	v3 =	vld.idx.msk [tilespmem:v4+s9+$0x0], $0xffff  }
0x2a: {  	v4 =	vor.u32 $0x5, v2;
	_ =	sdelay $0x3  }
0x2b: {  	[tilespmem:s16+$0xFFFFFD00] =	vst v3  }
0x2c: {  	v3 =	vld.idx.msk [tilespmem:v4+s9+$0x0], $0xffff  }
0x2d: {  	v4 =	vor.u32 $0x6, v2;
	_ =	sdelay $0x3  }
0x2e: {  	[tilespmem:s16+$0xFFFFFD40] =	vst v3  }
0x2f: {  	v3 =	vld.idx.msk [tilespmem:v4+s9+$0x0], $0xffff  }
0x30: {  	v4 =	vor.u32 $0x7, v2;
	_ =	sdelay $0x3  }
0x31: {  	[tilespmem:s16+$0xFFFFFD80] =	vst v3  }
0x32: {  	v3 =	vld.idx.msk [tilespmem:v4+s9+$0x0], $0xffff  }
0x33: {  	v4 =	vor.u32 $0x8, v2;
	_ =	sdelay $0x3  }
0x34: {  	[tilespmem:s16+$0xFFFFFDC0] =	vst v3  }
0x35: {  	v3 =	vld.idx.msk [tilespmem:v4+s9+$0x0], $0xffff  }
0x36: {  	v4 =	vor.u32 $0x9, v2;
	_ =	sdelay $0x3  }
0x37: {  	[tilespmem:s16+$0xFFFFFE00] =	vst v3  }
0x38: {  	v3 =	vld.idx.msk [tilespmem:v4+s9+$0x0], $0xffff  }
0x39: {  	v4 =	vor.u32 $0xA, v2;
	_ =	sdelay $0x3  }
0x3a: {  	[tilespmem:s16+$0xFFFFFE40] =	vst v3  }
0x3b: {  	v3 =	vld.idx.msk [tilespmem:v4+s9+$0x0], $0xffff  }
0x3c: {  	v4 =	vor.u32 $0xB, v2;
	_ =	sdelay $0x3  }
0x3d: {  	[tilespmem:s16+$0xFFFFFE80] =	vst v3  }
0x3e: {  	v3 =	vld.idx.msk [tilespmem:v4+s9+$0x0], $0xffff  }
0x3f: {  	v4 =	vor.u32 $0xC, v2;
	_ =	sdelay $0x3  }
0x40: {  	[tilespmem:s16+$0xFFFFFEC0] =	vst v3  }
0x41: {  	v3 =	vld.idx.msk [tilespmem:v4+s9+$0x0], $0xffff  }
0x42: {  	v4 =	vor.u32 $0xD, v2;
	_ =	sdelay $0x3  }
0x43: {  	[tilespmem:s16+$0xFFFFFF00] =	vst v3  }
0x44: {  	v3 =	vld.idx.msk [tilespmem:v4+s9+$0x0], $0xffff  }
0x45: {  	v4 =	vor.u32 $0xE, v2;
	_ =	sdelay $0x3  }
0x46: {  	[tilespmem:s16+$0xFFFFFF40] =	vst v3  }
0x47: {  	v3 =	vld.idx.msk [tilespmem:v4+s9+$0x0], $0xffff  }
0x48: {  	v2 =	vor.u32 $0xF, v2;
	_ =	sdelay $0x3  }
0x49: {  	s31 =	simm.s32 $0x1;
	[tilespmem:s16+$0xFFFFFF80] =	vst v3  }
0x4a: {  	v3 =	vadd.s32 s31, v1;
	v2 =	vld.idx.msk [tilespmem:v2+s9+$0x0], $0xffff  }
0x4b: {  	v3 =	vshll.u32 v3, $0x4;
	_ =	sdelay $0x3  }
0x4c: {  	[tilespmem:s16+$0xFFFFFFC0] =	vst v2  }
0x4d: {  	v2 =	vld.idx.msk [tilespmem:v3+s9+$0x0], $0xffff  }
0x4e: {  	v4 =	vor.u32 $0x1, v3;
	_ =	sdelay $0x3  }
0x4f: {  	[tilespmem:s16+$0x0] =	vst v2  }
0x50: {  	v2 =	vld.idx.msk [tilespmem:v4+s9+$0x0], $0xffff  }
0x51: {  	v4 =	vor.u32 $0x2, v3;
	_ =	sdelay $0x3  }
0x52: {  	[tilespmem:s16+$0x40] =	vst v2  }
0x53: {  	v2 =	vld.idx.msk [tilespmem:v4+s9+$0x0], $0xffff  }
0x54: {  	v4 =	vor.u32 $0x3, v3;
	_ =	sdelay $0x3  }
0x55: {  	[tilespmem:s16+$0x80] =	vst v2  }
0x56: {  	v2 =	vld.idx.msk [tilespmem:v4+s9+$0x0], $0xffff  }
0x57: {  	v4 =	vor.u32 $0x4, v3;
	_ =	sdelay $0x3  }
0x58: {  	[tilespmem:s16+$0xC0] =	vst v2  }
0x59: {  	v2 =	vld.idx.msk [tilespmem:v4+s9+$0x0], $0xffff  }
0x5a: {  	v4 =	vor.u32 $0x5, v3;
	_ =	sdelay $0x3  }
0x5b: {  	[tilespmem:s16+$0x100] =	vst v2  }
0x5c: {  	v2 =	vld.idx.msk [tilespmem:v4+s9+$0x0], $0xffff  }
0x5d: {  	v4 =	vor.u32 $0x6, v3;
	_ =	sdelay $0x3  }
0x5e: {  	[tilespmem:s16+$0x140] =	vst v2  }
0x5f: {  	v2 =	vld.idx.msk [tilespmem:v4+s9+$0x0], $0xffff  }
0x60: {  	v4 =	vor.u32 $0x7, v3;
	_ =	sdelay $0x3  }
0x61: {  	[tilespmem:s16+$0x180] =	vst v2  }
0x62: {  	v2 =	vld.idx.msk [tilespmem:v4+s9+$0x0], $0xffff  }
0x63: {  	v4 =	vor.u32 $0x8, v3;
	_ =	sdelay $0x3  }
0x64: {  	[tilespmem:s16+$0x1C0] =	vst v2  }
0x65: {  	v2 =	vld.idx.msk [tilespmem:v4+s9+$0x0], $0xffff  }
0x66: {  	v4 =	vor.u32 $0x9, v3;
	_ =	sdelay $0x3  }
0x67: {  	[tilespmem:s16+$0x200] =	vst v2  }
0x68: {  	v2 =	vld.idx.msk [tilespmem:v4+s9+$0x0], $0xffff  }
0x69: {  	v4 =	vor.u32 $0xA, v3;
	_ =	sdelay $0x3  }
0x6a: {  	[tilespmem:s16+$0x240] =	vst v2  }
0x6b: {  	v2 =	vld.idx.msk [tilespmem:v4+s9+$0x0], $0xffff  }
0x6c: {  	v4 =	vor.u32 $0xB, v3;
	_ =	sdelay $0x3  }
0x6d: {  	[tilespmem:s16+$0x280] =	vst v2  }
0x6e: {  	v2 =	vld.idx.msk [tilespmem:v4+s9+$0x0], $0xffff  }
0x6f: {  	v4 =	vor.u32 $0xC, v3;
	_ =	sdelay $0x3  }
0x70: {  	[tilespmem:s16+$0x2C0] =	vst v2  }
0x71: {  	v2 =	vld.idx.msk [tilespmem:v4+s9+$0x0], $0xffff  }
0x72: {  	v4 =	vor.u32 $0xD, v3;
	_ =	sdelay $0x3  }
0x73: {  	[tilespmem:s16+$0x300] =	vst v2  }
0x74: {  	v2 =	vld.idx.msk [tilespmem:v4+s9+$0x0], $0xffff  }
0x75: {  	v4 =	vor.u32 $0xE, v3;
	_ =	sdelay $0x3  }
0x76: {  	[tilespmem:s16+$0x340] =	vst v2  }
0x77: {  	v2 =	vld.idx.msk [tilespmem:v4+s9+$0x0], $0xffff  }
0x78: {  	v3 =	vor.u32 $0xF, v3;
	_ =	sdelay $0x3  }
0x79: {  	s18 =	simm.s32 $0x2;
	[tilespmem:s16+$0x380] =	vst v2  }
0x7a: {  	s20 =	simm.s32 $0x4;
	s19 =	smov.u32 s16;
	v2 =	vadd.s32 s18, v1;
	v3 =	vld.idx.msk [tilespmem:v3+s9+$0x0], $0xffff  }
.LBB2_4:
0x7b: {  	p0 =	slt.u32 s20, $0x18;
	v2 =	vshll.u32 v2, $0x4;
	_ =	sdelay $0x3  }
0x7c: {  	[tilespmem:s19+$0x3C0] =	vst v3  }
0x7d: {  	v3 =	vld.idx.msk [tilespmem:v2+s9+$0x0], $0xffff;
	_ =	sdelay $0x1  }
0x7e: {  	v4 =	vor.u32 $0x1, v2;
	_ =	sdelay $0x2  }
0x7f: {  	s19 =	sadd.s32 $0x800, s19  }
0x80: {  	[tilespmem:s19+$0xFFFFFC00] =	vst v3  }
0x81: {  	v3 =	vld.idx.msk [tilespmem:v4+s9+$0x0], $0xffff;
	_ =	sdelay $0x1  }
0x82: {  	v4 =	vor.u32 $0x2, v2;
	_ =	sdelay $0x3  }
0x83: {  	[tilespmem:s19+$0xFFFFFC40] =	vst v3  }
0x84: {  	v3 =	vld.idx.msk [tilespmem:v4+s9+$0x0], $0xffff;
	_ =	sdelay $0x1  }
0x85: {  	v4 =	vor.u32 $0x3, v2;
	_ =	sdelay $0x3  }
0x86: {  	[tilespmem:s19+$0xFFFFFC80] =	vst v3  }
0x87: {  	v3 =	vld.idx.msk [tilespmem:v4+s9+$0x0], $0xffff;
	_ =	sdelay $0x1  }
0x88: {  	v4 =	vor.u32 $0x4, v2;
	_ =	sdelay $0x3  }
0x89: {  	[tilespmem:s19+$0xFFFFFCC0] =	vst v3  }
0x8a: {  	v3 =	vld.idx.msk [tilespmem:v4+s9+$0x0], $0xffff;
	_ =	sdelay $0x1  }
0x8b: {  	v4 =	vor.u32 $0x5, v2;
	_ =	sdelay $0x3  }
0x8c: {  	[tilespmem:s19+$0xFFFFFD00] =	vst v3  }
0x8d: {  	v3 =	vld.idx.msk [tilespmem:v4+s9+$0x0], $0xffff;
	_ =	sdelay $0x1  }
0x8e: {  	v4 =	vor.u32 $0x6, v2;
	_ =	sdelay $0x3  }
0x8f: {  	[tilespmem:s19+$0xFFFFFD40] =	vst v3  }
0x90: {  	v3 =	vld.idx.msk [tilespmem:v4+s9+$0x0], $0xffff;
	_ =	sdelay $0x1  }
0x91: {  	v4 =	vor.u32 $0x7, v2;
	_ =	sdelay $0x3  }
0x92: {  	[tilespmem:s19+$0xFFFFFD80] =	vst v3  }
0x93: {  	v3 =	vld.idx.msk [tilespmem:v4+s9+$0x0], $0xffff;
	_ =	sdelay $0x1  }
0x94: {  	v4 =	vor.u32 $0x8, v2;
	_ =	sdelay $0x3  }
0x95: {  	[tilespmem:s19+$0xFFFFFDC0] =	vst v3  }
0x96: {  	v3 =	vld.idx.msk [tilespmem:v4+s9+$0x0], $0xffff;
	_ =	sdelay $0x1  }
0x97: {  	v4 =	vor.u32 $0x9, v2;
	_ =	sdelay $0x3  }
0x98: {  	[tilespmem:s19+$0xFFFFFE00] =	vst v3  }
0x99: {  	v3 =	vld.idx.msk [tilespmem:v4+s9+$0x0], $0xffff;
	_ =	sdelay $0x1  }
0x9a: {  	v4 =	vor.u32 $0xA, v2;
	_ =	sdelay $0x3  }
0x9b: {  	[tilespmem:s19+$0xFFFFFE40] =	vst v3  }
0x9c: {  	v3 =	vld.idx.msk [tilespmem:v4+s9+$0x0], $0xffff;
	_ =	sdelay $0x1  }
0x9d: {  	v4 =	vor.u32 $0xB, v2;
	_ =	sdelay $0x3  }
0x9e: {  	[tilespmem:s19+$0xFFFFFE80] =	vst v3  }
0x9f: {  	v3 =	vld.idx.msk [tilespmem:v4+s9+$0x0], $0xffff;
	_ =	sdelay $0x1  }
0xa0: {  	v4 =	vor.u32 $0xC, v2;
	_ =	sdelay $0x3  }
0xa1: {  	[tilespmem:s19+$0xFFFFFEC0] =	vst v3  }
0xa2: {  	v3 =	vld.idx.msk [tilespmem:v4+s9+$0x0], $0xffff;
	_ =	sdelay $0x1  }
0xa3: {  	v4 =	vor.u32 $0xD, v2;
	_ =	sdelay $0x3  }
0xa4: {  	[tilespmem:s19+$0xFFFFFF00] =	vst v3  }
0xa5: {  	v3 =	vld.idx.msk [tilespmem:v4+s9+$0x0], $0xffff;
	_ =	sdelay $0x1  }
0xa6: {  	v4 =	vor.u32 $0xE, v2;
	_ =	sdelay $0x3  }
0xa7: {  	[tilespmem:s19+$0xFFFFFF40] =	vst v3  }
0xa8: {  	v3 =	vld.idx.msk [tilespmem:v4+s9+$0x0], $0xffff;
	_ =	sdelay $0x1  }
0xa9: {  	v2 =	vor.u32 $0xF, v2;
	_ =	sdelay $0x3  }
0xaa: {  	[tilespmem:s19+$0xFFFFFF80] =	vst v3  }
0xab: {  	s21 =	sadd.s32 $0x1, s18;
	s18 =	smov.u32 s20;
	v3 =	vld.idx.msk [tilespmem:v2+s9+$0x0], $0xffff  }
0xac: {  	v2 =	vadd.s32 s21, v1  }
0xad: {  	v2 =	vshll.u32 v2, $0x4;
	_ =	sdelay $0x3  }
0xae: {  	[tilespmem:s19+$0xFFFFFFC0] =	vst v3  }
0xaf: {  	v3 =	vld.idx.msk [tilespmem:v2+s9+$0x0], $0xffff;
	_ =	sdelay $0x1  }
0xb0: {  	v4 =	vor.u32 $0x1, v2;
	_ =	sdelay $0x3  }
0xb1: {  	[tilespmem:s19+$0x0] =	vst v3  }
0xb2: {  	v3 =	vld.idx.msk [tilespmem:v4+s9+$0x0], $0xffff;
	_ =	sdelay $0x1  }
0xb3: {  	v4 =	vor.u32 $0x2, v2;
	_ =	sdelay $0x3  }
0xb4: {  	[tilespmem:s19+$0x40] =	vst v3  }
0xb5: {  	v3 =	vld.idx.msk [tilespmem:v4+s9+$0x0], $0xffff;
	_ =	sdelay $0x1  }
0xb6: {  	v4 =	vor.u32 $0x3, v2;
	_ =	sdelay $0x3  }
0xb7: {  	[tilespmem:s19+$0x80] =	vst v3  }
0xb8: {  	v3 =	vld.idx.msk [tilespmem:v4+s9+$0x0], $0xffff;
	_ =	sdelay $0x1  }
0xb9: {  	v4 =	vor.u32 $0x4, v2;
	_ =	sdelay $0x3  }
0xba: {  	[tilespmem:s19+$0xC0] =	vst v3  }
0xbb: {  	v3 =	vld.idx.msk [tilespmem:v4+s9+$0x0], $0xffff;
	_ =	sdelay $0x1  }
0xbc: {  	v4 =	vor.u32 $0x5, v2;
	_ =	sdelay $0x3  }
0xbd: {  	[tilespmem:s19+$0x100] =	vst v3  }
0xbe: {  	v3 =	vld.idx.msk [tilespmem:v4+s9+$0x0], $0xffff;
	_ =	sdelay $0x1  }
0xbf: {  	v4 =	vor.u32 $0x6, v2;
	_ =	sdelay $0x3  }
0xc0: {  	[tilespmem:s19+$0x140] =	vst v3  }
0xc1: {  	v3 =	vld.idx.msk [tilespmem:v4+s9+$0x0], $0xffff;
	_ =	sdelay $0x1  }
0xc2: {  	v4 =	vor.u32 $0x7, v2;
	_ =	sdelay $0x3  }
0xc3: {  	[tilespmem:s19+$0x180] =	vst v3  }
0xc4: {  	v3 =	vld.idx.msk [tilespmem:v4+s9+$0x0], $0xffff;
	_ =	sdelay $0x1  }
0xc5: {  	v4 =	vor.u32 $0x8, v2;
	_ =	sdelay $0x3  }
0xc6: {  	[tilespmem:s19+$0x1C0] =	vst v3  }
0xc7: {  	v3 =	vld.idx.msk [tilespmem:v4+s9+$0x0], $0xffff;
	_ =	sdelay $0x1  }
0xc8: {  	v4 =	vor.u32 $0x9, v2;
	_ =	sdelay $0x3  }
0xc9: {  	[tilespmem:s19+$0x200] =	vst v3  }
0xca: {  	v3 =	vld.idx.msk [tilespmem:v4+s9+$0x0], $0xffff;
	_ =	sdelay $0x1  }
0xcb: {  	v4 =	vor.u32 $0xA, v2;
	_ =	sdelay $0x3  }
0xcc: {  	[tilespmem:s19+$0x240] =	vst v3  }
0xcd: {  	v3 =	vld.idx.msk [tilespmem:v4+s9+$0x0], $0xffff;
	_ =	sdelay $0x1  }
0xce: {  	v4 =	vor.u32 $0xB, v2;
	_ =	sdelay $0x3  }
0xcf: {  	[tilespmem:s19+$0x280] =	vst v3  }
0xd0: {  	v3 =	vld.idx.msk [tilespmem:v4+s9+$0x0], $0xffff;
	_ =	sdelay $0x1  }
0xd1: {  	v4 =	vor.u32 $0xC, v2;
	_ =	sdelay $0x3  }
0xd2: {  	[tilespmem:s19+$0x2C0] =	vst v3  }
0xd3: {  	v3 =	vld.idx.msk [tilespmem:v4+s9+$0x0], $0xffff;
	_ =	sdelay $0x1  }
0xd4: {  	v4 =	vor.u32 $0xD, v2;
	_ =	sdelay $0x3  }
0xd5: {  	[tilespmem:s19+$0x300] =	vst v3  }
0xd6: {  	v3 =	vld.idx.msk [tilespmem:v4+s9+$0x0], $0xffff;
	_ =	sdelay $0x1  }
0xd7: {  	v4 =	vor.u32 $0xE, v2;
	_ =	sdelay $0x3  }
0xd8: {  	[tilespmem:s19+$0x340] =	vst v3  }
0xd9: {  	v3 =	vld.idx.msk [tilespmem:v4+s9+$0x0], $0xffff;
	_ =	sdelay $0x1  }
0xda: {  	v2 =	vor.u32 $0xF, v2;
	_ =	sdelay $0x1  }
.Ltmp0:
0xdb: {  	(pc) =	sbr.rel @p0 .LBB2_4-.Ltmp0, $4  }
0xdc: {  	_ = 	snop  }
0xdd: {  	[tilespmem:s19+$0x380] =	vst v3  }
0xde: {  	v3 =	vld.idx.msk [tilespmem:v2+s9+$0x0], $0xffff  }
0xdf: {  	s20 =	sadd.s32 $0x2, s20;
	v2 =	vadd.s32 s18, v1  }
0xe0: {  	v2 =	vshll.u32 v2, $0x4;
	_ =	sdelay $0x3  }
0xe1: {  	[tilespmem:s19+$0x3C0] =	vst v3  }
0xe2: {  	v3 =	vld.idx.msk [tilespmem:v2+s9+$0x0], $0xffff  }
0xe3: {  	v4 =	vor.u32 $0x1, v2;
	_ =	sdelay $0x2  }
0xe4: {  	s31 =	sadd.s32 $0x800, s19  }
0xe5: {  	[tilespmem:s31+$0xFFFFFC00] =	vst v3  }
0xe6: {  	v3 =	vld.idx.msk [tilespmem:v4+s9+$0x0], $0xffff  }
0xe7: {  	v51 =	vor.u32 $0x2, v2;
	_ =	sdelay $0x3  }
0xe8: {  	[tilespmem:s31+$0xFFFFFC40] =	vst v3  }
0xe9: {  	v3 =	vld.idx.msk [tilespmem:v51+s9+$0x0], $0xffff  }
0xea: {  	v52 =	vor.u32 $0x3, v2;
	_ =	sdelay $0x3  }
0xeb: {  	[tilespmem:s31+$0xFFFFFC80] =	vst v3  }
0xec: {  	v3 =	vld.idx.msk [tilespmem:v52+s9+$0x0], $0xffff  }
0xed: {  	v53 =	vor.u32 $0x4, v2;
	_ =	sdelay $0x3  }
0xee: {  	[tilespmem:s31+$0xFFFFFCC0] =	vst v3  }
0xef: {  	v3 =	vld.idx.msk [tilespmem:v53+s9+$0x0], $0xffff  }
0xf0: {  	v54 =	vor.u32 $0x5, v2;
	_ =	sdelay $0x3  }
0xf1: {  	[tilespmem:s31+$0xFFFFFD00] =	vst v3  }
0xf2: {  	v3 =	vld.idx.msk [tilespmem:v54+s9+$0x0], $0xffff  }
0xf3: {  	v55 =	vor.u32 $0x6, v2;
	_ =	sdelay $0x3  }
0xf4: {  	[tilespmem:s31+$0xFFFFFD40] =	vst v3  }
0xf5: {  	v3 =	vld.idx.msk [tilespmem:v55+s9+$0x0], $0xffff  }
0xf6: {  	v56 =	vor.u32 $0x7, v2;
	_ =	sdelay $0x3  }
0xf7: {  	[tilespmem:s31+$0xFFFFFD80] =	vst v3  }
0xf8: {  	v3 =	vld.idx.msk [tilespmem:v56+s9+$0x0], $0xffff  }
0xf9: {  	v57 =	vor.u32 $0x8, v2;
	_ =	sdelay $0x3  }
0xfa: {  	[tilespmem:s31+$0xFFFFFDC0] =	vst v3  }
0xfb: {  	v3 =	vld.idx.msk [tilespmem:v57+s9+$0x0], $0xffff  }
0xfc: {  	v58 =	vor.u32 $0x9, v2;
	_ =	sdelay $0x3  }
0xfd: {  	[tilespmem:s31+$0xFFFFFE00] =	vst v3  }
0xfe: {  	v3 =	vld.idx.msk [tilespmem:v58+s9+$0x0], $0xffff  }
0xff: {  	v59 =	vor.u32 $0xA, v2;
	_ =	sdelay $0x3  }
0x100: {  	[tilespmem:s31+$0xFFFFFE40] =	vst v3  }
0x101: {  	v3 =	vld.idx.msk [tilespmem:v59+s9+$0x0], $0xffff  }
0x102: {  	v60 =	vor.u32 $0xB, v2;
	_ =	sdelay $0x3  }
0x103: {  	[tilespmem:s31+$0xFFFFFE80] =	vst v3  }
0x104: {  	v3 =	vld.idx.msk [tilespmem:v60+s9+$0x0], $0xffff  }
0x105: {  	v61 =	vor.u32 $0xC, v2;
	_ =	sdelay $0x3  }
0x106: {  	[tilespmem:s31+$0xFFFFFEC0] =	vst v3  }
0x107: {  	v3 =	vld.idx.msk [tilespmem:v61+s9+$0x0], $0xffff  }
0x108: {  	v62 =	vor.u32 $0xD, v2;
	_ =	sdelay $0x3  }
0x109: {  	[tilespmem:s31+$0xFFFFFF00] =	vst v3  }
0x10a: {  	v3 =	vld.idx.msk [tilespmem:v62+s9+$0x0], $0xffff  }
0x10b: {  	v63 =	vor.u32 $0xE, v2;
	_ =	sdelay $0x3  }
0x10c: {  	[tilespmem:s31+$0xFFFFFF40] =	vst v3  }
0x10d: {  	v3 =	vld.idx.msk [tilespmem:v63+s9+$0x0], $0xffff  }
0x10e: {  	v2 =	vor.u32 $0xF, v2;
	_ =	sdelay $0x3  }
0x10f: {  	s18 =	sadd.s32 $0x1, s18;
	[tilespmem:s31+$0xFFFFFF80] =	vst v3  }
0x110: {  	v1 =	vadd.s32 s18, v1;
	v2 =	vld.idx.msk [tilespmem:v2+s9+$0x0], $0xffff  }
0x111: {  	v1 =	vshll.u32 v1, $0x4;
	_ =	sdelay $0x3  }
0x112: {  	[tilespmem:s31+$0xFFFFFFC0] =	vst v2  }
0x113: {  	v2 =	vld.idx.msk [tilespmem:v1+s9+$0x0], $0xffff  }
0x114: {  	v3 =	vor.u32 $0x1, v1;
	_ =	sdelay $0x3  }
0x115: {  	[tilespmem:s31+$0x0] =	vst v2  }
0x116: {  	v2 =	vld.idx.msk [tilespmem:v3+s9+$0x0], $0xffff  }
0x117: {  	v3 =	vor.u32 $0x2, v1;
	_ =	sdelay $0x3  }
0x118: {  	[tilespmem:s31+$0x40] =	vst v2  }
0x119: {  	v2 =	vld.idx.msk [tilespmem:v3+s9+$0x0], $0xffff  }
0x11a: {  	v3 =	vor.u32 $0x3, v1;
	_ =	sdelay $0x3  }
0x11b: {  	[tilespmem:s31+$0x80] =	vst v2  }
0x11c: {  	v2 =	vld.idx.msk [tilespmem:v3+s9+$0x0], $0xffff  }
0x11d: {  	v3 =	vor.u32 $0x4, v1;
	_ =	sdelay $0x3  }
0x11e: {  	[tilespmem:s31+$0xC0] =	vst v2  }
0x11f: {  	v2 =	vld.idx.msk [tilespmem:v3+s9+$0x0], $0xffff  }
0x120: {  	v3 =	vor.u32 $0x5, v1;
	_ =	sdelay $0x3  }
0x121: {  	[tilespmem:s31+$0x100] =	vst v2  }
0x122: {  	v2 =	vld.idx.msk [tilespmem:v3+s9+$0x0], $0xffff  }
0x123: {  	v3 =	vor.u32 $0x6, v1;
	_ =	sdelay $0x3  }
0x124: {  	[tilespmem:s31+$0x140] =	vst v2  }
0x125: {  	v2 =	vld.idx.msk [tilespmem:v3+s9+$0x0], $0xffff  }
0x126: {  	v3 =	vor.u32 $0x7, v1;
	_ =	sdelay $0x3  }
0x127: {  	[tilespmem:s31+$0x180] =	vst v2  }
0x128: {  	v2 =	vld.idx.msk [tilespmem:v3+s9+$0x0], $0xffff  }
0x129: {  	v3 =	vor.u32 $0x8, v1;
	_ =	sdelay $0x3  }
0x12a: {  	[tilespmem:s31+$0x1C0] =	vst v2  }
0x12b: {  	v2 =	vld.idx.msk [tilespmem:v3+s9+$0x0], $0xffff  }
0x12c: {  	v3 =	vor.u32 $0x9, v1;
	_ =	sdelay $0x3  }
0x12d: {  	[tilespmem:s31+$0x200] =	vst v2  }
0x12e: {  	v2 =	vld.idx.msk [tilespmem:v3+s9+$0x0], $0xffff  }
0x12f: {  	v3 =	vor.u32 $0xA, v1;
	_ =	sdelay $0x3  }
0x130: {  	[tilespmem:s31+$0x240] =	vst v2  }
0x131: {  	v2 =	vld.idx.msk [tilespmem:v3+s9+$0x0], $0xffff  }
0x132: {  	v3 =	vor.u32 $0xB, v1;
	_ =	sdelay $0x3  }
0x133: {  	[tilespmem:s31+$0x280] =	vst v2  }
0x134: {  	v2 =	vld.idx.msk [tilespmem:v3+s9+$0x0], $0xffff  }
0x135: {  	v3 =	vor.u32 $0xC, v1;
	_ =	sdelay $0x3  }
0x136: {  	[tilespmem:s31+$0x2C0] =	vst v2  }
0x137: {  	v2 =	vld.idx.msk [tilespmem:v3+s9+$0x0], $0xffff  }
0x138: {  	v3 =	vor.u32 $0xD, v1;
	_ =	sdelay $0x3  }
0x139: {  	[tilespmem:s31+$0x300] =	vst v2  }
0x13a: {  	v2 =	vld.idx.msk [tilespmem:v3+s9+$0x0], $0xffff  }
0x13b: {  	v3 =	vor.u32 $0xE, v1;
	_ =	sdelay $0x3  }
0x13c: {  	[tilespmem:s31+$0x340] =	vst v2  }
0x13d: {  	v2 =	vld.idx.msk [tilespmem:v3+s9+$0x0], $0xffff  }
0x13e: {  	v1 =	vor.u32 $0xF, v1;
	_ =	sdelay $0x3  }
0x13f: {  	s17 =	sadd.s32 $0x1, s17;
	[tilespmem:s31+$0x380] =	vst v2  }
0x140: {  	p0 =	sne.s32 s17, $0x4;
	v1 =	vld.idx.msk [tilespmem:v1+s9+$0x0], $0xffff  }
.Ltmp1:
0x141: {  	_ = 	snop;
	(pc) =	sbr.rel @p0 .LBB2_3-.Ltmp1, $2  }
0x142: {  	_ =	sdelay $0x2  }
0x143: {  	s16 =	sadd.s32 $0x10, s16;
	[tilespmem:s31+$0x3C0] =	vst v1  }
0x144: {  	s15 =	sshll.u32 s14, $0x3;
	s14 =	sadd.s32 $0x1, s14  }
0x145: {  	p0 =	sne.s32 s14, $0x8  }
.Ltmp2:
0x146: {  	s15 =	sadd.s32 s15, s6;
	(pc) =	sbr.rel @p0 .LBB2_2-.Ltmp2, $4  }
0x147: {  	[hbm4b:s15+s11] =	stream.strided.scatter [tilespmem:s13], [sflag:$0x2], $0x6800, s12, s11, $0x38;
	[tilespmem:$0xD680] =	vst v63  }
0x148: {  	_ =	swait.ge [sflag:s8], $0x6800  }
0x149: {  	[sflag:s8] =	ssyncset.done $0x0  }
0x14a: {  	[sflag:s8] =	ssyncadd.s32 $0xFFFF9800  }
0x14b: {  	s3 =	sadd.s32 $0x1, s3  }
0x14c: {  	p0 =	sne.s32 s3, s7  }
.Ltmp3:
0x14d: {  	_ = 	snop;
	(pc) =	sbr.rel @p0 .LBB2_1-.Ltmp3, $1  }
0x14e: {  	_ =	sdelay $0x3  }
0x14f: {  	_ =	sfence.sel $0x180000  }
0x150: {  	[bflag:$0x0] =	sbarrier.arrive $0xFFFF  }
0x151: {  	p0 =	sne.s32 s1, $0x0;
	_ =	strace $0x9000004A  }
0x152: {  	s0 =	sadd.s32 @!p0 $0x100000, s0;
	[bflag:$0x2] =	sbarrier.arrive $0xFFFF  }
0x153: {  	[sflag:s0] =	ssyncadd.tile.s32 @!p0 $0x1;
	_ =	shalt  }
.Lfunc_end2:
_tile_overlayer_lowered:
.L_overlay_start_2:
0x154: {  	(tag) =	ssettag $0x2  }
0x155: {  	s0 =	rddreg [dreg:$0x0];
	s2 =	stileid.u32  }
0x156: {  	s1 =	rddreg [dreg:$0x1];
	p0 =	sne.s32 s2, $0x0  }
0x157: {  	s3 =	rddreg [dreg:$0x2];
	[bflag:$0x3] =	sbarrier.arrive $0xFFFF;
	s2 =	simm.s32 @!p0 $0x1C02  }
0x158: {  	[timem:s3], [sflag:s2] =	dma.local @!p0 [hbm:s0], s1  }
0x159: {  	s0 =	simm.s32 @!p0 $0x2  }
0x15a: {  	_ =	swait.ge @!p0 [sflag:s0], s1  }
0x15b: {  	s1 =	ssub.s32 @!p0 $0x0, s1;
	[sflag:s0] =	ssyncset.done @!p0 $0x0  }
0x15c: {  	[sflag:s0] =	ssyncadd.s32 @!p0 s1  }
0x15d: {  	[bflag:$0x3] =	sbarrier.arrive $0xFFFF  }
0x15e: {  	_ =	shalt  }

</sc_bundles>
